<compile_context>
chip_gen: v7x
topology: tpu7x:2x2x1
jax: 0.10.2.dev20260603
libtpu: 0.0.44.dev20260713+nightly
codegen_flags: <defaults>
</compile_context>

<pallas_src>
import functools

import jax
import jax.numpy as jnp
from jax import lax
from jax.experimental import pallas as pl
from jax.experimental.pallas import tpu as pltpu
from jax.experimental.pallas import tpu_sc as plsc

_NUM_CORES = 2
_NUM_SUBCORES = 16
_NUM_WORKERS = _NUM_CORES * _NUM_SUBCORES
_LANES = 16

_BT = 256


def _gate_body(x_ref, gw_ref, out_ref):
    out_ref[...] = lax.dot_general(
        gw_ref[...], x_ref[...], (((1,), (1,)), ((), ())),
        preferred_element_type=jnp.float32)


def _make_router(T, E):
    chunk = T // _NUM_WORKERS
    mesh = plsc.VectorSubcoreMesh(core_axis_name="c", subcore_axis_name="s")

    @functools.partial(
        pl.kernel,
        mesh=mesh,
        out_type=(
            jax.ShapeDtypeStruct((T,), jnp.int32),
            jax.ShapeDtypeStruct((T,), jnp.int32),
            jax.ShapeDtypeStruct((T,), jnp.float32),
            jax.ShapeDtypeStruct((T,), jnp.float32),
        ),
        scratch_types=[
            pltpu.VMEM((E, chunk), jnp.float32),
            pltpu.VMEM((chunk,), jnp.int32),
            pltpu.VMEM((chunk,), jnp.int32),
            pltpu.VMEM((chunk,), jnp.float32),
            pltpu.VMEM((chunk,), jnp.float32),
        ],
    )
    def router(logits_hbm, i0_hbm, i1_hbm, w0_hbm, w1_hbm,
               lv, i0v, i1v, w0v, w1v):
        wid = lax.axis_index("s") * _NUM_CORES + lax.axis_index("c")
        base = wid * chunk
        pltpu.sync_copy(logits_hbm.at[:, pl.ds(base, chunk)], lv)
        for g in range(chunk // _LANES):
            sl = pl.ds(g * _LANES, _LANES)
            ls = [lv[e, sl] for e in range(E)]
            best = ls[0]
            bidx = jnp.zeros((_LANES,), jnp.int32)
            sec = jnp.full((_LANES,), -jnp.inf, jnp.float32)
            sidx = jnp.zeros((_LANES,), jnp.int32)
            for e in range(1, E):
                le = ls[e]
                evec = jnp.full((_LANES,), e, jnp.int32)
                gtb = le > best
                gts = le > sec
                sec = jnp.where(gtb, best, jnp.where(gts, le, sec))
                sidx = jnp.where(gtb, bidx, jnp.where(gts, evec, sidx))
                best = jnp.where(gtb, le, best)
                bidx = jnp.where(gtb, evec, bidx)
            z = jnp.full((_LANES,), 0.0, jnp.float32)
            for e in range(E):
                z = z + jnp.exp(ls[e] - best)
            pb = 1.0 / z
            ps = jnp.exp(sec - best) / z
            den = pb + ps + 1e-20
            i0v[sl] = bidx
            i1v[sl] = sidx
            w0v[sl] = pb / den
            w1v[sl] = ps / den
        pltpu.sync_copy(i0v, i0_hbm.at[pl.ds(base, chunk)])
        pltpu.sync_copy(i1v, i1_hbm.at[pl.ds(base, chunk)])
        pltpu.sync_copy(w0v, w0_hbm.at[pl.ds(base, chunk)])
        pltpu.sync_copy(w1v, w1_hbm.at[pl.ds(base, chunk)])

    return router


def _pre_body(x_ref, w1_ref, b1_ref, ws1_ref, bs1_ref, ws2_ref, bs2_ref,
              h_ref, s_ref):
    xb = x_ref[...].astype(jnp.bfloat16)
    h = jnp.maximum(
        jnp.dot(xb, w1_ref[...], preferred_element_type=jnp.float32)
        + b1_ref[...], 0.0)
    h_ref[...] = h.astype(jnp.bfloat16)
    s = jnp.maximum(
        jnp.dot(xb, ws1_ref[...], preferred_element_type=jnp.float32)
        + bs1_ref[...], 0.0)
    s = jnp.dot(s.astype(jnp.bfloat16), ws2_ref[...],
                preferred_element_type=jnp.float32) + bs2_ref[...]
    s_ref[...] = s.astype(jnp.bfloat16)


def _post_body(E, H, h_ref, s_ref, w2_ref, b2_ref,
               i0_ref, i1_ref, w0_ref, w1w_ref, out_ref):
    i0 = i0_ref[...]
    i1 = i1_ref[...]
    w0 = w0_ref[...]
    w1w = w1w_ref[...]
    eidx = lax.broadcasted_iota(jnp.int32, (_BT, E * H), 1) // H
    gate = (jnp.where(eidx == i0, w0, 0.0)
            + jnp.where(eidx == i1, w1w, 0.0))
    hw = (h_ref[...].astype(jnp.float32) * gate).astype(jnp.bfloat16)
    y = jnp.dot(hw, w2_ref[...], preferred_element_type=jnp.float32)
    e8 = lax.broadcasted_iota(jnp.int32, (_BT, E), 1)
    mv = (jnp.where(e8 == i0, w0, 0.0)
          + jnp.where(e8 == i1, w1w, 0.0))
    y = y + jnp.dot(mv, b2_ref[...], preferred_element_type=jnp.float32)
    out_ref[...] = y + s_ref[...].astype(jnp.float32)


def kernel(hidden_states, gate_w, w1, b1, w2, b2, ws1, bs1, ws2, bs2):
    b, s, d = hidden_states.shape
    T = b * s
    E, D, H = w1.shape
    EH = E * H
    HS = ws1.shape[1]
    x = hidden_states.reshape(T, d)

    logits_t = pl.pallas_call(
        _gate_body,
        grid=(T // _BT,),
        in_specs=[
            pl.BlockSpec((_BT, D), lambda i: (i, 0)),
            pl.BlockSpec((E, D), lambda i: (0, 0)),
        ],
        out_specs=pl.BlockSpec((E, _BT), lambda i: (0, i)),
        out_shape=jax.ShapeDtypeStruct((E, T), jnp.float32),
    )(x, gate_w)

    i0, i1, wt0, wt1 = _make_router(T, E)(logits_t)
    i0 = i0.reshape(T, 1)
    i1 = i1.reshape(T, 1)
    wt0 = wt0.reshape(T, 1)
    wt1 = wt1.reshape(T, 1)

    w1f = w1.transpose(1, 0, 2).reshape(D, EH).astype(jnp.bfloat16)
    b1f = b1.reshape(1, EH)
    h_all, s_all = pl.pallas_call(
        _pre_body,
        grid=(T // _BT,),
        in_specs=[
            pl.BlockSpec((_BT, D), lambda i: (i, 0)),
            pl.BlockSpec((D, EH), lambda i: (0, 0)),
            pl.BlockSpec((1, EH), lambda i: (0, 0)),
            pl.BlockSpec((D, HS), lambda i: (0, 0)),
            pl.BlockSpec((1, HS), lambda i: (0, 0)),
            pl.BlockSpec((HS, D), lambda i: (0, 0)),
            pl.BlockSpec((1, D), lambda i: (0, 0)),
        ],
        out_specs=(
            pl.BlockSpec((_BT, EH), lambda i: (i, 0)),
            pl.BlockSpec((_BT, D), lambda i: (i, 0)),
        ),
        out_shape=(
            jax.ShapeDtypeStruct((T, EH), jnp.bfloat16),
            jax.ShapeDtypeStruct((T, D), jnp.bfloat16),
        ),
    )(x, w1f, b1f, ws1.astype(jnp.bfloat16), bs1.reshape(1, HS),
      ws2.astype(jnp.bfloat16), bs2.reshape(1, D))

    out = pl.pallas_call(
        functools.partial(_post_body, E, H),
        grid=(T // _BT,),
        in_specs=[
            pl.BlockSpec((_BT, EH), lambda i: (i, 0)),
            pl.BlockSpec((_BT, D), lambda i: (i, 0)),
            pl.BlockSpec((EH, D), lambda i: (0, 0)),
            pl.BlockSpec((E, D), lambda i: (0, 0)),
            pl.BlockSpec((_BT, 1), lambda i: (i, 0)),
            pl.BlockSpec((_BT, 1), lambda i: (i, 0)),
            pl.BlockSpec((_BT, 1), lambda i: (i, 0)),
            pl.BlockSpec((_BT, 1), lambda i: (i, 0)),
        ],
        out_specs=pl.BlockSpec((_BT, D), lambda i: (i, 0)),
        out_shape=jax.ShapeDtypeStruct((T, D), jnp.float32),
    )(h_all, s_all, w2.reshape(EH, D).astype(jnp.bfloat16), b2,
      i0, i1, wt0, wt1)

    return out.reshape(b, s, d)

# --- scband reference (transcript-rebuilt; emitter-appended) ---
"""Pipeline reference for scband-flashsc-gptlayer-21955872817239 (READ-ONLY COPY).

The authoritative reference and input builder live on the scoring server;
editing this copy changes nothing except your own understanding.
"""

import jax, jax.numpy as jnp
import numpy as np

B, S, D = 2, 2048, 2048
E = 8
TOP_K = 2
H_ROUTED = 128
H_SHARED = 512


def setup_inputs(seed: int = 0) -> dict:
    key = jax.random.key(seed)
    ks = jax.random.split(key, 12)
    hidden_states = jax.random.normal(ks[0], (B, S, D), dtype=jnp.float32)
    gate_w = jax.random.normal(ks[1], (E, D), dtype=jnp.float32) * 0.02
    w1 = jax.random.normal(ks[2], (E, D, H_ROUTED), dtype=jnp.float32) * 0.02
    b1 = jnp.zeros((E, H_ROUTED), dtype=jnp.float32)
    w2 = jax.random.normal(ks[3], (E, H_ROUTED, D), dtype=jnp.float32) * 0.02
    b2 = jnp.zeros((E, D), dtype=jnp.float32)
    ws1 = jax.random.normal(ks[4], (D, H_SHARED), dtype=jnp.float32) * 0.02
    bs1 = jnp.zeros((H_SHARED,), dtype=jnp.float32)
    ws2 = jax.random.normal(ks[5], (H_SHARED, D), dtype=jnp.float32) * 0.02
    bs2 = jnp.zeros((D,), dtype=jnp.float32)
    return {
        "hidden_states": hidden_states,
        "gate_w": gate_w,
        "w1": w1, "b1": b1, "w2": w2, "b2": b2,
        "ws1": ws1, "bs1": bs1, "ws2": ws2, "bs2": bs2,
    }


def reference(hidden_states, gate_w, w1, b1, w2, b2, ws1, bs1, ws2, bs2):
    # FFNMoE forward (eval path, dropout=0), math-equivalent dense formulation
    b, s, d = hidden_states.shape
    x = hidden_states.reshape(-1, d)  # [T, D]
    # MOEGate: logits -> softmax -> topk -> normalize
    logits = x @ gate_w.T  # [T, E]
    scores = jax.nn.softmax(logits, axis=-1)
    topk_w, topk_idx = jax.lax.top_k(scores, TOP_K)  # [T, K]
    topk_w = topk_w / (jnp.sum(topk_w, axis=-1, keepdims=True) + 1e-20)
    # Routed experts: fc1 -> relu -> fc2 for every expert on every token,
    # then gather the top-k expert outputs per token and mix by topk weights.
    h = jnp.einsum('td,edh->eth', x, w1) + b1[:, None, :]  # [E, T, H]
    h = jax.nn.relu(h)
    y_all = jnp.einsum('eth,ehd->etd', h, w2) + b2[:, None, :]  # [E, T, D]
    y_all = jnp.transpose(y_all, (1, 0, 2))  # [T, E, D]
    gathered = jnp.take_along_axis(y_all, topk_idx[:, :, None], axis=1)  # [T, K, D]
    y = jnp.sum(gathered * topk_w[:, :, None], axis=1)  # [T, D]
    # Shared expert on identity path
    shared = jax.nn.relu(x @ ws1 + bs1) @ ws2 + bs2  # [T, D]
    out = (y + shared).reshape(b, s, d)
    return out

if __name__ == "__main__":
    import jax
    _d = setup_inputs()
    print(jax.jit(kernel)(*tuple(_d.values())))

</pallas_src>

<mosaic_0001>
#map = affine_map<(d0, d1) -> (0, 0)>
#map1 = affine_map<(d0, d1) -> (0)>
module attributes {stable_mosaic.version = 14 : i64} {
  func.func @router(%arg0: i32, %arg1: i32, %arg2: memref<8x4096xf32, #tpu.memory_space<hbm>>, %arg3: memref<4096xi32, #tpu.memory_space<hbm>>, %arg4: memref<4096xi32, #tpu.memory_space<hbm>>, %arg5: memref<4096xf32, #tpu.memory_space<hbm>>, %arg6: memref<4096xf32, #tpu.memory_space<hbm>>, %arg7: memref<8x128xf32, #tpu.memory_space<vmem>>, %arg8: memref<128xi32, #tpu.memory_space<vmem>>, %arg9: memref<128xi32, #tpu.memory_space<vmem>>, %arg10: memref<128xf32, #tpu.memory_space<vmem>>, %arg11: memref<128xf32, #tpu.memory_space<vmem>>) attributes {dimension_semantics = [#tpu.dimension_semantics<core_parallel>, #tpu.dimension_semantics<subcore_parallel>], iteration_bounds = array<i64: 2, 16>, scalar_prefetch = 0 : i64, scratch_operands = 5 : i64, tpu.core_type = #tpu.core_type<sc_vector_subcore>, window_params = [{transform_indices = #map}, {transform_indices = #map1}, {transform_indices = #map1}, {transform_indices = #map1}, {transform_indices = #map1}]} {
    %mul3A = arith.constant 2 : i32
    %mul3A_0 = arith.muli %arg1, %mul3A : i32
    %add3A = arith.addi %mul3A_0, %arg0 : i32
    %mul3A_1 = arith.constant 128 : i32
    %mul3A_2 = arith.muli %add3A, %mul3A_1 : i32
    "tpu.region"() ({
      %run_scoped3A = tpu.sem_alloc : memref<!tpu.dma_semaphore, #tpu.memory_space<semaphore_mem>>
      %dma_start3A = arith.constant 0 : i32
      %dma_start3A_1355 = tpu.memref_slice %arg2[%dma_start3A, %mul3A_2] : memref<8x4096xf32, #tpu.memory_space<hbm>> -> memref<8x128xf32, #tpu.memory_space<hbm>>
      %dma_start3A_1356 = arith.constant 0 : i32
      %dma_start3A_1357 = tpu.memref_slice %arg2[%dma_start3A_1356, %mul3A_2] : memref<8x4096xf32, #tpu.memory_space<hbm>> -> memref<8x128xf32, #tpu.memory_space<hbm>>
      tpu.enqueue_dma source(%dma_start3A_1357 : memref<8x128xf32, #tpu.memory_space<hbm>>) target(%arg7 : memref<8x128xf32, #tpu.memory_space<vmem>>) target_semaphore(%run_scoped3A : memref<!tpu.dma_semaphore, #tpu.memory_space<semaphore_mem>>)
      %dma_wait3A = arith.constant 0 : i32
      %dma_wait3A_1358 = tpu.memref_slice %arg2[%dma_wait3A, %mul3A_2] : memref<8x4096xf32, #tpu.memory_space<hbm>> -> memref<8x128xf32, #tpu.memory_space<hbm>>
      %dma_wait3A_1359 = arith.constant 0 : i32
      %dma_wait3A_1360 = tpu.memref_slice %arg2[%dma_wait3A_1359, %mul3A_2] : memref<8x4096xf32, #tpu.memory_space<hbm>> -> memref<8x128xf32, #tpu.memory_space<hbm>>
      tpu.wait_dma2 semaphore(%run_scoped3A : memref<!tpu.dma_semaphore, #tpu.memory_space<semaphore_mem>>) src(%dma_wait3A_1360 : memref<8x128xf32, #tpu.memory_space<hbm>>) dst(%arg7 : memref<8x128xf32, #tpu.memory_space<vmem>>)
      tpu.yield
    }) : () -> ()
    %get3A = arith.constant 0 : i32
    %get3A_3 = arith.index_cast %get3A : i32 to index
    %get3A_4 = arith.constant 0 : index
    %get3A_5 = tpu.vector_load %arg7[%get3A_3, %get3A_4] {strides = array<i32>} : memref<8x128xf32, #tpu.memory_space<vmem>>, vector<1x16xf32>,
    %get3A_6 = vector.shape_cast %get3A_5 : vector<1x16xf32> to vector<16xf32>
    %get3A_7 = arith.constant 1 : i32
    %get3A_8 = arith.index_cast %get3A_7 : i32 to index
    %get3A_9 = arith.constant 0 : index
    %get3A_10 = tpu.vector_load %arg7[%get3A_8, %get3A_9] {strides = array<i32>} : memref<8x128xf32, #tpu.memory_space<vmem>>, vector<1x16xf32>,
    %get3A_11 = vector.shape_cast %get3A_10 : vector<1x16xf32> to vector<16xf32>
    %get3A_12 = arith.constant 2 : i32
    %get3A_13 = arith.index_cast %get3A_12 : i32 to index
    %get3A_14 = arith.constant 0 : index
    %get3A_15 = tpu.vector_load %arg7[%get3A_13, %get3A_14] {strides = array<i32>} : memref<8x128xf32, #tpu.memory_space<vmem>>, vector<1x16xf32>,
    %get3A_16 = vector.shape_cast %get3A_15 : vector<1x16xf32> to vector<16xf32>
    %get3A_17 = arith.constant 3 : i32
    %get3A_18 = arith.index_cast %get3A_17 : i32 to index
    %get3A_19 = arith.constant 0 : index
    %get3A_20 = tpu.vector_load %arg7[%get3A_18, %get3A_19] {strides = array<i32>} : memref<8x128xf32, #tpu.memory_space<vmem>>, vector<1x16xf32>,
    %get3A_21 = vector.shape_cast %get3A_20 : vector<1x16xf32> to vector<16xf32>
    %get3A_22 = arith.constant 4 : i32
    %get3A_23 = arith.index_cast %get3A_22 : i32 to index
    %get3A_24 = arith.constant 0 : index
    %get3A_25 = tpu.vector_load %arg7[%get3A_23, %get3A_24] {strides = array<i32>} : memref<8x128xf32, #tpu.memory_space<vmem>>, vector<1x16xf32>,
    %get3A_26 = vector.shape_cast %get3A_25 : vector<1x16xf32> to vector<16xf32>
    %get3A_27 = arith.constant 5 : i32
    %get3A_28 = arith.index_cast %get3A_27 : i32 to index
    %get3A_29 = arith.constant 0 : index
    %get3A_30 = tpu.vector_load %arg7[%get3A_28, %get3A_29] {strides = array<i32>} : memref<8x128xf32, #tpu.memory_space<vmem>>, vector<1x16xf32>,
    %get3A_31 = vector.shape_cast %get3A_30 : vector<1x16xf32> to vector<16xf32>
    %get3A_32 = arith.constant 6 : i32
    %get3A_33 = arith.index_cast %get3A_32 : i32 to index
    %get3A_34 = arith.constant 0 : index
    %get3A_35 = tpu.vector_load %arg7[%get3A_33, %get3A_34] {strides = array<i32>} : memref<8x128xf32, #tpu.memory_space<vmem>>, vector<1x16xf32>,
    %get3A_36 = vector.shape_cast %get3A_35 : vector<1x16xf32> to vector<16xf32>
    %get3A_37 = arith.constant 7 : i32
    %get3A_38 = arith.index_cast %get3A_37 : i32 to index
    %get3A_39 = arith.constant 0 : index
    %get3A_40 = tpu.vector_load %arg7[%get3A_38, %get3A_39] {strides = array<i32>} : memref<8x128xf32, #tpu.memory_space<vmem>>, vector<1x16xf32>,
    %get3A_41 = vector.shape_cast %get3A_40 : vector<1x16xf32> to vector<16xf32>
    %broadcast_in_dim3A = arith.constant 0 : i32
    %broadcast_in_dim3A_42 = vector.broadcast %broadcast_in_dim3A : i32 to vector<16xi32>
    %broadcast_in_dim3A_43 = arith.constant 0xFF800000 : f32
    %broadcast_in_dim3A_44 = vector.broadcast %broadcast_in_dim3A_43 : f32 to vector<16xf32>
    %broadcast_in_dim3A_45 = arith.constant 0 : i32
    %broadcast_in_dim3A_46 = vector.broadcast %broadcast_in_dim3A_45 : i32 to vector<16xi32>
    %broadcast_in_dim3A_47 = arith.constant 1 : i32
    %broadcast_in_dim3A_48 = vector.broadcast %broadcast_in_dim3A_47 : i32 to vector<16xi32>
    %gt3A = arith.cmpf ogt, %get3A_11, %get3A_6 : vector<16xf32>
    %gt3A_49 = arith.cmpf ogt, %get3A_11, %broadcast_in_dim3A_44 : vector<16xf32>
    %select_n3A = arith.select %gt3A_49, %get3A_11, %broadcast_in_dim3A_44 : vector<16xi1>, vector<16xf32>
    %select_n3A_50 = arith.select %gt3A, %get3A_6, %select_n3A : vector<16xi1>, vector<16xf32>
    %select_n3A_51 = arith.select %gt3A_49, %broadcast_in_dim3A_48, %broadcast_in_dim3A_46 : vector<16xi1>, vector<16xi32>
    %select_n3A_52 = arith.select %gt3A, %broadcast_in_dim3A_42, %select_n3A_51 : vector<16xi1>, vector<16xi32>
    %select_n3A_53 = arith.select %gt3A, %get3A_11, %get3A_6 : vector<16xi1>, vector<16xf32>
    %select_n3A_54 = arith.select %gt3A, %broadcast_in_dim3A_48, %broadcast_in_dim3A_42 : vector<16xi1>, vector<16xi32>
    %broadcast_in_dim3A_55 = arith.constant 2 : i32
    %broadcast_in_dim3A_56 = vector.broadcast %broadcast_in_dim3A_55 : i32 to vector<16xi32>
    %gt3A_57 = arith.cmpf ogt, %get3A_16, %select_n3A_53 : vector<16xf32>
    %gt3A_58 = arith.cmpf ogt, %get3A_16, %select_n3A_50 : vector<16xf32>
    %select_n3A_59 = arith.select %gt3A_58, %get3A_16, %select_n3A_50 : vector<16xi1>, vector<16xf32>
    %select_n3A_60 = arith.select %gt3A_57, %select_n3A_53, %select_n3A_59 : vector<16xi1>, vector<16xf32>
    %select_n3A_61 = arith.select %gt3A_58, %broadcast_in_dim3A_56, %select_n3A_52 : vector<16xi1>, vector<16xi32>
    %select_n3A_62 = arith.select %gt3A_57, %select_n3A_54, %select_n3A_61 : vector<16xi1>, vector<16xi32>
    %select_n3A_63 = arith.select %gt3A_57, %get3A_16, %select_n3A_53 : vector<16xi1>, vector<16xf32>
    %select_n3A_64 = arith.select %gt3A_57, %broadcast_in_dim3A_56, %select_n3A_54 : vector<16xi1>, vector<16xi32>
    %broadcast_in_dim3A_65 = arith.constant 3 : i32
    %broadcast_in_dim3A_66 = vector.broadcast %broadcast_in_dim3A_65 : i32 to vector<16xi32>
    %gt3A_67 = arith.cmpf ogt, %get3A_21, %select_n3A_63 : vector<16xf32>
    %gt3A_68 = arith.cmpf ogt, %get3A_21, %select_n3A_60 : vector<16xf32>
    %select_n3A_69 = arith.select %gt3A_68, %get3A_21, %select_n3A_60 : vector<16xi1>, vector<16xf32>
    %select_n3A_70 = arith.select %gt3A_67, %select_n3A_63, %select_n3A_69 : vector<16xi1>, vector<16xf32>
    %select_n3A_71 = arith.select %gt3A_68, %broadcast_in_dim3A_66, %select_n3A_62 : vector<16xi1>, vector<16xi32>
    %select_n3A_72 = arith.select %gt3A_67, %select_n3A_64, %select_n3A_71 : vector<16xi1>, vector<16xi32>
    %select_n3A_73 = arith.select %gt3A_67, %get3A_21, %select_n3A_63 : vector<16xi1>, vector<16xf32>
    %select_n3A_74 = arith.select %gt3A_67, %broadcast_in_dim3A_66, %select_n3A_64 : vector<16xi1>, vector<16xi32>
    %broadcast_in_dim3A_75 = arith.constant 4 : i32
    %broadcast_in_dim3A_76 = vector.broadcast %broadcast_in_dim3A_75 : i32 to vector<16xi32>
    %gt3A_77 = arith.cmpf ogt, %get3A_26, %select_n3A_73 : vector<16xf32>
    %gt3A_78 = arith.cmpf ogt, %get3A_26, %select_n3A_70 : vector<16xf32>
    %select_n3A_79 = arith.select %gt3A_78, %get3A_26, %select_n3A_70 : vector<16xi1>, vector<16xf32>
    %select_n3A_80 = arith.select %gt3A_77, %select_n3A_73, %select_n3A_79 : vector<16xi1>, vector<16xf32>
    %select_n3A_81 = arith.select %gt3A_78, %broadcast_in_dim3A_76, %select_n3A_72 : vector<16xi1>, vector<16xi32>
    %select_n3A_82 = arith.select %gt3A_77, %select_n3A_74, %select_n3A_81 : vector<16xi1>, vector<16xi32>
    %select_n3A_83 = arith.select %gt3A_77, %get3A_26, %select_n3A_73 : vector<16xi1>, vector<16xf32>
    %select_n3A_84 = arith.select %gt3A_77, %broadcast_in_dim3A_76, %select_n3A_74 : vector<16xi1>, vector<16xi32>
    %broadcast_in_dim3A_85 = arith.constant 5 : i32
    %broadcast_in_dim3A_86 = vector.broadcast %broadcast_in_dim3A_85 : i32 to vector<16xi32>
    %gt3A_87 = arith.cmpf ogt, %get3A_31, %select_n3A_83 : vector<16xf32>
    %gt3A_88 = arith.cmpf ogt, %get3A_31, %select_n3A_80 : vector<16xf32>
    %select_n3A_89 = arith.select %gt3A_88, %get3A_31, %select_n3A_80 : vector<16xi1>, vector<16xf32>
    %select_n3A_90 = arith.select %gt3A_87, %select_n3A_83, %select_n3A_89 : vector<16xi1>, vector<16xf32>
    %select_n3A_91 = arith.select %gt3A_88, %broadcast_in_dim3A_86, %select_n3A_82 : vector<16xi1>, vector<16xi32>
    %select_n3A_92 = arith.select %gt3A_87, %select_n3A_84, %select_n3A_91 : vector<16xi1>, vector<16xi32>
    %select_n3A_93 = arith.select %gt3A_87, %get3A_31, %select_n3A_83 : vector<16xi1>, vector<16xf32>
    %select_n3A_94 = arith.select %gt3A_87, %broadcast_in_dim3A_86, %select_n3A_84 : vector<16xi1>, vector<16xi32>
    %broadcast_in_dim3A_95 = arith.constant 6 : i32
    %broadcast_in_dim3A_96 = vector.broadcast %broadcast_in_dim3A_95 : i32 to vector<16xi32>
    %gt3A_97 = arith.cmpf ogt, %get3A_36, %select_n3A_93 : vector<16xf32>
    %gt3A_98 = arith.cmpf ogt, %get3A_36, %select_n3A_90 : vector<16xf32>
    %select_n3A_99 = arith.select %gt3A_98, %get3A_36, %select_n3A_90 : vector<16xi1>, vector<16xf32>
    %select_n3A_100 = arith.select %gt3A_97, %select_n3A_93, %select_n3A_99 : vector<16xi1>, vector<16xf32>
    %select_n3A_101 = arith.select %gt3A_98, %broadcast_in_dim3A_96, %select_n3A_92 : vector<16xi1>, vector<16xi32>
    %select_n3A_102 = arith.select %gt3A_97, %select_n3A_94, %select_n3A_101 : vector<16xi1>, vector<16xi32>
    %select_n3A_103 = arith.select %gt3A_97, %get3A_36, %select_n3A_93 : vector<16xi1>, vector<16xf32>
    %select_n3A_104 = arith.select %gt3A_97, %broadcast_in_dim3A_96, %select_n3A_94 : vector<16xi1>, vector<16xi32>
    %broadcast_in_dim3A_105 = arith.constant 7 : i32
    %broadcast_in_dim3A_106 = vector.broadcast %broadcast_in_dim3A_105 : i32 to vector<16xi32>
    %gt3A_107 = arith.cmpf ogt, %get3A_41, %select_n3A_103 : vector<16xf32>
    %gt3A_108 = arith.cmpf ogt, %get3A_41, %select_n3A_100 : vector<16xf32>
    %select_n3A_109 = arith.select %gt3A_108, %get3A_41, %select_n3A_100 : vector<16xi1>, vector<16xf32>
    %select_n3A_110 = arith.select %gt3A_107, %select_n3A_103, %select_n3A_109 : vector<16xi1>, vector<16xf32>
    %select_n3A_111 = arith.select %gt3A_108, %broadcast_in_dim3A_106, %select_n3A_102 : vector<16xi1>, vector<16xi32>
    %select_n3A_112 = arith.select %gt3A_107, %select_n3A_104, %select_n3A_111 : vector<16xi1>, vector<16xi32>
    %select_n3A_113 = arith.select %gt3A_107, %get3A_41, %select_n3A_103 : vector<16xi1>, vector<16xf32>
    %select_n3A_114 = arith.select %gt3A_107, %broadcast_in_dim3A_106, %select_n3A_104 : vector<16xi1>, vector<16xi32>
    %broadcast_in_dim3A_115 = arith.constant 0.000000e+00 : f32
    %broadcast_in_dim3A_116 = vector.broadcast %broadcast_in_dim3A_115 : f32 to vector<16xf32>
    %sub3A = arith.subf %get3A_6, %select_n3A_113 : vector<16xf32>
    %exp3A = math.exp %sub3A : vector<16xf32>
    %add3A_117 = arith.addf %broadcast_in_dim3A_116, %exp3A : vector<16xf32>
    %sub3A_118 = arith.subf %get3A_11, %select_n3A_113 : vector<16xf32>
    %exp3A_119 = math.exp %sub3A_118 : vector<16xf32>
    %add3A_120 = arith.addf %add3A_117, %exp3A_119 : vector<16xf32>
    %sub3A_121 = arith.subf %get3A_16, %select_n3A_113 : vector<16xf32>
    %exp3A_122 = math.exp %sub3A_121 : vector<16xf32>
    %add3A_123 = arith.addf %add3A_120, %exp3A_122 : vector<16xf32>
    %sub3A_124 = arith.subf %get3A_21, %select_n3A_113 : vector<16xf32>
    %exp3A_125 = math.exp %sub3A_124 : vector<16xf32>
    %add3A_126 = arith.addf %add3A_123, %exp3A_125 : vector<16xf32>
    %sub3A_127 = arith.subf %get3A_26, %select_n3A_113 : vector<16xf32>
    %exp3A_128 = math.exp %sub3A_127 : vector<16xf32>
    %add3A_129 = arith.addf %add3A_126, %exp3A_128 : vector<16xf32>
    %sub3A_130 = arith.subf %get3A_31, %select_n3A_113 : vector<16xf32>
    %exp3A_131 = math.exp %sub3A_130 : vector<16xf32>
    %add3A_132 = arith.addf %add3A_129, %exp3A_131 : vector<16xf32>
    %sub3A_133 = arith.subf %get3A_36, %select_n3A_113 : vector<16xf32>
    %exp3A_134 = math.exp %sub3A_133 : vector<16xf32>
    %add3A_135 = arith.addf %add3A_132, %exp3A_134 : vector<16xf32>
    %sub3A_136 = arith.subf %get3A_41, %select_n3A_113 : vector<16xf32>
    %exp3A_137 = math.exp %sub3A_136 : vector<16xf32>
    %add3A_138 = arith.addf %add3A_135, %exp3A_137 : vector<16xf32>
    %div3A = arith.constant 1.000000e+00 : f32
    %div3A_139 = vector.broadcast %div3A : f32 to vector<16xf32>
    %div3A_140 = arith.divf %div3A_139, %add3A_138 : vector<16xf32>
    %sub3A_141 = arith.subf %select_n3A_110, %select_n3A_113 : vector<16xf32>
    %exp3A_142 = math.exp %sub3A_141 : vector<16xf32>
    %div3A_143 = arith.divf %exp3A_142, %add3A_138 : vector<16xf32>
    %add3A_144 = arith.addf %div3A_140, %div3A_143 : vector<16xf32>
    %add3A_145 = arith.constant 9.99999968E-21 : f32
    %add3A_146 = vector.broadcast %add3A_145 : f32 to vector<16xf32>
    %add3A_147 = arith.addf %add3A_144, %add3A_146 : vector<16xf32>
    %swap3A = arith.constant 0 : index
    %swap3A_148 = tpu.vector_load %arg8[%swap3A] {strides = array<i32>} : memref<128xi32, #tpu.memory_space<vmem>>, vector<16xi32>,
    %swap3A_149 = vector.shape_cast %swap3A_148 : vector<16xi32> to vector<16xi32>
    %swap3A_150 = vector.shape_cast %select_n3A_114 : vector<16xi32> to vector<16xi32>
    tpu.vector_store %arg8[%swap3A], %swap3A_150 {strides = array<i32>} : memref<128xi32, #tpu.memory_space<vmem>>, vector<16xi32>,
    %swap3A_151 = arith.constant 0 : index
    %swap3A_152 = tpu.vector_load %arg9[%swap3A_151] {strides = array<i32>} : memref<128xi32, #tpu.memory_space<vmem>>, vector<16xi32>,
    %swap3A_153 = vector.shape_cast %swap3A_152 : vector<16xi32> to vector<16xi32>
    %swap3A_154 = vector.shape_cast %select_n3A_112 : vector<16xi32> to vector<16xi32>
    tpu.vector_store %arg9[%swap3A_151], %swap3A_154 {strides = array<i32>} : memref<128xi32, #tpu.memory_space<vmem>>, vector<16xi32>,
    %div3A_155 = arith.divf %div3A_140, %add3A_147 : vector<16xf32>
    %swap3A_156 = arith.constant 0 : index
    %swap3A_157 = tpu.vector_load %arg10[%swap3A_156] {strides = array<i32>} : memref<128xf32, #tpu.memory_space<vmem>>, vector<16xf32>,
    %swap3A_158 = vector.shape_cast %swap3A_157 : vector<16xf32> to vector<16xf32>
    %swap3A_159 = vector.shape_cast %div3A_155 : vector<16xf32> to vector<16xf32>
    tpu.vector_store %arg10[%swap3A_156], %swap3A_159 {strides = array<i32>} : memref<128xf32, #tpu.memory_space<vmem>>, vector<16xf32>,
    %div3A_160 = arith.divf %div3A_143, %add3A_147 : vector<16xf32>
    %swap3A_161 = arith.constant 0 : index
    %swap3A_162 = tpu.vector_load %arg11[%swap3A_161] {strides = array<i32>} : memref<128xf32, #tpu.memory_space<vmem>>, vector<16xf32>,
    %swap3A_163 = vector.shape_cast %swap3A_162 : vector<16xf32> to vector<16xf32>
    %swap3A_164 = vector.shape_cast %div3A_160 : vector<16xf32> to vector<16xf32>
    tpu.vector_store %arg11[%swap3A_161], %swap3A_164 {strides = array<i32>} : memref<128xf32, #tpu.memory_space<vmem>>, vector<16xf32>,
    %get3A_165 = arith.constant 0 : i32
    %get3A_166 = arith.index_cast %get3A_165 : i32 to index
    %get3A_167 = arith.constant 16 : index
    %get3A_168 = tpu.vector_load %arg7[%get3A_166, %get3A_167] {strides = array<i32>} : memref<8x128xf32, #tpu.memory_space<vmem>>, vector<1x16xf32>,
    %get3A_169 = vector.shape_cast %get3A_168 : vector<1x16xf32> to vector<16xf32>
    %get3A_170 = arith.constant 1 : i32
    %get3A_171 = arith.index_cast %get3A_170 : i32 to index
    %get3A_172 = arith.constant 16 : index
    %get3A_173 = tpu.vector_load %arg7[%get3A_171, %get3A_172] {strides = array<i32>} : memref<8x128xf32, #tpu.memory_space<vmem>>, vector<1x16xf32>,
    %get3A_174 = vector.shape_cast %get3A_173 : vector<1x16xf32> to vector<16xf32>
    %get3A_175 = arith.constant 2 : i32
    %get3A_176 = arith.index_cast %get3A_175 : i32 to index
    %get3A_177 = arith.constant 16 : index
    %get3A_178 = tpu.vector_load %arg7[%get3A_176, %get3A_177] {strides = array<i32>} : memref<8x128xf32, #tpu.memory_space<vmem>>, vector<1x16xf32>,
    %get3A_179 = vector.shape_cast %get3A_178 : vector<1x16xf32> to vector<16xf32>
    %get3A_180 = arith.constant 3 : i32
    %get3A_181 = arith.index_cast %get3A_180 : i32 to index
    %get3A_182 = arith.constant 16 : index
    %get3A_183 = tpu.vector_load %arg7[%get3A_181, %get3A_182] {strides = array<i32>} : memref<8x128xf32, #tpu.memory_space<vmem>>, vector<1x16xf32>,
    %get3A_184 = vector.shape_cast %get3A_183 : vector<1x16xf32> to vector<16xf32>
    %get3A_185 = arith.constant 4 : i32
    %get3A_186 = arith.index_cast %get3A_185 : i32 to index
    %get3A_187 = arith.constant 16 : index
    %get3A_188 = tpu.vector_load %arg7[%get3A_186, %get3A_187] {strides = array<i32>} : memref<8x128xf32, #tpu.memory_space<vmem>>, vector<1x16xf32>,
    %get3A_189 = vector.shape_cast %get3A_188 : vector<1x16xf32> to vector<16xf32>
    %get3A_190 = arith.constant 5 : i32
    %get3A_191 = arith.index_cast %get3A_190 : i32 to index
    %get3A_192 = arith.constant 16 : index
    %get3A_193 = tpu.vector_load %arg7[%get3A_191, %get3A_192] {strides = array<i32>} : memref<8x128xf32, #tpu.memory_space<vmem>>, vector<1x16xf32>,
    %get3A_194 = vector.shape_cast %get3A_193 : vector<1x16xf32> to vector<16xf32>
    %get3A_195 = arith.constant 6 : i32
    %get3A_196 = arith.index_cast %get3A_195 : i32 to index
    %get3A_197 = arith.constant 16 : index
    %get3A_198 = tpu.vector_load %arg7[%get3A_196, %get3A_197] {strides = array<i32>} : memref<8x128xf32, #tpu.memory_space<vmem>>, vector<1x16xf32>,
    %get3A_199 = vector.shape_cast %get3A_198 : vector<1x16xf32> to vector<16xf32>
    %get3A_200 = arith.constant 7 : i32
    %get3A_201 = arith.index_cast %get3A_200 : i32 to index
    %get3A_202 = arith.constant 16 : index
    %get3A_203 = tpu.vector_load %arg7[%get3A_201, %get3A_202] {strides = array<i32>} : memref<8x128xf32, #tpu.memory_space<vmem>>, vector<1x16xf32>,
    %get3A_204 = vector.shape_cast %get3A_203 : vector<1x16xf32> to vector<16xf32>
    %broadcast_in_dim3A_205 = arith.constant 0 : i32
    %broadcast_in_dim3A_206 = vector.broadcast %broadcast_in_dim3A_205 : i32 to vector<16xi32>
    %broadcast_in_dim3A_207 = arith.constant 0xFF800000 : f32
    %broadcast_in_dim3A_208 = vector.broadcast %broadcast_in_dim3A_207 : f32 to vector<16xf32>
    %broadcast_in_dim3A_209 = arith.constant 0 : i32
    %broadcast_in_dim3A_210 = vector.broadcast %broadcast_in_dim3A_209 : i32 to vector<16xi32>
    %broadcast_in_dim3A_211 = arith.constant 1 : i32
    %broadcast_in_dim3A_212 = vector.broadcast %broadcast_in_dim3A_211 : i32 to vector<16xi32>
    %gt3A_213 = arith.cmpf ogt, %get3A_174, %get3A_169 : vector<16xf32>
    %gt3A_214 = arith.cmpf ogt, %get3A_174, %broadcast_in_dim3A_208 : vector<16xf32>
    %select_n3A_215 = arith.select %gt3A_214, %get3A_174, %broadcast_in_dim3A_208 : vector<16xi1>, vector<16xf32>
    %select_n3A_216 = arith.select %gt3A_213, %get3A_169, %select_n3A_215 : vector<16xi1>, vector<16xf32>
    %select_n3A_217 = arith.select %gt3A_214, %broadcast_in_dim3A_212, %broadcast_in_dim3A_210 : vector<16xi1>, vector<16xi32>
    %select_n3A_218 = arith.select %gt3A_213, %broadcast_in_dim3A_206, %select_n3A_217 : vector<16xi1>, vector<16xi32>
    %select_n3A_219 = arith.select %gt3A_213, %get3A_174, %get3A_169 : vector<16xi1>, vector<16xf32>
    %select_n3A_220 = arith.select %gt3A_213, %broadcast_in_dim3A_212, %broadcast_in_dim3A_206 : vector<16xi1>, vector<16xi32>
    %broadcast_in_dim3A_221 = arith.constant 2 : i32
    %broadcast_in_dim3A_222 = vector.broadcast %broadcast_in_dim3A_221 : i32 to vector<16xi32>
    %gt3A_223 = arith.cmpf ogt, %get3A_179, %select_n3A_219 : vector<16xf32>
    %gt3A_224 = arith.cmpf ogt, %get3A_179, %select_n3A_216 : vector<16xf32>
    %select_n3A_225 = arith.select %gt3A_224, %get3A_179, %select_n3A_216 : vector<16xi1>, vector<16xf32>
    %select_n3A_226 = arith.select %gt3A_223, %select_n3A_219, %select_n3A_225 : vector<16xi1>, vector<16xf32>
    %select_n3A_227 = arith.select %gt3A_224, %broadcast_in_dim3A_222, %select_n3A_218 : vector<16xi1>, vector<16xi32>
    %select_n3A_228 = arith.select %gt3A_223, %select_n3A_220, %select_n3A_227 : vector<16xi1>, vector<16xi32>
    %select_n3A_229 = arith.select %gt3A_223, %get3A_179, %select_n3A_219 : vector<16xi1>, vector<16xf32>
    %select_n3A_230 = arith.select %gt3A_223, %broadcast_in_dim3A_222, %select_n3A_220 : vector<16xi1>, vector<16xi32>
    %broadcast_in_dim3A_231 = arith.constant 3 : i32
    %broadcast_in_dim3A_232 = vector.broadcast %broadcast_in_dim3A_231 : i32 to vector<16xi32>
    %gt3A_233 = arith.cmpf ogt, %get3A_184, %select_n3A_229 : vector<16xf32>
    %gt3A_234 = arith.cmpf ogt, %get3A_184, %select_n3A_226 : vector<16xf32>
    %select_n3A_235 = arith.select %gt3A_234, %get3A_184, %select_n3A_226 : vector<16xi1>, vector<16xf32>
    %select_n3A_236 = arith.select %gt3A_233, %select_n3A_229, %select_n3A_235 : vector<16xi1>, vector<16xf32>
    %select_n3A_237 = arith.select %gt3A_234, %broadcast_in_dim3A_232, %select_n3A_228 : vector<16xi1>, vector<16xi32>
    %select_n3A_238 = arith.select %gt3A_233, %select_n3A_230, %select_n3A_237 : vector<16xi1>, vector<16xi32>
    %select_n3A_239 = arith.select %gt3A_233, %get3A_184, %select_n3A_229 : vector<16xi1>, vector<16xf32>
    %select_n3A_240 = arith.select %gt3A_233, %broadcast_in_dim3A_232, %select_n3A_230 : vector<16xi1>, vector<16xi32>
    %broadcast_in_dim3A_241 = arith.constant 4 : i32
    %broadcast_in_dim3A_242 = vector.broadcast %broadcast_in_dim3A_241 : i32 to vector<16xi32>
    %gt3A_243 = arith.cmpf ogt, %get3A_189, %select_n3A_239 : vector<16xf32>
    %gt3A_244 = arith.cmpf ogt, %get3A_189, %select_n3A_236 : vector<16xf32>
    %select_n3A_245 = arith.select %gt3A_244, %get3A_189, %select_n3A_236 : vector<16xi1>, vector<16xf32>
    %select_n3A_246 = arith.select %gt3A_243, %select_n3A_239, %select_n3A_245 : vector<16xi1>, vector<16xf32>
    %select_n3A_247 = arith.select %gt3A_244, %broadcast_in_dim3A_242, %select_n3A_238 : vector<16xi1>, vector<16xi32>
    %select_n3A_248 = arith.select %gt3A_243, %select_n3A_240, %select_n3A_247 : vector<16xi1>, vector<16xi32>
    %select_n3A_249 = arith.select %gt3A_243, %get3A_189, %select_n3A_239 : vector<16xi1>, vector<16xf32>
    %select_n3A_250 = arith.select %gt3A_243, %broadcast_in_dim3A_242, %select_n3A_240 : vector<16xi1>, vector<16xi32>
    %broadcast_in_dim3A_251 = arith.constant 5 : i32
    %broadcast_in_dim3A_252 = vector.broadcast %broadcast_in_dim3A_251 : i32 to vector<16xi32>
    %gt3A_253 = arith.cmpf ogt, %get3A_194, %select_n3A_249 : vector<16xf32>
    %gt3A_254 = arith.cmpf ogt, %get3A_194, %select_n3A_246 : vector<16xf32>
    %select_n3A_255 = arith.select %gt3A_254, %get3A_194, %select_n3A_246 : vector<16xi1>, vector<16xf32>
    %select_n3A_256 = arith.select %gt3A_253, %select_n3A_249, %select_n3A_255 : vector<16xi1>, vector<16xf32>
    %select_n3A_257 = arith.select %gt3A_254, %broadcast_in_dim3A_252, %select_n3A_248 : vector<16xi1>, vector<16xi32>
    %select_n3A_258 = arith.select %gt3A_253, %select_n3A_250, %select_n3A_257 : vector<16xi1>, vector<16xi32>
    %select_n3A_259 = arith.select %gt3A_253, %get3A_194, %select_n3A_249 : vector<16xi1>, vector<16xf32>
    %select_n3A_260 = arith.select %gt3A_253, %broadcast_in_dim3A_252, %select_n3A_250 : vector<16xi1>, vector<16xi32>
    %broadcast_in_dim3A_261 = arith.constant 6 : i32
    %broadcast_in_dim3A_262 = vector.broadcast %broadcast_in_dim3A_261 : i32 to vector<16xi32>
    %gt3A_263 = arith.cmpf ogt, %get3A_199, %select_n3A_259 : vector<16xf32>
    %gt3A_264 = arith.cmpf ogt, %get3A_199, %select_n3A_256 : vector<16xf32>
    %select_n3A_265 = arith.select %gt3A_264, %get3A_199, %select_n3A_256 : vector<16xi1>, vector<16xf32>
    %select_n3A_266 = arith.select %gt3A_263, %select_n3A_259, %select_n3A_265 : vector<16xi1>, vector<16xf32>
    %select_n3A_267 = arith.select %gt3A_264, %broadcast_in_dim3A_262, %select_n3A_258 : vector<16xi1>, vector<16xi32>
    %select_n3A_268 = arith.select %gt3A_263, %select_n3A_260, %select_n3A_267 : vector<16xi1>, vector<16xi32>
    %select_n3A_269 = arith.select %gt3A_263, %get3A_199, %select_n3A_259 : vector<16xi1>, vector<16xf32>
    %select_n3A_270 = arith.select %gt3A_263, %broadcast_in_dim3A_262, %select_n3A_260 : vector<16xi1>, vector<16xi32>
    %broadcast_in_dim3A_271 = arith.constant 7 : i32
    %broadcast_in_dim3A_272 = vector.broadcast %broadcast_in_dim3A_271 : i32 to vector<16xi32>
    %gt3A_273 = arith.cmpf ogt, %get3A_204, %select_n3A_269 : vector<16xf32>
    %gt3A_274 = arith.cmpf ogt, %get3A_204, %select_n3A_266 : vector<16xf32>
    %select_n3A_275 = arith.select %gt3A_274, %get3A_204, %select_n3A_266 : vector<16xi1>, vector<16xf32>
    %select_n3A_276 = arith.select %gt3A_273, %select_n3A_269, %select_n3A_275 : vector<16xi1>, vector<16xf32>
    %select_n3A_277 = arith.select %gt3A_274, %broadcast_in_dim3A_272, %select_n3A_268 : vector<16xi1>, vector<16xi32>
    %select_n3A_278 = arith.select %gt3A_273, %select_n3A_270, %select_n3A_277 : vector<16xi1>, vector<16xi32>
    %select_n3A_279 = arith.select %gt3A_273, %get3A_204, %select_n3A_269 : vector<16xi1>, vector<16xf32>
    %select_n3A_280 = arith.select %gt3A_273, %broadcast_in_dim3A_272, %select_n3A_270 : vector<16xi1>, vector<16xi32>
    %broadcast_in_dim3A_281 = arith.constant 0.000000e+00 : f32
    %broadcast_in_dim3A_282 = vector.broadcast %broadcast_in_dim3A_281 : f32 to vector<16xf32>
    %sub3A_283 = arith.subf %get3A_169, %select_n3A_279 : vector<16xf32>
    %exp3A_284 = math.exp %sub3A_283 : vector<16xf32>
    %add3A_285 = arith.addf %broadcast_in_dim3A_282, %exp3A_284 : vector<16xf32>
    %sub3A_286 = arith.subf %get3A_174, %select_n3A_279 : vector<16xf32>
    %exp3A_287 = math.exp %sub3A_286 : vector<16xf32>
    %add3A_288 = arith.addf %add3A_285, %exp3A_287 : vector<16xf32>
    %sub3A_289 = arith.subf %get3A_179, %select_n3A_279 : vector<16xf32>
    %exp3A_290 = math.exp %sub3A_289 : vector<16xf32>
    %add3A_291 = arith.addf %add3A_288, %exp3A_290 : vector<16xf32>
    %sub3A_292 = arith.subf %get3A_184, %select_n3A_279 : vector<16xf32>
    %exp3A_293 = math.exp %sub3A_292 : vector<16xf32>
    %add3A_294 = arith.addf %add3A_291, %exp3A_293 : vector<16xf32>
    %sub3A_295 = arith.subf %get3A_189, %select_n3A_279 : vector<16xf32>
    %exp3A_296 = math.exp %sub3A_295 : vector<16xf32>
    %add3A_297 = arith.addf %add3A_294, %exp3A_296 : vector<16xf32>
    %sub3A_298 = arith.subf %get3A_194, %select_n3A_279 : vector<16xf32>
    %exp3A_299 = math.exp %sub3A_298 : vector<16xf32>
    %add3A_300 = arith.addf %add3A_297, %exp3A_299 : vector<16xf32>
    %sub3A_301 = arith.subf %get3A_199, %select_n3A_279 : vector<16xf32>
    %exp3A_302 = math.exp %sub3A_301 : vector<16xf32>
    %add3A_303 = arith.addf %add3A_300, %exp3A_302 : vector<16xf32>
    %sub3A_304 = arith.subf %get3A_204, %select_n3A_279 : vector<16xf32>
    %exp3A_305 = math.exp %sub3A_304 : vector<16xf32>
    %add3A_306 = arith.addf %add3A_303, %exp3A_305 : vector<16xf32>
    %div3A_307 = arith.constant 1.000000e+00 : f32
    %div3A_308 = vector.broadcast %div3A_307 : f32 to vector<16xf32>
    %div3A_309 = arith.divf %div3A_308, %add3A_306 : vector<16xf32>
    %sub3A_310 = arith.subf %select_n3A_276, %select_n3A_279 : vector<16xf32>
    %exp3A_311 = math.exp %sub3A_310 : vector<16xf32>
    %div3A_312 = arith.divf %exp3A_311, %add3A_306 : vector<16xf32>
    %add3A_313 = arith.addf %div3A_309, %div3A_312 : vector<16xf32>
    %add3A_314 = arith.constant 9.99999968E-21 : f32
    %add3A_315 = vector.broadcast %add3A_314 : f32 to vector<16xf32>
    %add3A_316 = arith.addf %add3A_313, %add3A_315 : vector<16xf32>
    %swap3A_317 = arith.constant 16 : index
    %swap3A_318 = tpu.vector_load %arg8[%swap3A_317] {strides = array<i32>} : memref<128xi32, #tpu.memory_space<vmem>>, vector<16xi32>,
    %swap3A_319 = vector.shape_cast %swap3A_318 : vector<16xi32> to vector<16xi32>
    %swap3A_320 = vector.shape_cast %select_n3A_280 : vector<16xi32> to vector<16xi32>
    tpu.vector_store %arg8[%swap3A_317], %swap3A_320 {strides = array<i32>} : memref<128xi32, #tpu.memory_space<vmem>>, vector<16xi32>,
    %swap3A_321 = arith.constant 16 : index
    %swap3A_322 = tpu.vector_load %arg9[%swap3A_321] {strides = array<i32>} : memref<128xi32, #tpu.memory_space<vmem>>, vector<16xi32>,
    %swap3A_323 = vector.shape_cast %swap3A_322 : vector<16xi32> to vector<16xi32>
    %swap3A_324 = vector.shape_cast %select_n3A_278 : vector<16xi32> to vector<16xi32>
    tpu.vector_store %arg9[%swap3A_321], %swap3A_324 {strides = array<i32>} : memref<128xi32, #tpu.memory_space<vmem>>, vector<16xi32>,
    %div3A_325 = arith.divf %div3A_309, %add3A_316 : vector<16xf32>
    %swap3A_326 = arith.constant 16 : index
    %swap3A_327 = tpu.vector_load %arg10[%swap3A_326] {strides = array<i32>} : memref<128xf32, #tpu.memory_space<vmem>>, vector<16xf32>,
    %swap3A_328 = vector.shape_cast %swap3A_327 : vector<16xf32> to vector<16xf32>
    %swap3A_329 = vector.shape_cast %div3A_325 : vector<16xf32> to vector<16xf32>
    tpu.vector_store %arg10[%swap3A_326], %swap3A_329 {strides = array<i32>} : memref<128xf32, #tpu.memory_space<vmem>>, vector<16xf32>,
    %div3A_330 = arith.divf %div3A_312, %add3A_316 : vector<16xf32>
    %swap3A_331 = arith.constant 16 : index
    %swap3A_332 = tpu.vector_load %arg11[%swap3A_331] {strides = array<i32>} : memref<128xf32, #tpu.memory_space<vmem>>, vector<16xf32>,
    %swap3A_333 = vector.shape_cast %swap3A_332 : vector<16xf32> to vector<16xf32>
    %swap3A_334 = vector.shape_cast %div3A_330 : vector<16xf32> to vector<16xf32>
    tpu.vector_store %arg11[%swap3A_331], %swap3A_334 {strides = array<i32>} : memref<128xf32, #tpu.memory_space<vmem>>, vector<16xf32>,
    %get3A_335 = arith.constant 0 : i32
    %get3A_336 = arith.index_cast %get3A_335 : i32 to index
    %get3A_337 = arith.constant 32 : index
    %get3A_338 = tpu.vector_load %arg7[%get3A_336, %get3A_337] {strides = array<i32>} : memref<8x128xf32, #tpu.memory_space<vmem>>, vector<1x16xf32>,
    %get3A_339 = vector.shape_cast %get3A_338 : vector<1x16xf32> to vector<16xf32>
    %get3A_340 = arith.constant 1 : i32
    %get3A_341 = arith.index_cast %get3A_340 : i32 to index
    %get3A_342 = arith.constant 32 : index
    %get3A_343 = tpu.vector_load %arg7[%get3A_341, %get3A_342] {strides = array<i32>} : memref<8x128xf32, #tpu.memory_space<vmem>>, vector<1x16xf32>,
    %get3A_344 = vector.shape_cast %get3A_343 : vector<1x16xf32> to vector<16xf32>
    %get3A_345 = arith.constant 2 : i32
    %get3A_346 = arith.index_cast %get3A_345 : i32 to index
    %get3A_347 = arith.constant 32 : index
    %get3A_348 = tpu.vector_load %arg7[%get3A_346, %get3A_347] {strides = array<i32>} : memref<8x128xf32, #tpu.memory_space<vmem>>, vector<1x16xf32>,
    %get3A_349 = vector.shape_cast %get3A_348 : vector<1x16xf32> to vector<16xf32>
    %get3A_350 = arith.constant 3 : i32
    %get3A_351 = arith.index_cast %get3A_350 : i32 to index
    %get3A_352 = arith.constant 32 : index
    %get3A_353 = tpu.vector_load %arg7[%get3A_351, %get3A_352] {strides = array<i32>} : memref<8x128xf32, #tpu.memory_space<vmem>>, vector<1x16xf32>,
    %get3A_354 = vector.shape_cast %get3A_353 : vector<1x16xf32> to vector<16xf32>
    %get3A_355 = arith.constant 4 : i32
    %get3A_356 = arith.index_cast %get3A_355 : i32 to index
    %get3A_357 = arith.constant 32 : index
    %get3A_358 = tpu.vector_load %arg7[%get3A_356, %get3A_357] {strides = array<i32>} : memref<8x128xf32, #tpu.memory_space<vmem>>, vector<1x16xf32>,
    %get3A_359 = vector.shape_cast %get3A_358 : vector<1x16xf32> to vector<16xf32>
    %get3A_360 = arith.constant 5 : i32
    %get3A_361 = arith.index_cast %get3A_360 : i32 to index
    %get3A_362 = arith.constant 32 : index
    %get3A_363 = tpu.vector_load %arg7[%get3A_361, %get3A_362] {strides = array<i32>} : memref<8x128xf32, #tpu.memory_space<vmem>>, vector<1x16xf32>,
    %get3A_364 = vector.shape_cast %get3A_363 : vector<1x16xf32> to vector<16xf32>
    %get3A_365 = arith.constant 6 : i32
    %get3A_366 = arith.index_cast %get3A_365 : i32 to index
    %get3A_367 = arith.constant 32 : index
    %get3A_368 = tpu.vector_load %arg7[%get3A_366, %get3A_367] {strides = array<i32>} : memref<8x128xf32, #tpu.memory_space<vmem>>, vector<1x16xf32>,
    %get3A_369 = vector.shape_cast %get3A_368 : vector<1x16xf32> to vector<16xf32>
    %get3A_370 = arith.constant 7 : i32
    %get3A_371 = arith.index_cast %get3A_370 : i32 to index
    %get3A_372 = arith.constant 32 : index
    %get3A_373 = tpu.vector_load %arg7[%get3A_371, %get3A_372] {strides = array<i32>} : memref<8x128xf32, #tpu.memory_space<vmem>>, vector<1x16xf32>,
    %get3A_374 = vector.shape_cast %get3A_373 : vector<1x16xf32> to vector<16xf32>
    %broadcast_in_dim3A_375 = arith.constant 0 : i32
    %broadcast_in_dim3A_376 = vector.broadcast %broadcast_in_dim3A_375 : i32 to vector<16xi32>
    %broadcast_in_dim3A_377 = arith.constant 0xFF800000 : f32
    %broadcast_in_dim3A_378 = vector.broadcast %broadcast_in_dim3A_377 : f32 to vector<16xf32>
    %broadcast_in_dim3A_379 = arith.constant 0 : i32
    %broadcast_in_dim3A_380 = vector.broadcast %broadcast_in_dim3A_379 : i32 to vector<16xi32>
    %broadcast_in_dim3A_381 = arith.constant 1 : i32
    %broadcast_in_dim3A_382 = vector.broadcast %broadcast_in_dim3A_381 : i32 to vector<16xi32>
    %gt3A_383 = arith.cmpf ogt, %get3A_344, %get3A_339 : vector<16xf32>
    %gt3A_384 = arith.cmpf ogt, %get3A_344, %broadcast_in_dim3A_378 : vector<16xf32>
    %select_n3A_385 = arith.select %gt3A_384, %get3A_344, %broadcast_in_dim3A_378 : vector<16xi1>, vector<16xf32>
    %select_n3A_386 = arith.select %gt3A_383, %get3A_339, %select_n3A_385 : vector<16xi1>, vector<16xf32>
    %select_n3A_387 = arith.select %gt3A_384, %broadcast_in_dim3A_382, %broadcast_in_dim3A_380 : vector<16xi1>, vector<16xi32>
    %select_n3A_388 = arith.select %gt3A_383, %broadcast_in_dim3A_376, %select_n3A_387 : vector<16xi1>, vector<16xi32>
    %select_n3A_389 = arith.select %gt3A_383, %get3A_344, %get3A_339 : vector<16xi1>, vector<16xf32>
    %select_n3A_390 = arith.select %gt3A_383, %broadcast_in_dim3A_382, %broadcast_in_dim3A_376 : vector<16xi1>, vector<16xi32>
    %broadcast_in_dim3A_391 = arith.constant 2 : i32
    %broadcast_in_dim3A_392 = vector.broadcast %broadcast_in_dim3A_391 : i32 to vector<16xi32>
    %gt3A_393 = arith.cmpf ogt, %get3A_349, %select_n3A_389 : vector<16xf32>
    %gt3A_394 = arith.cmpf ogt, %get3A_349, %select_n3A_386 : vector<16xf32>
    %select_n3A_395 = arith.select %gt3A_394, %get3A_349, %select_n3A_386 : vector<16xi1>, vector<16xf32>
    %select_n3A_396 = arith.select %gt3A_393, %select_n3A_389, %select_n3A_395 : vector<16xi1>, vector<16xf32>
    %select_n3A_397 = arith.select %gt3A_394, %broadcast_in_dim3A_392, %select_n3A_388 : vector<16xi1>, vector<16xi32>
    %select_n3A_398 = arith.select %gt3A_393, %select_n3A_390, %select_n3A_397 : vector<16xi1>, vector<16xi32>
    %select_n3A_399 = arith.select %gt3A_393, %get3A_349, %select_n3A_389 : vector<16xi1>, vector<16xf32>
    %select_n3A_400 = arith.select %gt3A_393, %broadcast_in_dim3A_392, %select_n3A_390 : vector<16xi1>, vector<16xi32>
    %broadcast_in_dim3A_401 = arith.constant 3 : i32
    %broadcast_in_dim3A_402 = vector.broadcast %broadcast_in_dim3A_401 : i32 to vector<16xi32>
    %gt3A_403 = arith.cmpf ogt, %get3A_354, %select_n3A_399 : vector<16xf32>
    %gt3A_404 = arith.cmpf ogt, %get3A_354, %select_n3A_396 : vector<16xf32>
    %select_n3A_405 = arith.select %gt3A_404, %get3A_354, %select_n3A_396 : vector<16xi1>, vector<16xf32>
    %select_n3A_406 = arith.select %gt3A_403, %select_n3A_399, %select_n3A_405 : vector<16xi1>, vector<16xf32>
    %select_n3A_407 = arith.select %gt3A_404, %broadcast_in_dim3A_402, %select_n3A_398 : vector<16xi1>, vector<16xi32>
    %select_n3A_408 = arith.select %gt3A_403, %select_n3A_400, %select_n3A_407 : vector<16xi1>, vector<16xi32>
    %select_n3A_409 = arith.select %gt3A_403, %get3A_354, %select_n3A_399 : vector<16xi1>, vector<16xf32>
    %select_n3A_410 = arith.select %gt3A_403, %broadcast_in_dim3A_402, %select_n3A_400 : vector<16xi1>, vector<16xi32>
    %broadcast_in_dim3A_411 = arith.constant 4 : i32
    %broadcast_in_dim3A_412 = vector.broadcast %broadcast_in_dim3A_411 : i32 to vector<16xi32>
    %gt3A_413 = arith.cmpf ogt, %get3A_359, %select_n3A_409 : vector<16xf32>
    %gt3A_414 = arith.cmpf ogt, %get3A_359, %select_n3A_406 : vector<16xf32>
    %select_n3A_415 = arith.select %gt3A_414, %get3A_359, %select_n3A_406 : vector<16xi1>, vector<16xf32>
    %select_n3A_416 = arith.select %gt3A_413, %select_n3A_409, %select_n3A_415 : vector<16xi1>, vector<16xf32>
    %select_n3A_417 = arith.select %gt3A_414, %broadcast_in_dim3A_412, %select_n3A_408 : vector<16xi1>, vector<16xi32>
    %select_n3A_418 = arith.select %gt3A_413, %select_n3A_410, %select_n3A_417 : vector<16xi1>, vector<16xi32>
    %select_n3A_419 = arith.select %gt3A_413, %get3A_359, %select_n3A_409 : vector<16xi1>, vector<16xf32>
    %select_n3A_420 = arith.select %gt3A_413, %broadcast_in_dim3A_412, %select_n3A_410 : vector<16xi1>, vector<16xi32>
    %broadcast_in_dim3A_421 = arith.constant 5 : i32
    %broadcast_in_dim3A_422 = vector.broadcast %broadcast_in_dim3A_421 : i32 to vector<16xi32>
    %gt3A_423 = arith.cmpf ogt, %get3A_364, %select_n3A_419 : vector<16xf32>
    %gt3A_424 = arith.cmpf ogt, %get3A_364, %select_n3A_416 : vector<16xf32>
    %select_n3A_425 = arith.select %gt3A_424, %get3A_364, %select_n3A_416 : vector<16xi1>, vector<16xf32>
    %select_n3A_426 = arith.select %gt3A_423, %select_n3A_419, %select_n3A_425 : vector<16xi1>, vector<16xf32>
    %select_n3A_427 = arith.select %gt3A_424, %broadcast_in_dim3A_422, %select_n3A_418 : vector<16xi1>, vector<16xi32>
    %select_n3A_428 = arith.select %gt3A_423, %select_n3A_420, %select_n3A_427 : vector<16xi1>, vector<16xi32>
    %select_n3A_429 = arith.select %gt3A_423, %get3A_364, %select_n3A_419 : vector<16xi1>, vector<16xf32>
    %select_n3A_430 = arith.select %gt3A_423, %broadcast_in_dim3A_422, %select_n3A_420 : vector<16xi1>, vector<16xi32>
    %broadcast_in_dim3A_431 = arith.constant 6 : i32
    %broadcast_in_dim3A_432 = vector.broadcast %broadcast_in_dim3A_431 : i32 to vector<16xi32>
    %gt3A_433 = arith.cmpf ogt, %get3A_369, %select_n3A_429 : vector<16xf32>
    %gt3A_434 = arith.cmpf ogt, %get3A_369, %select_n3A_426 : vector<16xf32>
    %select_n3A_435 = arith.select %gt3A_434, %get3A_369, %select_n3A_426 : vector<16xi1>, vector<16xf32>
    %select_n3A_436 = arith.select %gt3A_433, %select_n3A_429, %select_n3A_435 : vector<16xi1>, vector<16xf32>
    %select_n3A_437 = arith.select %gt3A_434, %broadcast_in_dim3A_432, %select_n3A_428 : vector<16xi1>, vector<16xi32>
    %select_n3A_438 = arith.select %gt3A_433, %select_n3A_430, %select_n3A_437 : vector<16xi1>, vector<16xi32>
    %select_n3A_439 = arith.select %gt3A_433, %get3A_369, %select_n3A_429 : vector<16xi1>, vector<16xf32>
    %select_n3A_440 = arith.select %gt3A_433, %broadcast_in_dim3A_432, %select_n3A_430 : vector<16xi1>, vector<16xi32>
    %broadcast_in_dim3A_441 = arith.constant 7 : i32
    %broadcast_in_dim3A_442 = vector.broadcast %broadcast_in_dim3A_441 : i32 to vector<16xi32>
    %gt3A_443 = arith.cmpf ogt, %get3A_374, %select_n3A_439 : vector<16xf32>
    %gt3A_444 = arith.cmpf ogt, %get3A_374, %select_n3A_436 : vector<16xf32>
    %select_n3A_445 = arith.select %gt3A_444, %get3A_374, %select_n3A_436 : vector<16xi1>, vector<16xf32>
    %select_n3A_446 = arith.select %gt3A_443, %select_n3A_439, %select_n3A_445 : vector<16xi1>, vector<16xf32>
    %select_n3A_447 = arith.select %gt3A_444, %broadcast_in_dim3A_442, %select_n3A_438 : vector<16xi1>, vector<16xi32>
    %select_n3A_448 = arith.select %gt3A_443, %select_n3A_440, %select_n3A_447 : vector<16xi1>, vector<16xi32>
    %select_n3A_449 = arith.select %gt3A_443, %get3A_374, %select_n3A_439 : vector<16xi1>, vector<16xf32>
    %select_n3A_450 = arith.select %gt3A_443, %broadcast_in_dim3A_442, %select_n3A_440 : vector<16xi1>, vector<16xi32>
    %broadcast_in_dim3A_451 = arith.constant 0.000000e+00 : f32
    %broadcast_in_dim3A_452 = vector.broadcast %broadcast_in_dim3A_451 : f32 to vector<16xf32>
    %sub3A_453 = arith.subf %get3A_339, %select_n3A_449 : vector<16xf32>
    %exp3A_454 = math.exp %sub3A_453 : vector<16xf32>
    %add3A_455 = arith.addf %broadcast_in_dim3A_452, %exp3A_454 : vector<16xf32>
    %sub3A_456 = arith.subf %get3A_344, %select_n3A_449 : vector<16xf32>
    %exp3A_457 = math.exp %sub3A_456 : vector<16xf32>
    %add3A_458 = arith.addf %add3A_455, %exp3A_457 : vector<16xf32>
    %sub3A_459 = arith.subf %get3A_349, %select_n3A_449 : vector<16xf32>
    %exp3A_460 = math.exp %sub3A_459 : vector<16xf32>
    %add3A_461 = arith.addf %add3A_458, %exp3A_460 : vector<16xf32>
    %sub3A_462 = arith.subf %get3A_354, %select_n3A_449 : vector<16xf32>
    %exp3A_463 = math.exp %sub3A_462 : vector<16xf32>
    %add3A_464 = arith.addf %add3A_461, %exp3A_463 : vector<16xf32>
    %sub3A_465 = arith.subf %get3A_359, %select_n3A_449 : vector<16xf32>
    %exp3A_466 = math.exp %sub3A_465 : vector<16xf32>
    %add3A_467 = arith.addf %add3A_464, %exp3A_466 : vector<16xf32>
    %sub3A_468 = arith.subf %get3A_364, %select_n3A_449 : vector<16xf32>
    %exp3A_469 = math.exp %sub3A_468 : vector<16xf32>
    %add3A_470 = arith.addf %add3A_467, %exp3A_469 : vector<16xf32>
    %sub3A_471 = arith.subf %get3A_369, %select_n3A_449 : vector<16xf32>
    %exp3A_472 = math.exp %sub3A_471 : vector<16xf32>
    %add3A_473 = arith.addf %add3A_470, %exp3A_472 : vector<16xf32>
    %sub3A_474 = arith.subf %get3A_374, %select_n3A_449 : vector<16xf32>
    %exp3A_475 = math.exp %sub3A_474 : vector<16xf32>
    %add3A_476 = arith.addf %add3A_473, %exp3A_475 : vector<16xf32>
    %div3A_477 = arith.constant 1.000000e+00 : f32
    %div3A_478 = vector.broadcast %div3A_477 : f32 to vector<16xf32>
    %div3A_479 = arith.divf %div3A_478, %add3A_476 : vector<16xf32>
    %sub3A_480 = arith.subf %select_n3A_446, %select_n3A_449 : vector<16xf32>
    %exp3A_481 = math.exp %sub3A_480 : vector<16xf32>
    %div3A_482 = arith.divf %exp3A_481, %add3A_476 : vector<16xf32>
    %add3A_483 = arith.addf %div3A_479, %div3A_482 : vector<16xf32>
    %add3A_484 = arith.constant 9.99999968E-21 : f32
    %add3A_485 = vector.broadcast %add3A_484 : f32 to vector<16xf32>
    %add3A_486 = arith.addf %add3A_483, %add3A_485 : vector<16xf32>
    %swap3A_487 = arith.constant 32 : index
    %swap3A_488 = tpu.vector_load %arg8[%swap3A_487] {strides = array<i32>} : memref<128xi32, #tpu.memory_space<vmem>>, vector<16xi32>,
    %swap3A_489 = vector.shape_cast %swap3A_488 : vector<16xi32> to vector<16xi32>
    %swap3A_490 = vector.shape_cast %select_n3A_450 : vector<16xi32> to vector<16xi32>
    tpu.vector_store %arg8[%swap3A_487], %swap3A_490 {strides = array<i32>} : memref<128xi32, #tpu.memory_space<vmem>>, vector<16xi32>,
    %swap3A_491 = arith.constant 32 : index
    %swap3A_492 = tpu.vector_load %arg9[%swap3A_491] {strides = array<i32>} : memref<128xi32, #tpu.memory_space<vmem>>, vector<16xi32>,
    %swap3A_493 = vector.shape_cast %swap3A_492 : vector<16xi32> to vector<16xi32>
    %swap3A_494 = vector.shape_cast %select_n3A_448 : vector<16xi32> to vector<16xi32>
    tpu.vector_store %arg9[%swap3A_491], %swap3A_494 {strides = array<i32>} : memref<128xi32, #tpu.memory_space<vmem>>, vector<16xi32>,
    %div3A_495 = arith.divf %div3A_479, %add3A_486 : vector<16xf32>
    %swap3A_496 = arith.constant 32 : index
    %swap3A_497 = tpu.vector_load %arg10[%swap3A_496] {strides = array<i32>} : memref<128xf32, #tpu.memory_space<vmem>>, vector<16xf32>,
    %swap3A_498 = vector.shape_cast %swap3A_497 : vector<16xf32> to vector<16xf32>
    %swap3A_499 = vector.shape_cast %div3A_495 : vector<16xf32> to vector<16xf32>
    tpu.vector_store %arg10[%swap3A_496], %swap3A_499 {strides = array<i32>} : memref<128xf32, #tpu.memory_space<vmem>>, vector<16xf32>,
    %div3A_500 = arith.divf %div3A_482, %add3A_486 : vector<16xf32>
    %swap3A_501 = arith.constant 32 : index
    %swap3A_502 = tpu.vector_load %arg11[%swap3A_501] {strides = array<i32>} : memref<128xf32, #tpu.memory_space<vmem>>, vector<16xf32>,
    %swap3A_503 = vector.shape_cast %swap3A_502 : vector<16xf32> to vector<16xf32>
    %swap3A_504 = vector.shape_cast %div3A_500 : vector<16xf32> to vector<16xf32>
    tpu.vector_store %arg11[%swap3A_501], %swap3A_504 {strides = array<i32>} : memref<128xf32, #tpu.memory_space<vmem>>, vector<16xf32>,
    %get3A_505 = arith.constant 0 : i32
    %get3A_506 = arith.index_cast %get3A_505 : i32 to index
    %get3A_507 = arith.constant 48 : index
    %get3A_508 = tpu.vector_load %arg7[%get3A_506, %get3A_507] {strides = array<i32>} : memref<8x128xf32, #tpu.memory_space<vmem>>, vector<1x16xf32>,
    %get3A_509 = vector.shape_cast %get3A_508 : vector<1x16xf32> to vector<16xf32>
    %get3A_510 = arith.constant 1 : i32
    %get3A_511 = arith.index_cast %get3A_510 : i32 to index
    %get3A_512 = arith.constant 48 : index
    %get3A_513 = tpu.vector_load %arg7[%get3A_511, %get3A_512] {strides = array<i32>} : memref<8x128xf32, #tpu.memory_space<vmem>>, vector<1x16xf32>,
    %get3A_514 = vector.shape_cast %get3A_513 : vector<1x16xf32> to vector<16xf32>
    %get3A_515 = arith.constant 2 : i32
    %get3A_516 = arith.index_cast %get3A_515 : i32 to index
    %get3A_517 = arith.constant 48 : index
    %get3A_518 = tpu.vector_load %arg7[%get3A_516, %get3A_517] {strides = array<i32>} : memref<8x128xf32, #tpu.memory_space<vmem>>, vector<1x16xf32>,
    %get3A_519 = vector.shape_cast %get3A_518 : vector<1x16xf32> to vector<16xf32>
    %get3A_520 = arith.constant 3 : i32
    %get3A_521 = arith.index_cast %get3A_520 : i32 to index
    %get3A_522 = arith.constant 48 : index
    %get3A_523 = tpu.vector_load %arg7[%get3A_521, %get3A_522] {strides = array<i32>} : memref<8x128xf32, #tpu.memory_space<vmem>>, vector<1x16xf32>,
    %get3A_524 = vector.shape_cast %get3A_523 : vector<1x16xf32> to vector<16xf32>
    %get3A_525 = arith.constant 4 : i32
    %get3A_526 = arith.index_cast %get3A_525 : i32 to index
    %get3A_527 = arith.constant 48 : index
    %get3A_528 = tpu.vector_load %arg7[%get3A_526, %get3A_527] {strides = array<i32>} : memref<8x128xf32, #tpu.memory_space<vmem>>, vector<1x16xf32>,
    %get3A_529 = vector.shape_cast %get3A_528 : vector<1x16xf32> to vector<16xf32>
    %get3A_530 = arith.constant 5 : i32
    %get3A_531 = arith.index_cast %get3A_530 : i32 to index
    %get3A_532 = arith.constant 48 : index
    %get3A_533 = tpu.vector_load %arg7[%get3A_531, %get3A_532] {strides = array<i32>} : memref<8x128xf32, #tpu.memory_space<vmem>>, vector<1x16xf32>,
    %get3A_534 = vector.shape_cast %get3A_533 : vector<1x16xf32> to vector<16xf32>
    %get3A_535 = arith.constant 6 : i32
    %get3A_536 = arith.index_cast %get3A_535 : i32 to index
    %get3A_537 = arith.constant 48 : index
    %get3A_538 = tpu.vector_load %arg7[%get3A_536, %get3A_537] {strides = array<i32>} : memref<8x128xf32, #tpu.memory_space<vmem>>, vector<1x16xf32>,
    %get3A_539 = vector.shape_cast %get3A_538 : vector<1x16xf32> to vector<16xf32>
    %get3A_540 = arith.constant 7 : i32
    %get3A_541 = arith.index_cast %get3A_540 : i32 to index
    %get3A_542 = arith.constant 48 : index
    %get3A_543 = tpu.vector_load %arg7[%get3A_541, %get3A_542] {strides = array<i32>} : memref<8x128xf32, #tpu.memory_space<vmem>>, vector<1x16xf32>,
    %get3A_544 = vector.shape_cast %get3A_543 : vector<1x16xf32> to vector<16xf32>
    %broadcast_in_dim3A_545 = arith.constant 0 : i32
    %broadcast_in_dim3A_546 = vector.broadcast %broadcast_in_dim3A_545 : i32 to vector<16xi32>
    %broadcast_in_dim3A_547 = arith.constant 0xFF800000 : f32
    %broadcast_in_dim3A_548 = vector.broadcast %broadcast_in_dim3A_547 : f32 to vector<16xf32>
    %broadcast_in_dim3A_549 = arith.constant 0 : i32
    %broadcast_in_dim3A_550 = vector.broadcast %broadcast_in_dim3A_549 : i32 to vector<16xi32>
    %broadcast_in_dim3A_551 = arith.constant 1 : i32
    %broadcast_in_dim3A_552 = vector.broadcast %broadcast_in_dim3A_551 : i32 to vector<16xi32>
    %gt3A_553 = arith.cmpf ogt, %get3A_514, %get3A_509 : vector<16xf32>
    %gt3A_554 = arith.cmpf ogt, %get3A_514, %broadcast_in_dim3A_548 : vector<16xf32>
    %select_n3A_555 = arith.select %gt3A_554, %get3A_514, %broadcast_in_dim3A_548 : vector<16xi1>, vector<16xf32>
    %select_n3A_556 = arith.select %gt3A_553, %get3A_509, %select_n3A_555 : vector<16xi1>, vector<16xf32>
    %select_n3A_557 = arith.select %gt3A_554, %broadcast_in_dim3A_552, %broadcast_in_dim3A_550 : vector<16xi1>, vector<16xi32>
    %select_n3A_558 = arith.select %gt3A_553, %broadcast_in_dim3A_546, %select_n3A_557 : vector<16xi1>, vector<16xi32>
    %select_n3A_559 = arith.select %gt3A_553, %get3A_514, %get3A_509 : vector<16xi1>, vector<16xf32>
    %select_n3A_560 = arith.select %gt3A_553, %broadcast_in_dim3A_552, %broadcast_in_dim3A_546 : vector<16xi1>, vector<16xi32>
    %broadcast_in_dim3A_561 = arith.constant 2 : i32
    %broadcast_in_dim3A_562 = vector.broadcast %broadcast_in_dim3A_561 : i32 to vector<16xi32>
    %gt3A_563 = arith.cmpf ogt, %get3A_519, %select_n3A_559 : vector<16xf32>
    %gt3A_564 = arith.cmpf ogt, %get3A_519, %select_n3A_556 : vector<16xf32>
    %select_n3A_565 = arith.select %gt3A_564, %get3A_519, %select_n3A_556 : vector<16xi1>, vector<16xf32>
    %select_n3A_566 = arith.select %gt3A_563, %select_n3A_559, %select_n3A_565 : vector<16xi1>, vector<16xf32>
    %select_n3A_567 = arith.select %gt3A_564, %broadcast_in_dim3A_562, %select_n3A_558 : vector<16xi1>, vector<16xi32>
    %select_n3A_568 = arith.select %gt3A_563, %select_n3A_560, %select_n3A_567 : vector<16xi1>, vector<16xi32>
    %select_n3A_569 = arith.select %gt3A_563, %get3A_519, %select_n3A_559 : vector<16xi1>, vector<16xf32>
    %select_n3A_570 = arith.select %gt3A_563, %broadcast_in_dim3A_562, %select_n3A_560 : vector<16xi1>, vector<16xi32>
    %broadcast_in_dim3A_571 = arith.constant 3 : i32
    %broadcast_in_dim3A_572 = vector.broadcast %broadcast_in_dim3A_571 : i32 to vector<16xi32>
    %gt3A_573 = arith.cmpf ogt, %get3A_524, %select_n3A_569 : vector<16xf32>
    %gt3A_574 = arith.cmpf ogt, %get3A_524, %select_n3A_566 : vector<16xf32>
    %select_n3A_575 = arith.select %gt3A_574, %get3A_524, %select_n3A_566 : vector<16xi1>, vector<16xf32>
    %select_n3A_576 = arith.select %gt3A_573, %select_n3A_569, %select_n3A_575 : vector<16xi1>, vector<16xf32>
    %select_n3A_577 = arith.select %gt3A_574, %broadcast_in_dim3A_572, %select_n3A_568 : vector<16xi1>, vector<16xi32>
    %select_n3A_578 = arith.select %gt3A_573, %select_n3A_570, %select_n3A_577 : vector<16xi1>, vector<16xi32>
    %select_n3A_579 = arith.select %gt3A_573, %get3A_524, %select_n3A_569 : vector<16xi1>, vector<16xf32>
    %select_n3A_580 = arith.select %gt3A_573, %broadcast_in_dim3A_572, %select_n3A_570 : vector<16xi1>, vector<16xi32>
    %broadcast_in_dim3A_581 = arith.constant 4 : i32
    %broadcast_in_dim3A_582 = vector.broadcast %broadcast_in_dim3A_581 : i32 to vector<16xi32>
    %gt3A_583 = arith.cmpf ogt, %get3A_529, %select_n3A_579 : vector<16xf32>
    %gt3A_584 = arith.cmpf ogt, %get3A_529, %select_n3A_576 : vector<16xf32>
    %select_n3A_585 = arith.select %gt3A_584, %get3A_529, %select_n3A_576 : vector<16xi1>, vector<16xf32>
    %select_n3A_586 = arith.select %gt3A_583, %select_n3A_579, %select_n3A_585 : vector<16xi1>, vector<16xf32>
    %select_n3A_587 = arith.select %gt3A_584, %broadcast_in_dim3A_582, %select_n3A_578 : vector<16xi1>, vector<16xi32>
    %select_n3A_588 = arith.select %gt3A_583, %select_n3A_580, %select_n3A_587 : vector<16xi1>, vector<16xi32>
    %select_n3A_589 = arith.select %gt3A_583, %get3A_529, %select_n3A_579 : vector<16xi1>, vector<16xf32>
    %select_n3A_590 = arith.select %gt3A_583, %broadcast_in_dim3A_582, %select_n3A_580 : vector<16xi1>, vector<16xi32>
    %broadcast_in_dim3A_591 = arith.constant 5 : i32
    %broadcast_in_dim3A_592 = vector.broadcast %broadcast_in_dim3A_591 : i32 to vector<16xi32>
    %gt3A_593 = arith.cmpf ogt, %get3A_534, %select_n3A_589 : vector<16xf32>
    %gt3A_594 = arith.cmpf ogt, %get3A_534, %select_n3A_586 : vector<16xf32>
    %select_n3A_595 = arith.select %gt3A_594, %get3A_534, %select_n3A_586 : vector<16xi1>, vector<16xf32>
    %select_n3A_596 = arith.select %gt3A_593, %select_n3A_589, %select_n3A_595 : vector<16xi1>, vector<16xf32>
    %select_n3A_597 = arith.select %gt3A_594, %broadcast_in_dim3A_592, %select_n3A_588 : vector<16xi1>, vector<16xi32>
    %select_n3A_598 = arith.select %gt3A_593, %select_n3A_590, %select_n3A_597 : vector<16xi1>, vector<16xi32>
    %select_n3A_599 = arith.select %gt3A_593, %get3A_534, %select_n3A_589 : vector<16xi1>, vector<16xf32>
    %select_n3A_600 = arith.select %gt3A_593, %broadcast_in_dim3A_592, %select_n3A_590 : vector<16xi1>, vector<16xi32>
    %broadcast_in_dim3A_601 = arith.constant 6 : i32
    %broadcast_in_dim3A_602 = vector.broadcast %broadcast_in_dim3A_601 : i32 to vector<16xi32>
    %gt3A_603 = arith.cmpf ogt, %get3A_539, %select_n3A_599 : vector<16xf32>
    %gt3A_604 = arith.cmpf ogt, %get3A_539, %select_n3A_596 : vector<16xf32>
    %select_n3A_605 = arith.select %gt3A_604, %get3A_539, %select_n3A_596 : vector<16xi1>, vector<16xf32>
    %select_n3A_606 = arith.select %gt3A_603, %select_n3A_599, %select_n3A_605 : vector<16xi1>, vector<16xf32>
    %select_n3A_607 = arith.select %gt3A_604, %broadcast_in_dim3A_602, %select_n3A_598 : vector<16xi1>, vector<16xi32>
    %select_n3A_608 = arith.select %gt3A_603, %select_n3A_600, %select_n3A_607 : vector<16xi1>, vector<16xi32>
    %select_n3A_609 = arith.select %gt3A_603, %get3A_539, %select_n3A_599 : vector<16xi1>, vector<16xf32>
    %select_n3A_610 = arith.select %gt3A_603, %broadcast_in_dim3A_602, %select_n3A_600 : vector<16xi1>, vector<16xi32>
    %broadcast_in_dim3A_611 = arith.constant 7 : i32
    %broadcast_in_dim3A_612 = vector.broadcast %broadcast_in_dim3A_611 : i32 to vector<16xi32>
    %gt3A_613 = arith.cmpf ogt, %get3A_544, %select_n3A_609 : vector<16xf32>
    %gt3A_614 = arith.cmpf ogt, %get3A_544, %select_n3A_606 : vector<16xf32>
    %select_n3A_615 = arith.select %gt3A_614, %get3A_544, %select_n3A_606 : vector<16xi1>, vector<16xf32>
    %select_n3A_616 = arith.select %gt3A_613, %select_n3A_609, %select_n3A_615 : vector<16xi1>, vector<16xf32>
    %select_n3A_617 = arith.select %gt3A_614, %broadcast_in_dim3A_612, %select_n3A_608 : vector<16xi1>, vector<16xi32>
    %select_n3A_618 = arith.select %gt3A_613, %select_n3A_610, %select_n3A_617 : vector<16xi1>, vector<16xi32>
    %select_n3A_619 = arith.select %gt3A_613, %get3A_544, %select_n3A_609 : vector<16xi1>, vector<16xf32>
    %select_n3A_620 = arith.select %gt3A_613, %broadcast_in_dim3A_612, %select_n3A_610 : vector<16xi1>, vector<16xi32>
    %broadcast_in_dim3A_621 = arith.constant 0.000000e+00 : f32
    %broadcast_in_dim3A_622 = vector.broadcast %broadcast_in_dim3A_621 : f32 to vector<16xf32>
    %sub3A_623 = arith.subf %get3A_509, %select_n3A_619 : vector<16xf32>
    %exp3A_624 = math.exp %sub3A_623 : vector<16xf32>
    %add3A_625 = arith.addf %broadcast_in_dim3A_622, %exp3A_624 : vector<16xf32>
    %sub3A_626 = arith.subf %get3A_514, %select_n3A_619 : vector<16xf32>
    %exp3A_627 = math.exp %sub3A_626 : vector<16xf32>
    %add3A_628 = arith.addf %add3A_625, %exp3A_627 : vector<16xf32>
    %sub3A_629 = arith.subf %get3A_519, %select_n3A_619 : vector<16xf32>
    %exp3A_630 = math.exp %sub3A_629 : vector<16xf32>
    %add3A_631 = arith.addf %add3A_628, %exp3A_630 : vector<16xf32>
    %sub3A_632 = arith.subf %get3A_524, %select_n3A_619 : vector<16xf32>
    %exp3A_633 = math.exp %sub3A_632 : vector<16xf32>
    %add3A_634 = arith.addf %add3A_631, %exp3A_633 : vector<16xf32>
    %sub3A_635 = arith.subf %get3A_529, %select_n3A_619 : vector<16xf32>
    %exp3A_636 = math.exp %sub3A_635 : vector<16xf32>
    %add3A_637 = arith.addf %add3A_634, %exp3A_636 : vector<16xf32>
    %sub3A_638 = arith.subf %get3A_534, %select_n3A_619 : vector<16xf32>
    %exp3A_639 = math.exp %sub3A_638 : vector<16xf32>
    %add3A_640 = arith.addf %add3A_637, %exp3A_639 : vector<16xf32>
    %sub3A_641 = arith.subf %get3A_539, %select_n3A_619 : vector<16xf32>
    %exp3A_642 = math.exp %sub3A_641 : vector<16xf32>
    %add3A_643 = arith.addf %add3A_640, %exp3A_642 : vector<16xf32>
    %sub3A_644 = arith.subf %get3A_544, %select_n3A_619 : vector<16xf32>
    %exp3A_645 = math.exp %sub3A_644 : vector<16xf32>
    %add3A_646 = arith.addf %add3A_643, %exp3A_645 : vector<16xf32>
    %div3A_647 = arith.constant 1.000000e+00 : f32
    %div3A_648 = vector.broadcast %div3A_647 : f32 to vector<16xf32>
    %div3A_649 = arith.divf %div3A_648, %add3A_646 : vector<16xf32>
    %sub3A_650 = arith.subf %select_n3A_616, %select_n3A_619 : vector<16xf32>
    %exp3A_651 = math.exp %sub3A_650 : vector<16xf32>
    %div3A_652 = arith.divf %exp3A_651, %add3A_646 : vector<16xf32>
    %add3A_653 = arith.addf %div3A_649, %div3A_652 : vector<16xf32>
    %add3A_654 = arith.constant 9.99999968E-21 : f32
    %add3A_655 = vector.broadcast %add3A_654 : f32 to vector<16xf32>
    %add3A_656 = arith.addf %add3A_653, %add3A_655 : vector<16xf32>
    %swap3A_657 = arith.constant 48 : index
    %swap3A_658 = tpu.vector_load %arg8[%swap3A_657] {strides = array<i32>} : memref<128xi32, #tpu.memory_space<vmem>>, vector<16xi32>,
    %swap3A_659 = vector.shape_cast %swap3A_658 : vector<16xi32> to vector<16xi32>
    %swap3A_660 = vector.shape_cast %select_n3A_620 : vector<16xi32> to vector<16xi32>
    tpu.vector_store %arg8[%swap3A_657], %swap3A_660 {strides = array<i32>} : memref<128xi32, #tpu.memory_space<vmem>>, vector<16xi32>,
    %swap3A_661 = arith.constant 48 : index
    %swap3A_662 = tpu.vector_load %arg9[%swap3A_661] {strides = array<i32>} : memref<128xi32, #tpu.memory_space<vmem>>, vector<16xi32>,
    %swap3A_663 = vector.shape_cast %swap3A_662 : vector<16xi32> to vector<16xi32>
    %swap3A_664 = vector.shape_cast %select_n3A_618 : vector<16xi32> to vector<16xi32>
    tpu.vector_store %arg9[%swap3A_661], %swap3A_664 {strides = array<i32>} : memref<128xi32, #tpu.memory_space<vmem>>, vector<16xi32>,
    %div3A_665 = arith.divf %div3A_649, %add3A_656 : vector<16xf32>
    %swap3A_666 = arith.constant 48 : index
    %swap3A_667 = tpu.vector_load %arg10[%swap3A_666] {strides = array<i32>} : memref<128xf32, #tpu.memory_space<vmem>>, vector<16xf32>,
    %swap3A_668 = vector.shape_cast %swap3A_667 : vector<16xf32> to vector<16xf32>
    %swap3A_669 = vector.shape_cast %div3A_665 : vector<16xf32> to vector<16xf32>
    tpu.vector_store %arg10[%swap3A_666], %swap3A_669 {strides = array<i32>} : memref<128xf32, #tpu.memory_space<vmem>>, vector<16xf32>,
    %div3A_670 = arith.divf %div3A_652, %add3A_656 : vector<16xf32>
    %swap3A_671 = arith.constant 48 : index
    %swap3A_672 = tpu.vector_load %arg11[%swap3A_671] {strides = array<i32>} : memref<128xf32, #tpu.memory_space<vmem>>, vector<16xf32>,
    %swap3A_673 = vector.shape_cast %swap3A_672 : vector<16xf32> to vector<16xf32>
    %swap3A_674 = vector.shape_cast %div3A_670 : vector<16xf32> to vector<16xf32>
    tpu.vector_store %arg11[%swap3A_671], %swap3A_674 {strides = array<i32>} : memref<128xf32, #tpu.memory_space<vmem>>, vector<16xf32>,
    %get3A_675 = arith.constant 0 : i32
    %get3A_676 = arith.index_cast %get3A_675 : i32 to index
    %get3A_677 = arith.constant 64 : index
    %get3A_678 = tpu.vector_load %arg7[%get3A_676, %get3A_677] {strides = array<i32>} : memref<8x128xf32, #tpu.memory_space<vmem>>, vector<1x16xf32>,
    %get3A_679 = vector.shape_cast %get3A_678 : vector<1x16xf32> to vector<16xf32>
    %get3A_680 = arith.constant 1 : i32
    %get3A_681 = arith.index_cast %get3A_680 : i32 to index
    %get3A_682 = arith.constant 64 : index
    %get3A_683 = tpu.vector_load %arg7[%get3A_681, %get3A_682] {strides = array<i32>} : memref<8x128xf32, #tpu.memory_space<vmem>>, vector<1x16xf32>,
    %get3A_684 = vector.shape_cast %get3A_683 : vector<1x16xf32> to vector<16xf32>
    %get3A_685 = arith.constant 2 : i32
    %get3A_686 = arith.index_cast %get3A_685 : i32 to index
    %get3A_687 = arith.constant 64 : index
    %get3A_688 = tpu.vector_load %arg7[%get3A_686, %get3A_687] {strides = array<i32>} : memref<8x128xf32, #tpu.memory_space<vmem>>, vector<1x16xf32>,
    %get3A_689 = vector.shape_cast %get3A_688 : vector<1x16xf32> to vector<16xf32>
    %get3A_690 = arith.constant 3 : i32
    %get3A_691 = arith.index_cast %get3A_690 : i32 to index
    %get3A_692 = arith.constant 64 : index
    %get3A_693 = tpu.vector_load %arg7[%get3A_691, %get3A_692] {strides = array<i32>} : memref<8x128xf32, #tpu.memory_space<vmem>>, vector<1x16xf32>,
    %get3A_694 = vector.shape_cast %get3A_693 : vector<1x16xf32> to vector<16xf32>
    %get3A_695 = arith.constant 4 : i32
    %get3A_696 = arith.index_cast %get3A_695 : i32 to index
    %get3A_697 = arith.constant 64 : index
    %get3A_698 = tpu.vector_load %arg7[%get3A_696, %get3A_697] {strides = array<i32>} : memref<8x128xf32, #tpu.memory_space<vmem>>, vector<1x16xf32>,
    %get3A_699 = vector.shape_cast %get3A_698 : vector<1x16xf32> to vector<16xf32>
    %get3A_700 = arith.constant 5 : i32
    %get3A_701 = arith.index_cast %get3A_700 : i32 to index
    %get3A_702 = arith.constant 64 : index
    %get3A_703 = tpu.vector_load %arg7[%get3A_701, %get3A_702] {strides = array<i32>} : memref<8x128xf32, #tpu.memory_space<vmem>>, vector<1x16xf32>,
    %get3A_704 = vector.shape_cast %get3A_703 : vector<1x16xf32> to vector<16xf32>
    %get3A_705 = arith.constant 6 : i32
    %get3A_706 = arith.index_cast %get3A_705 : i32 to index
    %get3A_707 = arith.constant 64 : index
    %get3A_708 = tpu.vector_load %arg7[%get3A_706, %get3A_707] {strides = array<i32>} : memref<8x128xf32, #tpu.memory_space<vmem>>, vector<1x16xf32>,
    %get3A_709 = vector.shape_cast %get3A_708 : vector<1x16xf32> to vector<16xf32>
    %get3A_710 = arith.constant 7 : i32
    %get3A_711 = arith.index_cast %get3A_710 : i32 to index
    %get3A_712 = arith.constant 64 : index
    %get3A_713 = tpu.vector_load %arg7[%get3A_711, %get3A_712] {strides = array<i32>} : memref<8x128xf32, #tpu.memory_space<vmem>>, vector<1x16xf32>,
    %get3A_714 = vector.shape_cast %get3A_713 : vector<1x16xf32> to vector<16xf32>
    %broadcast_in_dim3A_715 = arith.constant 0 : i32
    %broadcast_in_dim3A_716 = vector.broadcast %broadcast_in_dim3A_715 : i32 to vector<16xi32>
    %broadcast_in_dim3A_717 = arith.constant 0xFF800000 : f32
    %broadcast_in_dim3A_718 = vector.broadcast %broadcast_in_dim3A_717 : f32 to vector<16xf32>
    %broadcast_in_dim3A_719 = arith.constant 0 : i32
    %broadcast_in_dim3A_720 = vector.broadcast %broadcast_in_dim3A_719 : i32 to vector<16xi32>
    %broadcast_in_dim3A_721 = arith.constant 1 : i32
    %broadcast_in_dim3A_722 = vector.broadcast %broadcast_in_dim3A_721 : i32 to vector<16xi32>
    %gt3A_723 = arith.cmpf ogt, %get3A_684, %get3A_679 : vector<16xf32>
    %gt3A_724 = arith.cmpf ogt, %get3A_684, %broadcast_in_dim3A_718 : vector<16xf32>
    %select_n3A_725 = arith.select %gt3A_724, %get3A_684, %broadcast_in_dim3A_718 : vector<16xi1>, vector<16xf32>
    %select_n3A_726 = arith.select %gt3A_723, %get3A_679, %select_n3A_725 : vector<16xi1>, vector<16xf32>
    %select_n3A_727 = arith.select %gt3A_724, %broadcast_in_dim3A_722, %broadcast_in_dim3A_720 : vector<16xi1>, vector<16xi32>
    %select_n3A_728 = arith.select %gt3A_723, %broadcast_in_dim3A_716, %select_n3A_727 : vector<16xi1>, vector<16xi32>
    %select_n3A_729 = arith.select %gt3A_723, %get3A_684, %get3A_679 : vector<16xi1>, vector<16xf32>
    %select_n3A_730 = arith.select %gt3A_723, %broadcast_in_dim3A_722, %broadcast_in_dim3A_716 : vector<16xi1>, vector<16xi32>
    %broadcast_in_dim3A_731 = arith.constant 2 : i32
    %broadcast_in_dim3A_732 = vector.broadcast %broadcast_in_dim3A_731 : i32 to vector<16xi32>
    %gt3A_733 = arith.cmpf ogt, %get3A_689, %select_n3A_729 : vector<16xf32>
    %gt3A_734 = arith.cmpf ogt, %get3A_689, %select_n3A_726 : vector<16xf32>
    %select_n3A_735 = arith.select %gt3A_734, %get3A_689, %select_n3A_726 : vector<16xi1>, vector<16xf32>
    %select_n3A_736 = arith.select %gt3A_733, %select_n3A_729, %select_n3A_735 : vector<16xi1>, vector<16xf32>
    %select_n3A_737 = arith.select %gt3A_734, %broadcast_in_dim3A_732, %select_n3A_728 : vector<16xi1>, vector<16xi32>
    %select_n3A_738 = arith.select %gt3A_733, %select_n3A_730, %select_n3A_737 : vector<16xi1>, vector<16xi32>
    %select_n3A_739 = arith.select %gt3A_733, %get3A_689, %select_n3A_729 : vector<16xi1>, vector<16xf32>
    %select_n3A_740 = arith.select %gt3A_733, %broadcast_in_dim3A_732, %select_n3A_730 : vector<16xi1>, vector<16xi32>
    %broadcast_in_dim3A_741 = arith.constant 3 : i32
    %broadcast_in_dim3A_742 = vector.broadcast %broadcast_in_dim3A_741 : i32 to vector<16xi32>
    %gt3A_743 = arith.cmpf ogt, %get3A_694, %select_n3A_739 : vector<16xf32>
    %gt3A_744 = arith.cmpf ogt, %get3A_694, %select_n3A_736 : vector<16xf32>
    %select_n3A_745 = arith.select %gt3A_744, %get3A_694, %select_n3A_736 : vector<16xi1>, vector<16xf32>
    %select_n3A_746 = arith.select %gt3A_743, %select_n3A_739, %select_n3A_745 : vector<16xi1>, vector<16xf32>
    %select_n3A_747 = arith.select %gt3A_744, %broadcast_in_dim3A_742, %select_n3A_738 : vector<16xi1>, vector<16xi32>
    %select_n3A_748 = arith.select %gt3A_743, %select_n3A_740, %select_n3A_747 : vector<16xi1>, vector<16xi32>
    %select_n3A_749 = arith.select %gt3A_743, %get3A_694, %select_n3A_739 : vector<16xi1>, vector<16xf32>
    %select_n3A_750 = arith.select %gt3A_743, %broadcast_in_dim3A_742, %select_n3A_740 : vector<16xi1>, vector<16xi32>
    %broadcast_in_dim3A_751 = arith.constant 4 : i32
    %broadcast_in_dim3A_752 = vector.broadcast %broadcast_in_dim3A_751 : i32 to vector<16xi32>
    %gt3A_753 = arith.cmpf ogt, %get3A_699, %select_n3A_749 : vector<16xf32>
    %gt3A_754 = arith.cmpf ogt, %get3A_699, %select_n3A_746 : vector<16xf32>
    %select_n3A_755 = arith.select %gt3A_754, %get3A_699, %select_n3A_746 : vector<16xi1>, vector<16xf32>
    %select_n3A_756 = arith.select %gt3A_753, %select_n3A_749, %select_n3A_755 : vector<16xi1>, vector<16xf32>
    %select_n3A_757 = arith.select %gt3A_754, %broadcast_in_dim3A_752, %select_n3A_748 : vector<16xi1>, vector<16xi32>
    %select_n3A_758 = arith.select %gt3A_753, %select_n3A_750, %select_n3A_757 : vector<16xi1>, vector<16xi32>
    %select_n3A_759 = arith.select %gt3A_753, %get3A_699, %select_n3A_749 : vector<16xi1>, vector<16xf32>
    %select_n3A_760 = arith.select %gt3A_753, %broadcast_in_dim3A_752, %select_n3A_750 : vector<16xi1>, vector<16xi32>
    %broadcast_in_dim3A_761 = arith.constant 5 : i32
    %broadcast_in_dim3A_762 = vector.broadcast %broadcast_in_dim3A_761 : i32 to vector<16xi32>
    %gt3A_763 = arith.cmpf ogt, %get3A_704, %select_n3A_759 : vector<16xf32>
    %gt3A_764 = arith.cmpf ogt, %get3A_704, %select_n3A_756 : vector<16xf32>
    %select_n3A_765 = arith.select %gt3A_764, %get3A_704, %select_n3A_756 : vector<16xi1>, vector<16xf32>
    %select_n3A_766 = arith.select %gt3A_763, %select_n3A_759, %select_n3A_765 : vector<16xi1>, vector<16xf32>
    %select_n3A_767 = arith.select %gt3A_764, %broadcast_in_dim3A_762, %select_n3A_758 : vector<16xi1>, vector<16xi32>
    %select_n3A_768 = arith.select %gt3A_763, %select_n3A_760, %select_n3A_767 : vector<16xi1>, vector<16xi32>
    %select_n3A_769 = arith.select %gt3A_763, %get3A_704, %select_n3A_759 : vector<16xi1>, vector<16xf32>
    %select_n3A_770 = arith.select %gt3A_763, %broadcast_in_dim3A_762, %select_n3A_760 : vector<16xi1>, vector<16xi32>
    %broadcast_in_dim3A_771 = arith.constant 6 : i32
    %broadcast_in_dim3A_772 = vector.broadcast %broadcast_in_dim3A_771 : i32 to vector<16xi32>
    %gt3A_773 = arith.cmpf ogt, %get3A_709, %select_n3A_769 : vector<16xf32>
    %gt3A_774 = arith.cmpf ogt, %get3A_709, %select_n3A_766 : vector<16xf32>
    %select_n3A_775 = arith.select %gt3A_774, %get3A_709, %select_n3A_766 : vector<16xi1>, vector<16xf32>
    %select_n3A_776 = arith.select %gt3A_773, %select_n3A_769, %select_n3A_775 : vector<16xi1>, vector<16xf32>
    %select_n3A_777 = arith.select %gt3A_774, %broadcast_in_dim3A_772, %select_n3A_768 : vector<16xi1>, vector<16xi32>
    %select_n3A_778 = arith.select %gt3A_773, %select_n3A_770, %select_n3A_777 : vector<16xi1>, vector<16xi32>
    %select_n3A_779 = arith.select %gt3A_773, %get3A_709, %select_n3A_769 : vector<16xi1>, vector<16xf32>
    %select_n3A_780 = arith.select %gt3A_773, %broadcast_in_dim3A_772, %select_n3A_770 : vector<16xi1>, vector<16xi32>
    %broadcast_in_dim3A_781 = arith.constant 7 : i32
    %broadcast_in_dim3A_782 = vector.broadcast %broadcast_in_dim3A_781 : i32 to vector<16xi32>
    %gt3A_783 = arith.cmpf ogt, %get3A_714, %select_n3A_779 : vector<16xf32>
    %gt3A_784 = arith.cmpf ogt, %get3A_714, %select_n3A_776 : vector<16xf32>
    %select_n3A_785 = arith.select %gt3A_784, %get3A_714, %select_n3A_776 : vector<16xi1>, vector<16xf32>
    %select_n3A_786 = arith.select %gt3A_783, %select_n3A_779, %select_n3A_785 : vector<16xi1>, vector<16xf32>
    %select_n3A_787 = arith.select %gt3A_784, %broadcast_in_dim3A_782, %select_n3A_778 : vector<16xi1>, vector<16xi32>
    %select_n3A_788 = arith.select %gt3A_783, %select_n3A_780, %select_n3A_787 : vector<16xi1>, vector<16xi32>
    %select_n3A_789 = arith.select %gt3A_783, %get3A_714, %select_n3A_779 : vector<16xi1>, vector<16xf32>
    %select_n3A_790 = arith.select %gt3A_783, %broadcast_in_dim3A_782, %select_n3A_780 : vector<16xi1>, vector<16xi32>
    %broadcast_in_dim3A_791 = arith.constant 0.000000e+00 : f32
    %broadcast_in_dim3A_792 = vector.broadcast %broadcast_in_dim3A_791 : f32 to vector<16xf32>
    %sub3A_793 = arith.subf %get3A_679, %select_n3A_789 : vector<16xf32>
    %exp3A_794 = math.exp %sub3A_793 : vector<16xf32>
    %add3A_795 = arith.addf %broadcast_in_dim3A_792, %exp3A_794 : vector<16xf32>
    %sub3A_796 = arith.subf %get3A_684, %select_n3A_789 : vector<16xf32>
    %exp3A_797 = math.exp %sub3A_796 : vector<16xf32>
    %add3A_798 = arith.addf %add3A_795, %exp3A_797 : vector<16xf32>
    %sub3A_799 = arith.subf %get3A_689, %select_n3A_789 : vector<16xf32>
    %exp3A_800 = math.exp %sub3A_799 : vector<16xf32>
    %add3A_801 = arith.addf %add3A_798, %exp3A_800 : vector<16xf32>
    %sub3A_802 = arith.subf %get3A_694, %select_n3A_789 : vector<16xf32>
    %exp3A_803 = math.exp %sub3A_802 : vector<16xf32>
    %add3A_804 = arith.addf %add3A_801, %exp3A_803 : vector<16xf32>
    %sub3A_805 = arith.subf %get3A_699, %select_n3A_789 : vector<16xf32>
    %exp3A_806 = math.exp %sub3A_805 : vector<16xf32>
    %add3A_807 = arith.addf %add3A_804, %exp3A_806 : vector<16xf32>
    %sub3A_808 = arith.subf %get3A_704, %select_n3A_789 : vector<16xf32>
    %exp3A_809 = math.exp %sub3A_808 : vector<16xf32>
    %add3A_810 = arith.addf %add3A_807, %exp3A_809 : vector<16xf32>
    %sub3A_811 = arith.subf %get3A_709, %select_n3A_789 : vector<16xf32>
    %exp3A_812 = math.exp %sub3A_811 : vector<16xf32>
    %add3A_813 = arith.addf %add3A_810, %exp3A_812 : vector<16xf32>
    %sub3A_814 = arith.subf %get3A_714, %select_n3A_789 : vector<16xf32>
    %exp3A_815 = math.exp %sub3A_814 : vector<16xf32>
    %add3A_816 = arith.addf %add3A_813, %exp3A_815 : vector<16xf32>
    %div3A_817 = arith.constant 1.000000e+00 : f32
    %div3A_818 = vector.broadcast %div3A_817 : f32 to vector<16xf32>
    %div3A_819 = arith.divf %div3A_818, %add3A_816 : vector<16xf32>
    %sub3A_820 = arith.subf %select_n3A_786, %select_n3A_789 : vector<16xf32>
    %exp3A_821 = math.exp %sub3A_820 : vector<16xf32>
    %div3A_822 = arith.divf %exp3A_821, %add3A_816 : vector<16xf32>
    %add3A_823 = arith.addf %div3A_819, %div3A_822 : vector<16xf32>
    %add3A_824 = arith.constant 9.99999968E-21 : f32
    %add3A_825 = vector.broadcast %add3A_824 : f32 to vector<16xf32>
    %add3A_826 = arith.addf %add3A_823, %add3A_825 : vector<16xf32>
    %swap3A_827 = arith.constant 64 : index
    %swap3A_828 = tpu.vector_load %arg8[%swap3A_827] {strides = array<i32>} : memref<128xi32, #tpu.memory_space<vmem>>, vector<16xi32>,
    %swap3A_829 = vector.shape_cast %swap3A_828 : vector<16xi32> to vector<16xi32>
    %swap3A_830 = vector.shape_cast %select_n3A_790 : vector<16xi32> to vector<16xi32>
    tpu.vector_store %arg8[%swap3A_827], %swap3A_830 {strides = array<i32>} : memref<128xi32, #tpu.memory_space<vmem>>, vector<16xi32>,
    %swap3A_831 = arith.constant 64 : index
    %swap3A_832 = tpu.vector_load %arg9[%swap3A_831] {strides = array<i32>} : memref<128xi32, #tpu.memory_space<vmem>>, vector<16xi32>,
    %swap3A_833 = vector.shape_cast %swap3A_832 : vector<16xi32> to vector<16xi32>
    %swap3A_834 = vector.shape_cast %select_n3A_788 : vector<16xi32> to vector<16xi32>
    tpu.vector_store %arg9[%swap3A_831], %swap3A_834 {strides = array<i32>} : memref<128xi32, #tpu.memory_space<vmem>>, vector<16xi32>,
    %div3A_835 = arith.divf %div3A_819, %add3A_826 : vector<16xf32>
    %swap3A_836 = arith.constant 64 : index
    %swap3A_837 = tpu.vector_load %arg10[%swap3A_836] {strides = array<i32>} : memref<128xf32, #tpu.memory_space<vmem>>, vector<16xf32>,
    %swap3A_838 = vector.shape_cast %swap3A_837 : vector<16xf32> to vector<16xf32>
    %swap3A_839 = vector.shape_cast %div3A_835 : vector<16xf32> to vector<16xf32>
    tpu.vector_store %arg10[%swap3A_836], %swap3A_839 {strides = array<i32>} : memref<128xf32, #tpu.memory_space<vmem>>, vector<16xf32>,
    %div3A_840 = arith.divf %div3A_822, %add3A_826 : vector<16xf32>
    %swap3A_841 = arith.constant 64 : index
    %swap3A_842 = tpu.vector_load %arg11[%swap3A_841] {strides = array<i32>} : memref<128xf32, #tpu.memory_space<vmem>>, vector<16xf32>,
    %swap3A_843 = vector.shape_cast %swap3A_842 : vector<16xf32> to vector<16xf32>
    %swap3A_844 = vector.shape_cast %div3A_840 : vector<16xf32> to vector<16xf32>
    tpu.vector_store %arg11[%swap3A_841], %swap3A_844 {strides = array<i32>} : memref<128xf32, #tpu.memory_space<vmem>>, vector<16xf32>,
    %get3A_845 = arith.constant 0 : i32
    %get3A_846 = arith.index_cast %get3A_845 : i32 to index
    %get3A_847 = arith.constant 80 : index
    %get3A_848 = tpu.vector_load %arg7[%get3A_846, %get3A_847] {strides = array<i32>} : memref<8x128xf32, #tpu.memory_space<vmem>>, vector<1x16xf32>,
    %get3A_849 = vector.shape_cast %get3A_848 : vector<1x16xf32> to vector<16xf32>
    %get3A_850 = arith.constant 1 : i32
    %get3A_851 = arith.index_cast %get3A_850 : i32 to index
    %get3A_852 = arith.constant 80 : index
    %get3A_853 = tpu.vector_load %arg7[%get3A_851, %get3A_852] {strides = array<i32>} : memref<8x128xf32, #tpu.memory_space<vmem>>, vector<1x16xf32>,
    %get3A_854 = vector.shape_cast %get3A_853 : vector<1x16xf32> to vector<16xf32>
    %get3A_855 = arith.constant 2 : i32
    %get3A_856 = arith.index_cast %get3A_855 : i32 to index
    %get3A_857 = arith.constant 80 : index
    %get3A_858 = tpu.vector_load %arg7[%get3A_856, %get3A_857] {strides = array<i32>} : memref<8x128xf32, #tpu.memory_space<vmem>>, vector<1x16xf32>,
    %get3A_859 = vector.shape_cast %get3A_858 : vector<1x16xf32> to vector<16xf32>
    %get3A_860 = arith.constant 3 : i32
    %get3A_861 = arith.index_cast %get3A_860 : i32 to index
    %get3A_862 = arith.constant 80 : index
    %get3A_863 = tpu.vector_load %arg7[%get3A_861, %get3A_862] {strides = array<i32>} : memref<8x128xf32, #tpu.memory_space<vmem>>, vector<1x16xf32>,
    %get3A_864 = vector.shape_cast %get3A_863 : vector<1x16xf32> to vector<16xf32>
    %get3A_865 = arith.constant 4 : i32
    %get3A_866 = arith.index_cast %get3A_865 : i32 to index
    %get3A_867 = arith.constant 80 : index
    %get3A_868 = tpu.vector_load %arg7[%get3A_866, %get3A_867] {strides = array<i32>} : memref<8x128xf32, #tpu.memory_space<vmem>>, vector<1x16xf32>,
    %get3A_869 = vector.shape_cast %get3A_868 : vector<1x16xf32> to vector<16xf32>
    %get3A_870 = arith.constant 5 : i32
    %get3A_871 = arith.index_cast %get3A_870 : i32 to index
    %get3A_872 = arith.constant 80 : index
    %get3A_873 = tpu.vector_load %arg7[%get3A_871, %get3A_872] {strides = array<i32>} : memref<8x128xf32, #tpu.memory_space<vmem>>, vector<1x16xf32>,
    %get3A_874 = vector.shape_cast %get3A_873 : vector<1x16xf32> to vector<16xf32>
    %get3A_875 = arith.constant 6 : i32
    %get3A_876 = arith.index_cast %get3A_875 : i32 to index
    %get3A_877 = arith.constant 80 : index
    %get3A_878 = tpu.vector_load %arg7[%get3A_876, %get3A_877] {strides = array<i32>} : memref<8x128xf32, #tpu.memory_space<vmem>>, vector<1x16xf32>,
    %get3A_879 = vector.shape_cast %get3A_878 : vector<1x16xf32> to vector<16xf32>
    %get3A_880 = arith.constant 7 : i32
    %get3A_881 = arith.index_cast %get3A_880 : i32 to index
    %get3A_882 = arith.constant 80 : index
    %get3A_883 = tpu.vector_load %arg7[%get3A_881, %get3A_882] {strides = array<i32>} : memref<8x128xf32, #tpu.memory_space<vmem>>, vector<1x16xf32>,
    %get3A_884 = vector.shape_cast %get3A_883 : vector<1x16xf32> to vector<16xf32>
    %broadcast_in_dim3A_885 = arith.constant 0 : i32
    %broadcast_in_dim3A_886 = vector.broadcast %broadcast_in_dim3A_885 : i32 to vector<16xi32>
    %broadcast_in_dim3A_887 = arith.constant 0xFF800000 : f32
    %broadcast_in_dim3A_888 = vector.broadcast %broadcast_in_dim3A_887 : f32 to vector<16xf32>
    %broadcast_in_dim3A_889 = arith.constant 0 : i32
    %broadcast_in_dim3A_890 = vector.broadcast %broadcast_in_dim3A_889 : i32 to vector<16xi32>
    %broadcast_in_dim3A_891 = arith.constant 1 : i32
    %broadcast_in_dim3A_892 = vector.broadcast %broadcast_in_dim3A_891 : i32 to vector<16xi32>
    %gt3A_893 = arith.cmpf ogt, %get3A_854, %get3A_849 : vector<16xf32>
    %gt3A_894 = arith.cmpf ogt, %get3A_854, %broadcast_in_dim3A_888 : vector<16xf32>
    %select_n3A_895 = arith.select %gt3A_894, %get3A_854, %broadcast_in_dim3A_888 : vector<16xi1>, vector<16xf32>
    %select_n3A_896 = arith.select %gt3A_893, %get3A_849, %select_n3A_895 : vector<16xi1>, vector<16xf32>
    %select_n3A_897 = arith.select %gt3A_894, %broadcast_in_dim3A_892, %broadcast_in_dim3A_890 : vector<16xi1>, vector<16xi32>
    %select_n3A_898 = arith.select %gt3A_893, %broadcast_in_dim3A_886, %select_n3A_897 : vector<16xi1>, vector<16xi32>
    %select_n3A_899 = arith.select %gt3A_893, %get3A_854, %get3A_849 : vector<16xi1>, vector<16xf32>
    %select_n3A_900 = arith.select %gt3A_893, %broadcast_in_dim3A_892, %broadcast_in_dim3A_886 : vector<16xi1>, vector<16xi32>
    %broadcast_in_dim3A_901 = arith.constant 2 : i32
    %broadcast_in_dim3A_902 = vector.broadcast %broadcast_in_dim3A_901 : i32 to vector<16xi32>
    %gt3A_903 = arith.cmpf ogt, %get3A_859, %select_n3A_899 : vector<16xf32>
    %gt3A_904 = arith.cmpf ogt, %get3A_859, %select_n3A_896 : vector<16xf32>
    %select_n3A_905 = arith.select %gt3A_904, %get3A_859, %select_n3A_896 : vector<16xi1>, vector<16xf32>
    %select_n3A_906 = arith.select %gt3A_903, %select_n3A_899, %select_n3A_905 : vector<16xi1>, vector<16xf32>
    %select_n3A_907 = arith.select %gt3A_904, %broadcast_in_dim3A_902, %select_n3A_898 : vector<16xi1>, vector<16xi32>
    %select_n3A_908 = arith.select %gt3A_903, %select_n3A_900, %select_n3A_907 : vector<16xi1>, vector<16xi32>
    %select_n3A_909 = arith.select %gt3A_903, %get3A_859, %select_n3A_899 : vector<16xi1>, vector<16xf32>
    %select_n3A_910 = arith.select %gt3A_903, %broadcast_in_dim3A_902, %select_n3A_900 : vector<16xi1>, vector<16xi32>
    %broadcast_in_dim3A_911 = arith.constant 3 : i32
    %broadcast_in_dim3A_912 = vector.broadcast %broadcast_in_dim3A_911 : i32 to vector<16xi32>
    %gt3A_913 = arith.cmpf ogt, %get3A_864, %select_n3A_909 : vector<16xf32>
    %gt3A_914 = arith.cmpf ogt, %get3A_864, %select_n3A_906 : vector<16xf32>
    %select_n3A_915 = arith.select %gt3A_914, %get3A_864, %select_n3A_906 : vector<16xi1>, vector<16xf32>
    %select_n3A_916 = arith.select %gt3A_913, %select_n3A_909, %select_n3A_915 : vector<16xi1>, vector<16xf32>
    %select_n3A_917 = arith.select %gt3A_914, %broadcast_in_dim3A_912, %select_n3A_908 : vector<16xi1>, vector<16xi32>
    %select_n3A_918 = arith.select %gt3A_913, %select_n3A_910, %select_n3A_917 : vector<16xi1>, vector<16xi32>
    %select_n3A_919 = arith.select %gt3A_913, %get3A_864, %select_n3A_909 : vector<16xi1>, vector<16xf32>
    %select_n3A_920 = arith.select %gt3A_913, %broadcast_in_dim3A_912, %select_n3A_910 : vector<16xi1>, vector<16xi32>
    %broadcast_in_dim3A_921 = arith.constant 4 : i32
    %broadcast_in_dim3A_922 = vector.broadcast %broadcast_in_dim3A_921 : i32 to vector<16xi32>
    %gt3A_923 = arith.cmpf ogt, %get3A_869, %select_n3A_919 : vector<16xf32>
    %gt3A_924 = arith.cmpf ogt, %get3A_869, %select_n3A_916 : vector<16xf32>
    %select_n3A_925 = arith.select %gt3A_924, %get3A_869, %select_n3A_916 : vector<16xi1>, vector<16xf32>
    %select_n3A_926 = arith.select %gt3A_923, %select_n3A_919, %select_n3A_925 : vector<16xi1>, vector<16xf32>
    %select_n3A_927 = arith.select %gt3A_924, %broadcast_in_dim3A_922, %select_n3A_918 : vector<16xi1>, vector<16xi32>
    %select_n3A_928 = arith.select %gt3A_923, %select_n3A_920, %select_n3A_927 : vector<16xi1>, vector<16xi32>
    %select_n3A_929 = arith.select %gt3A_923, %get3A_869, %select_n3A_919 : vector<16xi1>, vector<16xf32>
    %select_n3A_930 = arith.select %gt3A_923, %broadcast_in_dim3A_922, %select_n3A_920 : vector<16xi1>, vector<16xi32>
    %broadcast_in_dim3A_931 = arith.constant 5 : i32
    %broadcast_in_dim3A_932 = vector.broadcast %broadcast_in_dim3A_931 : i32 to vector<16xi32>
    %gt3A_933 = arith.cmpf ogt, %get3A_874, %select_n3A_929 : vector<16xf32>
    %gt3A_934 = arith.cmpf ogt, %get3A_874, %select_n3A_926 : vector<16xf32>
    %select_n3A_935 = arith.select %gt3A_934, %get3A_874, %select_n3A_926 : vector<16xi1>, vector<16xf32>
    %select_n3A_936 = arith.select %gt3A_933, %select_n3A_929, %select_n3A_935 : vector<16xi1>, vector<16xf32>
    %select_n3A_937 = arith.select %gt3A_934, %broadcast_in_dim3A_932, %select_n3A_928 : vector<16xi1>, vector<16xi32>
    %select_n3A_938 = arith.select %gt3A_933, %select_n3A_930, %select_n3A_937 : vector<16xi1>, vector<16xi32>
    %select_n3A_939 = arith.select %gt3A_933, %get3A_874, %select_n3A_929 : vector<16xi1>, vector<16xf32>
    %select_n3A_940 = arith.select %gt3A_933, %broadcast_in_dim3A_932, %select_n3A_930 : vector<16xi1>, vector<16xi32>
    %broadcast_in_dim3A_941 = arith.constant 6 : i32
    %broadcast_in_dim3A_942 = vector.broadcast %broadcast_in_dim3A_941 : i32 to vector<16xi32>
    %gt3A_943 = arith.cmpf ogt, %get3A_879, %select_n3A_939 : vector<16xf32>
    %gt3A_944 = arith.cmpf ogt, %get3A_879, %select_n3A_936 : vector<16xf32>
    %select_n3A_945 = arith.select %gt3A_944, %get3A_879, %select_n3A_936 : vector<16xi1>, vector<16xf32>
    %select_n3A_946 = arith.select %gt3A_943, %select_n3A_939, %select_n3A_945 : vector<16xi1>, vector<16xf32>
    %select_n3A_947 = arith.select %gt3A_944, %broadcast_in_dim3A_942, %select_n3A_938 : vector<16xi1>, vector<16xi32>
    %select_n3A_948 = arith.select %gt3A_943, %select_n3A_940, %select_n3A_947 : vector<16xi1>, vector<16xi32>
    %select_n3A_949 = arith.select %gt3A_943, %get3A_879, %select_n3A_939 : vector<16xi1>, vector<16xf32>
    %select_n3A_950 = arith.select %gt3A_943, %broadcast_in_dim3A_942, %select_n3A_940 : vector<16xi1>, vector<16xi32>
    %broadcast_in_dim3A_951 = arith.constant 7 : i32
    %broadcast_in_dim3A_952 = vector.broadcast %broadcast_in_dim3A_951 : i32 to vector<16xi32>
    %gt3A_953 = arith.cmpf ogt, %get3A_884, %select_n3A_949 : vector<16xf32>
    %gt3A_954 = arith.cmpf ogt, %get3A_884, %select_n3A_946 : vector<16xf32>
    %select_n3A_955 = arith.select %gt3A_954, %get3A_884, %select_n3A_946 : vector<16xi1>, vector<16xf32>
    %select_n3A_956 = arith.select %gt3A_953, %select_n3A_949, %select_n3A_955 : vector<16xi1>, vector<16xf32>
    %select_n3A_957 = arith.select %gt3A_954, %broadcast_in_dim3A_952, %select_n3A_948 : vector<16xi1>, vector<16xi32>
    %select_n3A_958 = arith.select %gt3A_953, %select_n3A_950, %select_n3A_957 : vector<16xi1>, vector<16xi32>
    %select_n3A_959 = arith.select %gt3A_953, %get3A_884, %select_n3A_949 : vector<16xi1>, vector<16xf32>
    %select_n3A_960 = arith.select %gt3A_953, %broadcast_in_dim3A_952, %select_n3A_950 : vector<16xi1>, vector<16xi32>
    %broadcast_in_dim3A_961 = arith.constant 0.000000e+00 : f32
    %broadcast_in_dim3A_962 = vector.broadcast %broadcast_in_dim3A_961 : f32 to vector<16xf32>
    %sub3A_963 = arith.subf %get3A_849, %select_n3A_959 : vector<16xf32>
    %exp3A_964 = math.exp %sub3A_963 : vector<16xf32>
    %add3A_965 = arith.addf %broadcast_in_dim3A_962, %exp3A_964 : vector<16xf32>
    %sub3A_966 = arith.subf %get3A_854, %select_n3A_959 : vector<16xf32>
    %exp3A_967 = math.exp %sub3A_966 : vector<16xf32>
    %add3A_968 = arith.addf %add3A_965, %exp3A_967 : vector<16xf32>
    %sub3A_969 = arith.subf %get3A_859, %select_n3A_959 : vector<16xf32>
    %exp3A_970 = math.exp %sub3A_969 : vector<16xf32>
    %add3A_971 = arith.addf %add3A_968, %exp3A_970 : vector<16xf32>
    %sub3A_972 = arith.subf %get3A_864, %select_n3A_959 : vector<16xf32>
    %exp3A_973 = math.exp %sub3A_972 : vector<16xf32>
    %add3A_974 = arith.addf %add3A_971, %exp3A_973 : vector<16xf32>
    %sub3A_975 = arith.subf %get3A_869, %select_n3A_959 : vector<16xf32>
    %exp3A_976 = math.exp %sub3A_975 : vector<16xf32>
    %add3A_977 = arith.addf %add3A_974, %exp3A_976 : vector<16xf32>
    %sub3A_978 = arith.subf %get3A_874, %select_n3A_959 : vector<16xf32>
    %exp3A_979 = math.exp %sub3A_978 : vector<16xf32>
    %add3A_980 = arith.addf %add3A_977, %exp3A_979 : vector<16xf32>
    %sub3A_981 = arith.subf %get3A_879, %select_n3A_959 : vector<16xf32>
    %exp3A_982 = math.exp %sub3A_981 : vector<16xf32>
    %add3A_983 = arith.addf %add3A_980, %exp3A_982 : vector<16xf32>
    %sub3A_984 = arith.subf %get3A_884, %select_n3A_959 : vector<16xf32>
    %exp3A_985 = math.exp %sub3A_984 : vector<16xf32>
    %add3A_986 = arith.addf %add3A_983, %exp3A_985 : vector<16xf32>
    %div3A_987 = arith.constant 1.000000e+00 : f32
    %div3A_988 = vector.broadcast %div3A_987 : f32 to vector<16xf32>
    %div3A_989 = arith.divf %div3A_988, %add3A_986 : vector<16xf32>
    %sub3A_990 = arith.subf %select_n3A_956, %select_n3A_959 : vector<16xf32>
    %exp3A_991 = math.exp %sub3A_990 : vector<16xf32>
    %div3A_992 = arith.divf %exp3A_991, %add3A_986 : vector<16xf32>
    %add3A_993 = arith.addf %div3A_989, %div3A_992 : vector<16xf32>
    %add3A_994 = arith.constant 9.99999968E-21 : f32
    %add3A_995 = vector.broadcast %add3A_994 : f32 to vector<16xf32>
    %add3A_996 = arith.addf %add3A_993, %add3A_995 : vector<16xf32>
    %swap3A_997 = arith.constant 80 : index
    %swap3A_998 = tpu.vector_load %arg8[%swap3A_997] {strides = array<i32>} : memref<128xi32, #tpu.memory_space<vmem>>, vector<16xi32>,
    %swap3A_999 = vector.shape_cast %swap3A_998 : vector<16xi32> to vector<16xi32>
    %swap3A_1000 = vector.shape_cast %select_n3A_960 : vector<16xi32> to vector<16xi32>
    tpu.vector_store %arg8[%swap3A_997], %swap3A_1000 {strides = array<i32>} : memref<128xi32, #tpu.memory_space<vmem>>, vector<16xi32>,
    %swap3A_1001 = arith.constant 80 : index
    %swap3A_1002 = tpu.vector_load %arg9[%swap3A_1001] {strides = array<i32>} : memref<128xi32, #tpu.memory_space<vmem>>, vector<16xi32>,
    %swap3A_1003 = vector.shape_cast %swap3A_1002 : vector<16xi32> to vector<16xi32>
    %swap3A_1004 = vector.shape_cast %select_n3A_958 : vector<16xi32> to vector<16xi32>
    tpu.vector_store %arg9[%swap3A_1001], %swap3A_1004 {strides = array<i32>} : memref<128xi32, #tpu.memory_space<vmem>>, vector<16xi32>,
    %div3A_1005 = arith.divf %div3A_989, %add3A_996 : vector<16xf32>
    %swap3A_1006 = arith.constant 80 : index
    %swap3A_1007 = tpu.vector_load %arg10[%swap3A_1006] {strides = array<i32>} : memref<128xf32, #tpu.memory_space<vmem>>, vector<16xf32>,
    %swap3A_1008 = vector.shape_cast %swap3A_1007 : vector<16xf32> to vector<16xf32>
    %swap3A_1009 = vector.shape_cast %div3A_1005 : vector<16xf32> to vector<16xf32>
    tpu.vector_store %arg10[%swap3A_1006], %swap3A_1009 {strides = array<i32>} : memref<128xf32, #tpu.memory_space<vmem>>, vector<16xf32>,
    %div3A_1010 = arith.divf %div3A_992, %add3A_996 : vector<16xf32>
    %swap3A_1011 = arith.constant 80 : index
    %swap3A_1012 = tpu.vector_load %arg11[%swap3A_1011] {strides = array<i32>} : memref<128xf32, #tpu.memory_space<vmem>>, vector<16xf32>,
    %swap3A_1013 = vector.shape_cast %swap3A_1012 : vector<16xf32> to vector<16xf32>
    %swap3A_1014 = vector.shape_cast %div3A_1010 : vector<16xf32> to vector<16xf32>
    tpu.vector_store %arg11[%swap3A_1011], %swap3A_1014 {strides = array<i32>} : memref<128xf32, #tpu.memory_space<vmem>>, vector<16xf32>,
    %get3A_1015 = arith.constant 0 : i32
    %get3A_1016 = arith.index_cast %get3A_1015 : i32 to index
    %get3A_1017 = arith.constant 96 : index
    %get3A_1018 = tpu.vector_load %arg7[%get3A_1016, %get3A_1017] {strides = array<i32>} : memref<8x128xf32, #tpu.memory_space<vmem>>, vector<1x16xf32>,
    %get3A_1019 = vector.shape_cast %get3A_1018 : vector<1x16xf32> to vector<16xf32>
    %get3A_1020 = arith.constant 1 : i32
    %get3A_1021 = arith.index_cast %get3A_1020 : i32 to index
    %get3A_1022 = arith.constant 96 : index
    %get3A_1023 = tpu.vector_load %arg7[%get3A_1021, %get3A_1022] {strides = array<i32>} : memref<8x128xf32, #tpu.memory_space<vmem>>, vector<1x16xf32>,
    %get3A_1024 = vector.shape_cast %get3A_1023 : vector<1x16xf32> to vector<16xf32>
    %get3A_1025 = arith.constant 2 : i32
    %get3A_1026 = arith.index_cast %get3A_1025 : i32 to index
    %get3A_1027 = arith.constant 96 : index
    %get3A_1028 = tpu.vector_load %arg7[%get3A_1026, %get3A_1027] {strides = array<i32>} : memref<8x128xf32, #tpu.memory_space<vmem>>, vector<1x16xf32>,
    %get3A_1029 = vector.shape_cast %get3A_1028 : vector<1x16xf32> to vector<16xf32>
    %get3A_1030 = arith.constant 3 : i32
    %get3A_1031 = arith.index_cast %get3A_1030 : i32 to index
    %get3A_1032 = arith.constant 96 : index
    %get3A_1033 = tpu.vector_load %arg7[%get3A_1031, %get3A_1032] {strides = array<i32>} : memref<8x128xf32, #tpu.memory_space<vmem>>, vector<1x16xf32>,
    %get3A_1034 = vector.shape_cast %get3A_1033 : vector<1x16xf32> to vector<16xf32>
    %get3A_1035 = arith.constant 4 : i32
    %get3A_1036 = arith.index_cast %get3A_1035 : i32 to index
    %get3A_1037 = arith.constant 96 : index
    %get3A_1038 = tpu.vector_load %arg7[%get3A_1036, %get3A_1037] {strides = array<i32>} : memref<8x128xf32, #tpu.memory_space<vmem>>, vector<1x16xf32>,
    %get3A_1039 = vector.shape_cast %get3A_1038 : vector<1x16xf32> to vector<16xf32>
    %get3A_1040 = arith.constant 5 : i32
    %get3A_1041 = arith.index_cast %get3A_1040 : i32 to index
    %get3A_1042 = arith.constant 96 : index
    %get3A_1043 = tpu.vector_load %arg7[%get3A_1041, %get3A_1042] {strides = array<i32>} : memref<8x128xf32, #tpu.memory_space<vmem>>, vector<1x16xf32>,
    %get3A_1044 = vector.shape_cast %get3A_1043 : vector<1x16xf32> to vector<16xf32>
    %get3A_1045 = arith.constant 6 : i32
    %get3A_1046 = arith.index_cast %get3A_1045 : i32 to index
    %get3A_1047 = arith.constant 96 : index
    %get3A_1048 = tpu.vector_load %arg7[%get3A_1046, %get3A_1047] {strides = array<i32>} : memref<8x128xf32, #tpu.memory_space<vmem>>, vector<1x16xf32>,
    %get3A_1049 = vector.shape_cast %get3A_1048 : vector<1x16xf32> to vector<16xf32>
    %get3A_1050 = arith.constant 7 : i32
    %get3A_1051 = arith.index_cast %get3A_1050 : i32 to index
    %get3A_1052 = arith.constant 96 : index
    %get3A_1053 = tpu.vector_load %arg7[%get3A_1051, %get3A_1052] {strides = array<i32>} : memref<8x128xf32, #tpu.memory_space<vmem>>, vector<1x16xf32>,
    %get3A_1054 = vector.shape_cast %get3A_1053 : vector<1x16xf32> to vector<16xf32>
    %broadcast_in_dim3A_1055 = arith.constant 0 : i32
    %broadcast_in_dim3A_1056 = vector.broadcast %broadcast_in_dim3A_1055 : i32 to vector<16xi32>
    %broadcast_in_dim3A_1057 = arith.constant 0xFF800000 : f32
    %broadcast_in_dim3A_1058 = vector.broadcast %broadcast_in_dim3A_1057 : f32 to vector<16xf32>
    %broadcast_in_dim3A_1059 = arith.constant 0 : i32
    %broadcast_in_dim3A_1060 = vector.broadcast %broadcast_in_dim3A_1059 : i32 to vector<16xi32>
    %broadcast_in_dim3A_1061 = arith.constant 1 : i32
    %broadcast_in_dim3A_1062 = vector.broadcast %broadcast_in_dim3A_1061 : i32 to vector<16xi32>
    %gt3A_1063 = arith.cmpf ogt, %get3A_1024, %get3A_1019 : vector<16xf32>
    %gt3A_1064 = arith.cmpf ogt, %get3A_1024, %broadcast_in_dim3A_1058 : vector<16xf32>
    %select_n3A_1065 = arith.select %gt3A_1064, %get3A_1024, %broadcast_in_dim3A_1058 : vector<16xi1>, vector<16xf32>
    %select_n3A_1066 = arith.select %gt3A_1063, %get3A_1019, %select_n3A_1065 : vector<16xi1>, vector<16xf32>
    %select_n3A_1067 = arith.select %gt3A_1064, %broadcast_in_dim3A_1062, %broadcast_in_dim3A_1060 : vector<16xi1>, vector<16xi32>
    %select_n3A_1068 = arith.select %gt3A_1063, %broadcast_in_dim3A_1056, %select_n3A_1067 : vector<16xi1>, vector<16xi32>
    %select_n3A_1069 = arith.select %gt3A_1063, %get3A_1024, %get3A_1019 : vector<16xi1>, vector<16xf32>
    %select_n3A_1070 = arith.select %gt3A_1063, %broadcast_in_dim3A_1062, %broadcast_in_dim3A_1056 : vector<16xi1>, vector<16xi32>
    %broadcast_in_dim3A_1071 = arith.constant 2 : i32
    %broadcast_in_dim3A_1072 = vector.broadcast %broadcast_in_dim3A_1071 : i32 to vector<16xi32>
    %gt3A_1073 = arith.cmpf ogt, %get3A_1029, %select_n3A_1069 : vector<16xf32>
    %gt3A_1074 = arith.cmpf ogt, %get3A_1029, %select_n3A_1066 : vector<16xf32>
    %select_n3A_1075 = arith.select %gt3A_1074, %get3A_1029, %select_n3A_1066 : vector<16xi1>, vector<16xf32>
    %select_n3A_1076 = arith.select %gt3A_1073, %select_n3A_1069, %select_n3A_1075 : vector<16xi1>, vector<16xf32>
    %select_n3A_1077 = arith.select %gt3A_1074, %broadcast_in_dim3A_1072, %select_n3A_1068 : vector<16xi1>, vector<16xi32>
    %select_n3A_1078 = arith.select %gt3A_1073, %select_n3A_1070, %select_n3A_1077 : vector<16xi1>, vector<16xi32>
    %select_n3A_1079 = arith.select %gt3A_1073, %get3A_1029, %select_n3A_1069 : vector<16xi1>, vector<16xf32>
    %select_n3A_1080 = arith.select %gt3A_1073, %broadcast_in_dim3A_1072, %select_n3A_1070 : vector<16xi1>, vector<16xi32>
    %broadcast_in_dim3A_1081 = arith.constant 3 : i32
    %broadcast_in_dim3A_1082 = vector.broadcast %broadcast_in_dim3A_1081 : i32 to vector<16xi32>
    %gt3A_1083 = arith.cmpf ogt, %get3A_1034, %select_n3A_1079 : vector<16xf32>
    %gt3A_1084 = arith.cmpf ogt, %get3A_1034, %select_n3A_1076 : vector<16xf32>
    %select_n3A_1085 = arith.select %gt3A_1084, %get3A_1034, %select_n3A_1076 : vector<16xi1>, vector<16xf32>
    %select_n3A_1086 = arith.select %gt3A_1083, %select_n3A_1079, %select_n3A_1085 : vector<16xi1>, vector<16xf32>
    %select_n3A_1087 = arith.select %gt3A_1084, %broadcast_in_dim3A_1082, %select_n3A_1078 : vector<16xi1>, vector<16xi32>
    %select_n3A_1088 = arith.select %gt3A_1083, %select_n3A_1080, %select_n3A_1087 : vector<16xi1>, vector<16xi32>
    %select_n3A_1089 = arith.select %gt3A_1083, %get3A_1034, %select_n3A_1079 : vector<16xi1>, vector<16xf32>
    %select_n3A_1090 = arith.select %gt3A_1083, %broadcast_in_dim3A_1082, %select_n3A_1080 : vector<16xi1>, vector<16xi32>
    %broadcast_in_dim3A_1091 = arith.constant 4 : i32
    %broadcast_in_dim3A_1092 = vector.broadcast %broadcast_in_dim3A_1091 : i32 to vector<16xi32>
    %gt3A_1093 = arith.cmpf ogt, %get3A_1039, %select_n3A_1089 : vector<16xf32>
    %gt3A_1094 = arith.cmpf ogt, %get3A_1039, %select_n3A_1086 : vector<16xf32>
    %select_n3A_1095 = arith.select %gt3A_1094, %get3A_1039, %select_n3A_1086 : vector<16xi1>, vector<16xf32>
    %select_n3A_1096 = arith.select %gt3A_1093, %select_n3A_1089, %select_n3A_1095 : vector<16xi1>, vector<16xf32>
    %select_n3A_1097 = arith.select %gt3A_1094, %broadcast_in_dim3A_1092, %select_n3A_1088 : vector<16xi1>, vector<16xi32>
    %select_n3A_1098 = arith.select %gt3A_1093, %select_n3A_1090, %select_n3A_1097 : vector<16xi1>, vector<16xi32>
    %select_n3A_1099 = arith.select %gt3A_1093, %get3A_1039, %select_n3A_1089 : vector<16xi1>, vector<16xf32>
    %select_n3A_1100 = arith.select %gt3A_1093, %broadcast_in_dim3A_1092, %select_n3A_1090 : vector<16xi1>, vector<16xi32>
    %broadcast_in_dim3A_1101 = arith.constant 5 : i32
    %broadcast_in_dim3A_1102 = vector.broadcast %broadcast_in_dim3A_1101 : i32 to vector<16xi32>
    %gt3A_1103 = arith.cmpf ogt, %get3A_1044, %select_n3A_1099 : vector<16xf32>
    %gt3A_1104 = arith.cmpf ogt, %get3A_1044, %select_n3A_1096 : vector<16xf32>
    %select_n3A_1105 = arith.select %gt3A_1104, %get3A_1044, %select_n3A_1096 : vector<16xi1>, vector<16xf32>
    %select_n3A_1106 = arith.select %gt3A_1103, %select_n3A_1099, %select_n3A_1105 : vector<16xi1>, vector<16xf32>
    %select_n3A_1107 = arith.select %gt3A_1104, %broadcast_in_dim3A_1102, %select_n3A_1098 : vector<16xi1>, vector<16xi32>
    %select_n3A_1108 = arith.select %gt3A_1103, %select_n3A_1100, %select_n3A_1107 : vector<16xi1>, vector<16xi32>
    %select_n3A_1109 = arith.select %gt3A_1103, %get3A_1044, %select_n3A_1099 : vector<16xi1>, vector<16xf32>
    %select_n3A_1110 = arith.select %gt3A_1103, %broadcast_in_dim3A_1102, %select_n3A_1100 : vector<16xi1>, vector<16xi32>
    %broadcast_in_dim3A_1111 = arith.constant 6 : i32
    %broadcast_in_dim3A_1112 = vector.broadcast %broadcast_in_dim3A_1111 : i32 to vector<16xi32>
    %gt3A_1113 = arith.cmpf ogt, %get3A_1049, %select_n3A_1109 : vector<16xf32>
    %gt3A_1114 = arith.cmpf ogt, %get3A_1049, %select_n3A_1106 : vector<16xf32>
    %select_n3A_1115 = arith.select %gt3A_1114, %get3A_1049, %select_n3A_1106 : vector<16xi1>, vector<16xf32>
    %select_n3A_1116 = arith.select %gt3A_1113, %select_n3A_1109, %select_n3A_1115 : vector<16xi1>, vector<16xf32>
    %select_n3A_1117 = arith.select %gt3A_1114, %broadcast_in_dim3A_1112, %select_n3A_1108 : vector<16xi1>, vector<16xi32>
    %select_n3A_1118 = arith.select %gt3A_1113, %select_n3A_1110, %select_n3A_1117 : vector<16xi1>, vector<16xi32>
    %select_n3A_1119 = arith.select %gt3A_1113, %get3A_1049, %select_n3A_1109 : vector<16xi1>, vector<16xf32>
    %select_n3A_1120 = arith.select %gt3A_1113, %broadcast_in_dim3A_1112, %select_n3A_1110 : vector<16xi1>, vector<16xi32>
    %broadcast_in_dim3A_1121 = arith.constant 7 : i32
    %broadcast_in_dim3A_1122 = vector.broadcast %broadcast_in_dim3A_1121 : i32 to vector<16xi32>
    %gt3A_1123 = arith.cmpf ogt, %get3A_1054, %select_n3A_1119 : vector<16xf32>
    %gt3A_1124 = arith.cmpf ogt, %get3A_1054, %select_n3A_1116 : vector<16xf32>
    %select_n3A_1125 = arith.select %gt3A_1124, %get3A_1054, %select_n3A_1116 : vector<16xi1>, vector<16xf32>
    %select_n3A_1126 = arith.select %gt3A_1123, %select_n3A_1119, %select_n3A_1125 : vector<16xi1>, vector<16xf32>
    %select_n3A_1127 = arith.select %gt3A_1124, %broadcast_in_dim3A_1122, %select_n3A_1118 : vector<16xi1>, vector<16xi32>
    %select_n3A_1128 = arith.select %gt3A_1123, %select_n3A_1120, %select_n3A_1127 : vector<16xi1>, vector<16xi32>
    %select_n3A_1129 = arith.select %gt3A_1123, %get3A_1054, %select_n3A_1119 : vector<16xi1>, vector<16xf32>
    %select_n3A_1130 = arith.select %gt3A_1123, %broadcast_in_dim3A_1122, %select_n3A_1120 : vector<16xi1>, vector<16xi32>
    %broadcast_in_dim3A_1131 = arith.constant 0.000000e+00 : f32
    %broadcast_in_dim3A_1132 = vector.broadcast %broadcast_in_dim3A_1131 : f32 to vector<16xf32>
    %sub3A_1133 = arith.subf %get3A_1019, %select_n3A_1129 : vector<16xf32>
    %exp3A_1134 = math.exp %sub3A_1133 : vector<16xf32>
    %add3A_1135 = arith.addf %broadcast_in_dim3A_1132, %exp3A_1134 : vector<16xf32>
    %sub3A_1136 = arith.subf %get3A_1024, %select_n3A_1129 : vector<16xf32>
    %exp3A_1137 = math.exp %sub3A_1136 : vector<16xf32>
    %add3A_1138 = arith.addf %add3A_1135, %exp3A_1137 : vector<16xf32>
    %sub3A_1139 = arith.subf %get3A_1029, %select_n3A_1129 : vector<16xf32>
    %exp3A_1140 = math.exp %sub3A_1139 : vector<16xf32>
    %add3A_1141 = arith.addf %add3A_1138, %exp3A_1140 : vector<16xf32>
    %sub3A_1142 = arith.subf %get3A_1034, %select_n3A_1129 : vector<16xf32>
    %exp3A_1143 = math.exp %sub3A_1142 : vector<16xf32>
    %add3A_1144 = arith.addf %add3A_1141, %exp3A_1143 : vector<16xf32>
    %sub3A_1145 = arith.subf %get3A_1039, %select_n3A_1129 : vector<16xf32>
    %exp3A_1146 = math.exp %sub3A_1145 : vector<16xf32>
    %add3A_1147 = arith.addf %add3A_1144, %exp3A_1146 : vector<16xf32>
    %sub3A_1148 = arith.subf %get3A_1044, %select_n3A_1129 : vector<16xf32>
    %exp3A_1149 = math.exp %sub3A_1148 : vector<16xf32>
    %add3A_1150 = arith.addf %add3A_1147, %exp3A_1149 : vector<16xf32>
    %sub3A_1151 = arith.subf %get3A_1049, %select_n3A_1129 : vector<16xf32>
    %exp3A_1152 = math.exp %sub3A_1151 : vector<16xf32>
    %add3A_1153 = arith.addf %add3A_1150, %exp3A_1152 : vector<16xf32>
    %sub3A_1154 = arith.subf %get3A_1054, %select_n3A_1129 : vector<16xf32>
    %exp3A_1155 = math.exp %sub3A_1154 : vector<16xf32>
    %add3A_1156 = arith.addf %add3A_1153, %exp3A_1155 : vector<16xf32>
    %div3A_1157 = arith.constant 1.000000e+00 : f32
    %div3A_1158 = vector.broadcast %div3A_1157 : f32 to vector<16xf32>
    %div3A_1159 = arith.divf %div3A_1158, %add3A_1156 : vector<16xf32>
    %sub3A_1160 = arith.subf %select_n3A_1126, %select_n3A_1129 : vector<16xf32>
    %exp3A_1161 = math.exp %sub3A_1160 : vector<16xf32>
    %div3A_1162 = arith.divf %exp3A_1161, %add3A_1156 : vector<16xf32>
    %add3A_1163 = arith.addf %div3A_1159, %div3A_1162 : vector<16xf32>
    %add3A_1164 = arith.constant 9.99999968E-21 : f32
    %add3A_1165 = vector.broadcast %add3A_1164 : f32 to vector<16xf32>
    %add3A_1166 = arith.addf %add3A_1163, %add3A_1165 : vector<16xf32>
    %swap3A_1167 = arith.constant 96 : index
    %swap3A_1168 = tpu.vector_load %arg8[%swap3A_1167] {strides = array<i32>} : memref<128xi32, #tpu.memory_space<vmem>>, vector<16xi32>,
    %swap3A_1169 = vector.shape_cast %swap3A_1168 : vector<16xi32> to vector<16xi32>
    %swap3A_1170 = vector.shape_cast %select_n3A_1130 : vector<16xi32> to vector<16xi32>
    tpu.vector_store %arg8[%swap3A_1167], %swap3A_1170 {strides = array<i32>} : memref<128xi32, #tpu.memory_space<vmem>>, vector<16xi32>,
    %swap3A_1171 = arith.constant 96 : index
    %swap3A_1172 = tpu.vector_load %arg9[%swap3A_1171] {strides = array<i32>} : memref<128xi32, #tpu.memory_space<vmem>>, vector<16xi32>,
    %swap3A_1173 = vector.shape_cast %swap3A_1172 : vector<16xi32> to vector<16xi32>
    %swap3A_1174 = vector.shape_cast %select_n3A_1128 : vector<16xi32> to vector<16xi32>
    tpu.vector_store %arg9[%swap3A_1171], %swap3A_1174 {strides = array<i32>} : memref<128xi32, #tpu.memory_space<vmem>>, vector<16xi32>,
    %div3A_1175 = arith.divf %div3A_1159, %add3A_1166 : vector<16xf32>
    %swap3A_1176 = arith.constant 96 : index
    %swap3A_1177 = tpu.vector_load %arg10[%swap3A_1176] {strides = array<i32>} : memref<128xf32, #tpu.memory_space<vmem>>, vector<16xf32>,
    %swap3A_1178 = vector.shape_cast %swap3A_1177 : vector<16xf32> to vector<16xf32>
    %swap3A_1179 = vector.shape_cast %div3A_1175 : vector<16xf32> to vector<16xf32>
    tpu.vector_store %arg10[%swap3A_1176], %swap3A_1179 {strides = array<i32>} : memref<128xf32, #tpu.memory_space<vmem>>, vector<16xf32>,
    %div3A_1180 = arith.divf %div3A_1162, %add3A_1166 : vector<16xf32>
    %swap3A_1181 = arith.constant 96 : index
    %swap3A_1182 = tpu.vector_load %arg11[%swap3A_1181] {strides = array<i32>} : memref<128xf32, #tpu.memory_space<vmem>>, vector<16xf32>,
    %swap3A_1183 = vector.shape_cast %swap3A_1182 : vector<16xf32> to vector<16xf32>
    %swap3A_1184 = vector.shape_cast %div3A_1180 : vector<16xf32> to vector<16xf32>
    tpu.vector_store %arg11[%swap3A_1181], %swap3A_1184 {strides = array<i32>} : memref<128xf32, #tpu.memory_space<vmem>>, vector<16xf32>,
    %get3A_1185 = arith.constant 0 : i32
    %get3A_1186 = arith.index_cast %get3A_1185 : i32 to index
    %get3A_1187 = arith.constant 112 : index
    %get3A_1188 = tpu.vector_load %arg7[%get3A_1186, %get3A_1187] {strides = array<i32>} : memref<8x128xf32, #tpu.memory_space<vmem>>, vector<1x16xf32>,
    %get3A_1189 = vector.shape_cast %get3A_1188 : vector<1x16xf32> to vector<16xf32>
    %get3A_1190 = arith.constant 1 : i32
    %get3A_1191 = arith.index_cast %get3A_1190 : i32 to index
    %get3A_1192 = arith.constant 112 : index
    %get3A_1193 = tpu.vector_load %arg7[%get3A_1191, %get3A_1192] {strides = array<i32>} : memref<8x128xf32, #tpu.memory_space<vmem>>, vector<1x16xf32>,
    %get3A_1194 = vector.shape_cast %get3A_1193 : vector<1x16xf32> to vector<16xf32>
    %get3A_1195 = arith.constant 2 : i32
    %get3A_1196 = arith.index_cast %get3A_1195 : i32 to index
    %get3A_1197 = arith.constant 112 : index
    %get3A_1198 = tpu.vector_load %arg7[%get3A_1196, %get3A_1197] {strides = array<i32>} : memref<8x128xf32, #tpu.memory_space<vmem>>, vector<1x16xf32>,
    %get3A_1199 = vector.shape_cast %get3A_1198 : vector<1x16xf32> to vector<16xf32>
    %get3A_1200 = arith.constant 3 : i32
    %get3A_1201 = arith.index_cast %get3A_1200 : i32 to index
    %get3A_1202 = arith.constant 112 : index
    %get3A_1203 = tpu.vector_load %arg7[%get3A_1201, %get3A_1202] {strides = array<i32>} : memref<8x128xf32, #tpu.memory_space<vmem>>, vector<1x16xf32>,
    %get3A_1204 = vector.shape_cast %get3A_1203 : vector<1x16xf32> to vector<16xf32>
    %get3A_1205 = arith.constant 4 : i32
    %get3A_1206 = arith.index_cast %get3A_1205 : i32 to index
    %get3A_1207 = arith.constant 112 : index
    %get3A_1208 = tpu.vector_load %arg7[%get3A_1206, %get3A_1207] {strides = array<i32>} : memref<8x128xf32, #tpu.memory_space<vmem>>, vector<1x16xf32>,
    %get3A_1209 = vector.shape_cast %get3A_1208 : vector<1x16xf32> to vector<16xf32>
    %get3A_1210 = arith.constant 5 : i32
    %get3A_1211 = arith.index_cast %get3A_1210 : i32 to index
    %get3A_1212 = arith.constant 112 : index
    %get3A_1213 = tpu.vector_load %arg7[%get3A_1211, %get3A_1212] {strides = array<i32>} : memref<8x128xf32, #tpu.memory_space<vmem>>, vector<1x16xf32>,
    %get3A_1214 = vector.shape_cast %get3A_1213 : vector<1x16xf32> to vector<16xf32>
    %get3A_1215 = arith.constant 6 : i32
    %get3A_1216 = arith.index_cast %get3A_1215 : i32 to index
    %get3A_1217 = arith.constant 112 : index
    %get3A_1218 = tpu.vector_load %arg7[%get3A_1216, %get3A_1217] {strides = array<i32>} : memref<8x128xf32, #tpu.memory_space<vmem>>, vector<1x16xf32>,
    %get3A_1219 = vector.shape_cast %get3A_1218 : vector<1x16xf32> to vector<16xf32>
    %get3A_1220 = arith.constant 7 : i32
    %get3A_1221 = arith.index_cast %get3A_1220 : i32 to index
    %get3A_1222 = arith.constant 112 : index
    %get3A_1223 = tpu.vector_load %arg7[%get3A_1221, %get3A_1222] {strides = array<i32>} : memref<8x128xf32, #tpu.memory_space<vmem>>, vector<1x16xf32>,
    %get3A_1224 = vector.shape_cast %get3A_1223 : vector<1x16xf32> to vector<16xf32>
    %broadcast_in_dim3A_1225 = arith.constant 0 : i32
    %broadcast_in_dim3A_1226 = vector.broadcast %broadcast_in_dim3A_1225 : i32 to vector<16xi32>
    %broadcast_in_dim3A_1227 = arith.constant 0xFF800000 : f32
    %broadcast_in_dim3A_1228 = vector.broadcast %broadcast_in_dim3A_1227 : f32 to vector<16xf32>
    %broadcast_in_dim3A_1229 = arith.constant 0 : i32
    %broadcast_in_dim3A_1230 = vector.broadcast %broadcast_in_dim3A_1229 : i32 to vector<16xi32>
    %broadcast_in_dim3A_1231 = arith.constant 1 : i32
    %broadcast_in_dim3A_1232 = vector.broadcast %broadcast_in_dim3A_1231 : i32 to vector<16xi32>
    %gt3A_1233 = arith.cmpf ogt, %get3A_1194, %get3A_1189 : vector<16xf32>
    %gt3A_1234 = arith.cmpf ogt, %get3A_1194, %broadcast_in_dim3A_1228 : vector<16xf32>
    %select_n3A_1235 = arith.select %gt3A_1234, %get3A_1194, %broadcast_in_dim3A_1228 : vector<16xi1>, vector<16xf32>
    %select_n3A_1236 = arith.select %gt3A_1233, %get3A_1189, %select_n3A_1235 : vector<16xi1>, vector<16xf32>
    %select_n3A_1237 = arith.select %gt3A_1234, %broadcast_in_dim3A_1232, %broadcast_in_dim3A_1230 : vector<16xi1>, vector<16xi32>
    %select_n3A_1238 = arith.select %gt3A_1233, %broadcast_in_dim3A_1226, %select_n3A_1237 : vector<16xi1>, vector<16xi32>
    %select_n3A_1239 = arith.select %gt3A_1233, %get3A_1194, %get3A_1189 : vector<16xi1>, vector<16xf32>
    %select_n3A_1240 = arith.select %gt3A_1233, %broadcast_in_dim3A_1232, %broadcast_in_dim3A_1226 : vector<16xi1>, vector<16xi32>
    %broadcast_in_dim3A_1241 = arith.constant 2 : i32
    %broadcast_in_dim3A_1242 = vector.broadcast %broadcast_in_dim3A_1241 : i32 to vector<16xi32>
    %gt3A_1243 = arith.cmpf ogt, %get3A_1199, %select_n3A_1239 : vector<16xf32>
    %gt3A_1244 = arith.cmpf ogt, %get3A_1199, %select_n3A_1236 : vector<16xf32>
    %select_n3A_1245 = arith.select %gt3A_1244, %get3A_1199, %select_n3A_1236 : vector<16xi1>, vector<16xf32>
    %select_n3A_1246 = arith.select %gt3A_1243, %select_n3A_1239, %select_n3A_1245 : vector<16xi1>, vector<16xf32>
    %select_n3A_1247 = arith.select %gt3A_1244, %broadcast_in_dim3A_1242, %select_n3A_1238 : vector<16xi1>, vector<16xi32>
    %select_n3A_1248 = arith.select %gt3A_1243, %select_n3A_1240, %select_n3A_1247 : vector<16xi1>, vector<16xi32>
    %select_n3A_1249 = arith.select %gt3A_1243, %get3A_1199, %select_n3A_1239 : vector<16xi1>, vector<16xf32>
    %select_n3A_1250 = arith.select %gt3A_1243, %broadcast_in_dim3A_1242, %select_n3A_1240 : vector<16xi1>, vector<16xi32>
    %broadcast_in_dim3A_1251 = arith.constant 3 : i32
    %broadcast_in_dim3A_1252 = vector.broadcast %broadcast_in_dim3A_1251 : i32 to vector<16xi32>
    %gt3A_1253 = arith.cmpf ogt, %get3A_1204, %select_n3A_1249 : vector<16xf32>
    %gt3A_1254 = arith.cmpf ogt, %get3A_1204, %select_n3A_1246 : vector<16xf32>
    %select_n3A_1255 = arith.select %gt3A_1254, %get3A_1204, %select_n3A_1246 : vector<16xi1>, vector<16xf32>
    %select_n3A_1256 = arith.select %gt3A_1253, %select_n3A_1249, %select_n3A_1255 : vector<16xi1>, vector<16xf32>
    %select_n3A_1257 = arith.select %gt3A_1254, %broadcast_in_dim3A_1252, %select_n3A_1248 : vector<16xi1>, vector<16xi32>
    %select_n3A_1258 = arith.select %gt3A_1253, %select_n3A_1250, %select_n3A_1257 : vector<16xi1>, vector<16xi32>
    %select_n3A_1259 = arith.select %gt3A_1253, %get3A_1204, %select_n3A_1249 : vector<16xi1>, vector<16xf32>
    %select_n3A_1260 = arith.select %gt3A_1253, %broadcast_in_dim3A_1252, %select_n3A_1250 : vector<16xi1>, vector<16xi32>
    %broadcast_in_dim3A_1261 = arith.constant 4 : i32
    %broadcast_in_dim3A_1262 = vector.broadcast %broadcast_in_dim3A_1261 : i32 to vector<16xi32>
    %gt3A_1263 = arith.cmpf ogt, %get3A_1209, %select_n3A_1259 : vector<16xf32>
    %gt3A_1264 = arith.cmpf ogt, %get3A_1209, %select_n3A_1256 : vector<16xf32>
    %select_n3A_1265 = arith.select %gt3A_1264, %get3A_1209, %select_n3A_1256 : vector<16xi1>, vector<16xf32>
    %select_n3A_1266 = arith.select %gt3A_1263, %select_n3A_1259, %select_n3A_1265 : vector<16xi1>, vector<16xf32>
    %select_n3A_1267 = arith.select %gt3A_1264, %broadcast_in_dim3A_1262, %select_n3A_1258 : vector<16xi1>, vector<16xi32>
    %select_n3A_1268 = arith.select %gt3A_1263, %select_n3A_1260, %select_n3A_1267 : vector<16xi1>, vector<16xi32>
    %select_n3A_1269 = arith.select %gt3A_1263, %get3A_1209, %select_n3A_1259 : vector<16xi1>, vector<16xf32>
    %select_n3A_1270 = arith.select %gt3A_1263, %broadcast_in_dim3A_1262, %select_n3A_1260 : vector<16xi1>, vector<16xi32>
    %broadcast_in_dim3A_1271 = arith.constant 5 : i32
    %broadcast_in_dim3A_1272 = vector.broadcast %broadcast_in_dim3A_1271 : i32 to vector<16xi32>
    %gt3A_1273 = arith.cmpf ogt, %get3A_1214, %select_n3A_1269 : vector<16xf32>
    %gt3A_1274 = arith.cmpf ogt, %get3A_1214, %select_n3A_1266 : vector<16xf32>
    %select_n3A_1275 = arith.select %gt3A_1274, %get3A_1214, %select_n3A_1266 : vector<16xi1>, vector<16xf32>
    %select_n3A_1276 = arith.select %gt3A_1273, %select_n3A_1269, %select_n3A_1275 : vector<16xi1>, vector<16xf32>
    %select_n3A_1277 = arith.select %gt3A_1274, %broadcast_in_dim3A_1272, %select_n3A_1268 : vector<16xi1>, vector<16xi32>
    %select_n3A_1278 = arith.select %gt3A_1273, %select_n3A_1270, %select_n3A_1277 : vector<16xi1>, vector<16xi32>
    %select_n3A_1279 = arith.select %gt3A_1273, %get3A_1214, %select_n3A_1269 : vector<16xi1>, vector<16xf32>
    %select_n3A_1280 = arith.select %gt3A_1273, %broadcast_in_dim3A_1272, %select_n3A_1270 : vector<16xi1>, vector<16xi32>
    %broadcast_in_dim3A_1281 = arith.constant 6 : i32
    %broadcast_in_dim3A_1282 = vector.broadcast %broadcast_in_dim3A_1281 : i32 to vector<16xi32>
    %gt3A_1283 = arith.cmpf ogt, %get3A_1219, %select_n3A_1279 : vector<16xf32>
    %gt3A_1284 = arith.cmpf ogt, %get3A_1219, %select_n3A_1276 : vector<16xf32>
    %select_n3A_1285 = arith.select %gt3A_1284, %get3A_1219, %select_n3A_1276 : vector<16xi1>, vector<16xf32>
    %select_n3A_1286 = arith.select %gt3A_1283, %select_n3A_1279, %select_n3A_1285 : vector<16xi1>, vector<16xf32>
    %select_n3A_1287 = arith.select %gt3A_1284, %broadcast_in_dim3A_1282, %select_n3A_1278 : vector<16xi1>, vector<16xi32>
    %select_n3A_1288 = arith.select %gt3A_1283, %select_n3A_1280, %select_n3A_1287 : vector<16xi1>, vector<16xi32>
    %select_n3A_1289 = arith.select %gt3A_1283, %get3A_1219, %select_n3A_1279 : vector<16xi1>, vector<16xf32>
    %select_n3A_1290 = arith.select %gt3A_1283, %broadcast_in_dim3A_1282, %select_n3A_1280 : vector<16xi1>, vector<16xi32>
    %broadcast_in_dim3A_1291 = arith.constant 7 : i32
    %broadcast_in_dim3A_1292 = vector.broadcast %broadcast_in_dim3A_1291 : i32 to vector<16xi32>
    %gt3A_1293 = arith.cmpf ogt, %get3A_1224, %select_n3A_1289 : vector<16xf32>
    %gt3A_1294 = arith.cmpf ogt, %get3A_1224, %select_n3A_1286 : vector<16xf32>
    %select_n3A_1295 = arith.select %gt3A_1294, %get3A_1224, %select_n3A_1286 : vector<16xi1>, vector<16xf32>
    %select_n3A_1296 = arith.select %gt3A_1293, %select_n3A_1289, %select_n3A_1295 : vector<16xi1>, vector<16xf32>
    %select_n3A_1297 = arith.select %gt3A_1294, %broadcast_in_dim3A_1292, %select_n3A_1288 : vector<16xi1>, vector<16xi32>
    %select_n3A_1298 = arith.select %gt3A_1293, %select_n3A_1290, %select_n3A_1297 : vector<16xi1>, vector<16xi32>
    %select_n3A_1299 = arith.select %gt3A_1293, %get3A_1224, %select_n3A_1289 : vector<16xi1>, vector<16xf32>
    %select_n3A_1300 = arith.select %gt3A_1293, %broadcast_in_dim3A_1292, %select_n3A_1290 : vector<16xi1>, vector<16xi32>
    %broadcast_in_dim3A_1301 = arith.constant 0.000000e+00 : f32
    %broadcast_in_dim3A_1302 = vector.broadcast %broadcast_in_dim3A_1301 : f32 to vector<16xf32>
    %sub3A_1303 = arith.subf %get3A_1189, %select_n3A_1299 : vector<16xf32>
    %exp3A_1304 = math.exp %sub3A_1303 : vector<16xf32>
    %add3A_1305 = arith.addf %broadcast_in_dim3A_1302, %exp3A_1304 : vector<16xf32>
    %sub3A_1306 = arith.subf %get3A_1194, %select_n3A_1299 : vector<16xf32>
    %exp3A_1307 = math.exp %sub3A_1306 : vector<16xf32>
    %add3A_1308 = arith.addf %add3A_1305, %exp3A_1307 : vector<16xf32>
    %sub3A_1309 = arith.subf %get3A_1199, %select_n3A_1299 : vector<16xf32>
    %exp3A_1310 = math.exp %sub3A_1309 : vector<16xf32>
    %add3A_1311 = arith.addf %add3A_1308, %exp3A_1310 : vector<16xf32>
    %sub3A_1312 = arith.subf %get3A_1204, %select_n3A_1299 : vector<16xf32>
    %exp3A_1313 = math.exp %sub3A_1312 : vector<16xf32>
    %add3A_1314 = arith.addf %add3A_1311, %exp3A_1313 : vector<16xf32>
    %sub3A_1315 = arith.subf %get3A_1209, %select_n3A_1299 : vector<16xf32>
    %exp3A_1316 = math.exp %sub3A_1315 : vector<16xf32>
    %add3A_1317 = arith.addf %add3A_1314, %exp3A_1316 : vector<16xf32>
    %sub3A_1318 = arith.subf %get3A_1214, %select_n3A_1299 : vector<16xf32>
    %exp3A_1319 = math.exp %sub3A_1318 : vector<16xf32>
    %add3A_1320 = arith.addf %add3A_1317, %exp3A_1319 : vector<16xf32>
    %sub3A_1321 = arith.subf %get3A_1219, %select_n3A_1299 : vector<16xf32>
    %exp3A_1322 = math.exp %sub3A_1321 : vector<16xf32>
    %add3A_1323 = arith.addf %add3A_1320, %exp3A_1322 : vector<16xf32>
    %sub3A_1324 = arith.subf %get3A_1224, %select_n3A_1299 : vector<16xf32>
    %exp3A_1325 = math.exp %sub3A_1324 : vector<16xf32>
    %add3A_1326 = arith.addf %add3A_1323, %exp3A_1325 : vector<16xf32>
    %div3A_1327 = arith.constant 1.000000e+00 : f32
    %div3A_1328 = vector.broadcast %div3A_1327 : f32 to vector<16xf32>
    %div3A_1329 = arith.divf %div3A_1328, %add3A_1326 : vector<16xf32>
    %sub3A_1330 = arith.subf %select_n3A_1296, %select_n3A_1299 : vector<16xf32>
    %exp3A_1331 = math.exp %sub3A_1330 : vector<16xf32>
    %div3A_1332 = arith.divf %exp3A_1331, %add3A_1326 : vector<16xf32>
    %add3A_1333 = arith.addf %div3A_1329, %div3A_1332 : vector<16xf32>
    %add3A_1334 = arith.constant 9.99999968E-21 : f32
    %add3A_1335 = vector.broadcast %add3A_1334 : f32 to vector<16xf32>
    %add3A_1336 = arith.addf %add3A_1333, %add3A_1335 : vector<16xf32>
    %swap3A_1337 = arith.constant 112 : index
    %swap3A_1338 = tpu.vector_load %arg8[%swap3A_1337] {strides = array<i32>} : memref<128xi32, #tpu.memory_space<vmem>>, vector<16xi32>,
    %swap3A_1339 = vector.shape_cast %swap3A_1338 : vector<16xi32> to vector<16xi32>
    %swap3A_1340 = vector.shape_cast %select_n3A_1300 : vector<16xi32> to vector<16xi32>
    tpu.vector_store %arg8[%swap3A_1337], %swap3A_1340 {strides = array<i32>} : memref<128xi32, #tpu.memory_space<vmem>>, vector<16xi32>,
    %swap3A_1341 = arith.constant 112 : index
    %swap3A_1342 = tpu.vector_load %arg9[%swap3A_1341] {strides = array<i32>} : memref<128xi32, #tpu.memory_space<vmem>>, vector<16xi32>,
    %swap3A_1343 = vector.shape_cast %swap3A_1342 : vector<16xi32> to vector<16xi32>
    %swap3A_1344 = vector.shape_cast %select_n3A_1298 : vector<16xi32> to vector<16xi32>
    tpu.vector_store %arg9[%swap3A_1341], %swap3A_1344 {strides = array<i32>} : memref<128xi32, #tpu.memory_space<vmem>>, vector<16xi32>,
    %div3A_1345 = arith.divf %div3A_1329, %add3A_1336 : vector<16xf32>
    %swap3A_1346 = arith.constant 112 : index
    %swap3A_1347 = tpu.vector_load %arg10[%swap3A_1346] {strides = array<i32>} : memref<128xf32, #tpu.memory_space<vmem>>, vector<16xf32>,
    %swap3A_1348 = vector.shape_cast %swap3A_1347 : vector<16xf32> to vector<16xf32>
    %swap3A_1349 = vector.shape_cast %div3A_1345 : vector<16xf32> to vector<16xf32>
    tpu.vector_store %arg10[%swap3A_1346], %swap3A_1349 {strides = array<i32>} : memref<128xf32, #tpu.memory_space<vmem>>, vector<16xf32>,
    %div3A_1350 = arith.divf %div3A_1332, %add3A_1336 : vector<16xf32>
    %swap3A_1351 = arith.constant 112 : index
    %swap3A_1352 = tpu.vector_load %arg11[%swap3A_1351] {strides = array<i32>} : memref<128xf32, #tpu.memory_space<vmem>>, vector<16xf32>,
    %swap3A_1353 = vector.shape_cast %swap3A_1352 : vector<16xf32> to vector<16xf32>
    %swap3A_1354 = vector.shape_cast %div3A_1350 : vector<16xf32> to vector<16xf32>
    tpu.vector_store %arg11[%swap3A_1351], %swap3A_1354 {strides = array<i32>} : memref<128xf32, #tpu.memory_space<vmem>>, vector<16xf32>,
    "tpu.region"() ({
      %run_scoped3A = tpu.sem_alloc : memref<!tpu.dma_semaphore, #tpu.memory_space<semaphore_mem>>
      %dma_start3A = tpu.memref_slice %arg3[%mul3A_2] : memref<4096xi32, #tpu.memory_space<hbm>> -> memref<128xi32, #tpu.memory_space<hbm>>
      %dma_start3A_1355 = tpu.memref_slice %arg3[%mul3A_2] : memref<4096xi32, #tpu.memory_space<hbm>> -> memref<128xi32, #tpu.memory_space<hbm>>
      tpu.enqueue_dma source(%arg8 : memref<128xi32, #tpu.memory_space<vmem>>) target(%dma_start3A_1355 : memref<128xi32, #tpu.memory_space<hbm>>) target_semaphore(%run_scoped3A : memref<!tpu.dma_semaphore, #tpu.memory_space<semaphore_mem>>)
      %dma_wait3A = tpu.memref_slice %arg3[%mul3A_2] : memref<4096xi32, #tpu.memory_space<hbm>> -> memref<128xi32, #tpu.memory_space<hbm>>
      %dma_wait3A_1356 = tpu.memref_slice %arg3[%mul3A_2] : memref<4096xi32, #tpu.memory_space<hbm>> -> memref<128xi32, #tpu.memory_space<hbm>>
      tpu.wait_dma2 semaphore(%run_scoped3A : memref<!tpu.dma_semaphore, #tpu.memory_space<semaphore_mem>>) src(%arg8 : memref<128xi32, #tpu.memory_space<vmem>>) dst(%dma_wait3A_1356 : memref<128xi32, #tpu.memory_space<hbm>>)
      tpu.yield
    }) : () -> ()
    "tpu.region"() ({
      %run_scoped3A = tpu.sem_alloc : memref<!tpu.dma_semaphore, #tpu.memory_space<semaphore_mem>>
      %dma_start3A = tpu.memref_slice %arg4[%mul3A_2] : memref<4096xi32, #tpu.memory_space<hbm>> -> memref<128xi32, #tpu.memory_space<hbm>>
      %dma_start3A_1355 = tpu.memref_slice %arg4[%mul3A_2] : memref<4096xi32, #tpu.memory_space<hbm>> -> memref<128xi32, #tpu.memory_space<hbm>>
      tpu.enqueue_dma source(%arg9 : memref<128xi32, #tpu.memory_space<vmem>>) target(%dma_start3A_1355 : memref<128xi32, #tpu.memory_space<hbm>>) target_semaphore(%run_scoped3A : memref<!tpu.dma_semaphore, #tpu.memory_space<semaphore_mem>>)
      %dma_wait3A = tpu.memref_slice %arg4[%mul3A_2] : memref<4096xi32, #tpu.memory_space<hbm>> -> memref<128xi32, #tpu.memory_space<hbm>>
      %dma_wait3A_1356 = tpu.memref_slice %arg4[%mul3A_2] : memref<4096xi32, #tpu.memory_space<hbm>> -> memref<128xi32, #tpu.memory_space<hbm>>
      tpu.wait_dma2 semaphore(%run_scoped3A : memref<!tpu.dma_semaphore, #tpu.memory_space<semaphore_mem>>) src(%arg9 : memref<128xi32, #tpu.memory_space<vmem>>) dst(%dma_wait3A_1356 : memref<128xi32, #tpu.memory_space<hbm>>)
      tpu.yield
    }) : () -> ()
    "tpu.region"() ({
      %run_scoped3A = tpu.sem_alloc : memref<!tpu.dma_semaphore, #tpu.memory_space<semaphore_mem>>
      %dma_start3A = tpu.memref_slice %arg5[%mul3A_2] : memref<4096xf32, #tpu.memory_space<hbm>> -> memref<128xf32, #tpu.memory_space<hbm>>
      %dma_start3A_1355 = tpu.memref_slice %arg5[%mul3A_2] : memref<4096xf32, #tpu.memory_space<hbm>> -> memref<128xf32, #tpu.memory_space<hbm>>
      tpu.enqueue_dma source(%arg10 : memref<128xf32, #tpu.memory_space<vmem>>) target(%dma_start3A_1355 : memref<128xf32, #tpu.memory_space<hbm>>) target_semaphore(%run_scoped3A : memref<!tpu.dma_semaphore, #tpu.memory_space<semaphore_mem>>)
      %dma_wait3A = tpu.memref_slice %arg5[%mul3A_2] : memref<4096xf32, #tpu.memory_space<hbm>> -> memref<128xf32, #tpu.memory_space<hbm>>
      %dma_wait3A_1356 = tpu.memref_slice %arg5[%mul3A_2] : memref<4096xf32, #tpu.memory_space<hbm>> -> memref<128xf32, #tpu.memory_space<hbm>>
      tpu.wait_dma2 semaphore(%run_scoped3A : memref<!tpu.dma_semaphore, #tpu.memory_space<semaphore_mem>>) src(%arg10 : memref<128xf32, #tpu.memory_space<vmem>>) dst(%dma_wait3A_1356 : memref<128xf32, #tpu.memory_space<hbm>>)
      tpu.yield
    }) : () -> ()
    "tpu.region"() ({
      %run_scoped3A = tpu.sem_alloc : memref<!tpu.dma_semaphore, #tpu.memory_space<semaphore_mem>>
      %dma_start3A = tpu.memref_slice %arg6[%mul3A_2] : memref<4096xf32, #tpu.memory_space<hbm>> -> memref<128xf32, #tpu.memory_space<hbm>>
      %dma_start3A_1355 = tpu.memref_slice %arg6[%mul3A_2] : memref<4096xf32, #tpu.memory_space<hbm>> -> memref<128xf32, #tpu.memory_space<hbm>>
      tpu.enqueue_dma source(%arg11 : memref<128xf32, #tpu.memory_space<vmem>>) target(%dma_start3A_1355 : memref<128xf32, #tpu.memory_space<hbm>>) target_semaphore(%run_scoped3A : memref<!tpu.dma_semaphore, #tpu.memory_space<semaphore_mem>>)
      %dma_wait3A = tpu.memref_slice %arg6[%mul3A_2] : memref<4096xf32, #tpu.memory_space<hbm>> -> memref<128xf32, #tpu.memory_space<hbm>>
      %dma_wait3A_1356 = tpu.memref_slice %arg6[%mul3A_2] : memref<4096xf32, #tpu.memory_space<hbm>> -> memref<128xf32, #tpu.memory_space<hbm>>
      tpu.wait_dma2 semaphore(%run_scoped3A : memref<!tpu.dma_semaphore, #tpu.memory_space<semaphore_mem>>) src(%arg11 : memref<128xf32, #tpu.memory_space<vmem>>) dst(%dma_wait3A_1356 : memref<128xf32, #tpu.memory_space<hbm>>)
      tpu.yield
    }) : () -> ()
    return
  }
}

module attributes {stable_mosaic.version = 14 : i64} {
  func.func @_gate_body(%arg0: i32, %arg1: memref<256x2048xf32, #tpu.memory_space<vmem>>, %arg2: memref<8x2048xf32, #tpu.memory_space<vmem>>, %arg3: memref<8x256xf32, #tpu.memory_space<vmem>>) attributes {dimension_semantics = [#tpu.dimension_semantics<arbitrary>], iteration_bounds = array<i64: 16>, scalar_prefetch = 0 : i64, scratch_operands = 0 : i64, tpu.core_type = #tpu.core_type<tc>, window_params = [{transform_indices = @transform_0, window_bounds = array<i64: 256, 2048>}, {pipeline_mode = #tpu.pipeline_mode<synchronous>, transform_indices = @transform_1, window_bounds = array<i64: 8, 2048>}, {transform_indices = @transform_2, window_bounds = array<i64: 8, 256>}]} {
    %get3A = arith.constant 0 : index
    %get3A_0 = arith.constant 0 : index
    %get3A_1 = vector.load %arg2[%get3A, %get3A_0] : memref<8x2048xf32, #tpu.memory_space<vmem>>, vector<8x2048xf32>
    %get3A_2 = arith.constant 0 : index
    %get3A_3 = arith.constant 0 : index
    %get3A_4 = vector.load %arg1[%get3A_2, %get3A_3] : memref<256x2048xf32, #tpu.memory_space<vmem>>, vector<256x2048xf32>
    %dot_general3A = arith.constant dense<0.000000e+00> : vector<8x256xf32>
    %dot_general3A_5 = tpu.matmul %get3A_1, %get3A_4, %dot_general3A {dimension_numbers = #tpu.dot_dimension_numbers<[1], [1], [0], [0], [0, 0, 1, 0], [], []>, transpose_lhs_hint = false} : vector<8x2048xf32>, vector<256x2048xf32>, vector<8x256xf32> -> vector<8x256xf32>
    %swap3A = arith.constant 0 : index
    %swap3A_6 = arith.constant 0 : index
    %swap3A_7 = vector.load %arg3[%swap3A, %swap3A_6] : memref<8x256xf32, #tpu.memory_space<vmem>>, vector<8x256xf32>
    tpu.vector_store %arg3[%swap3A, %swap3A_6], %dot_general3A_5 {strides = array<i32>} : memref<8x256xf32, #tpu.memory_space<vmem>>, vector<8x256xf32>,
    return
  }
  func.func @transform_0(%arg0: i32) -> (i32, i32) {
    %c0_i32 = arith.constant 0 : i32
    %c0_i32_0 = arith.constant 0 : i32
    return %arg0, %c0_i32 : i32, i32
  }
  func.func @transform_1(%arg0: i32) -> (i32, i32) {
    %c0_i32 = arith.constant 0 : i32
    %c0_i32_0 = arith.constant 0 : i32
    %c0_i32_1 = arith.constant 0 : i32
    return %c0_i32, %c0_i32_0 : i32, i32
  }
  func.func @transform_2(%arg0: i32) -> (i32, i32) {
    %c0_i32 = arith.constant 0 : i32
    %c0_i32_0 = arith.constant 0 : i32
    return %c0_i32, %arg0 : i32, i32
  }
}

module attributes {stable_mosaic.version = 14 : i64} {
  func.func @_pre_body(%arg0: i32, %arg1: memref<256x2048xf32, #tpu.memory_space<vmem>>, %arg2: memref<2048x1024xbf16, #tpu.memory_space<vmem>>, %arg3: memref<1x1024xf32, #tpu.memory_space<vmem>>, %arg4: memref<2048x512xbf16, #tpu.memory_space<vmem>>, %arg5: memref<1x512xf32, #tpu.memory_space<vmem>>, %arg6: memref<512x2048xbf16, #tpu.memory_space<vmem>>, %arg7: memref<1x2048xf32, #tpu.memory_space<vmem>>, %arg8: memref<256x1024xbf16, #tpu.memory_space<vmem>>, %arg9: memref<256x2048xbf16, #tpu.memory_space<vmem>>) attributes {dimension_semantics = [#tpu.dimension_semantics<arbitrary>], iteration_bounds = array<i64: 16>, scalar_prefetch = 0 : i64, scratch_operands = 0 : i64, tpu.core_type = #tpu.core_type<tc>, window_params = [{transform_indices = @transform_0, window_bounds = array<i64: 256, 2048>}, {pipeline_mode = #tpu.pipeline_mode<synchronous>, transform_indices = @transform_1, window_bounds = array<i64: 2048, 1024>}, {pipeline_mode = #tpu.pipeline_mode<synchronous>, transform_indices = @transform_2, window_bounds = array<i64: 1, 1024>}, {pipeline_mode = #tpu.pipeline_mode<synchronous>, transform_indices = @transform_3, window_bounds = array<i64: 2048, 512>}, {pipeline_mode = #tpu.pipeline_mode<synchronous>, transform_indices = @transform_4, window_bounds = array<i64: 1, 512>}, {pipeline_mode = #tpu.pipeline_mode<synchronous>, transform_indices = @transform_5, window_bounds = array<i64: 512, 2048>}, {pipeline_mode = #tpu.pipeline_mode<synchronous>, transform_indices = @transform_6, window_bounds = array<i64: 1, 2048>}, {transform_indices = @transform_7, window_bounds = array<i64: 256, 1024>}, {transform_indices = @transform_8, window_bounds = array<i64: 256, 2048>}]} {
    %get3A = arith.constant 0 : index
    %get3A_0 = arith.constant 0 : index
    %get3A_1 = vector.load %arg1[%get3A, %get3A_0] : memref<256x2048xf32, #tpu.memory_space<vmem>>, vector<256x2048xf32>
    %convert_element_type3A = arith.truncf %get3A_1 : vector<256x2048xf32> to vector<256x2048xbf16>
    %get3A_2 = arith.constant 0 : index
    %get3A_3 = arith.constant 0 : index
    %get3A_4 = vector.load %arg2[%get3A_2, %get3A_3] : memref<2048x1024xbf16, #tpu.memory_space<vmem>>, vector<2048x1024xbf16>
    %dot_general3A = arith.constant dense<0.000000e+00> : vector<256x1024xf32>
    %dot_general3A_5 = tpu.matmul %convert_element_type3A, %get3A_4, %dot_general3A {dimension_numbers = #tpu.dot_dimension_numbers<[1], [0], [0], [1], [0, 0, 1, 1], [], []>, transpose_lhs_hint = false} : vector<256x2048xbf16>, vector<2048x1024xbf16>, vector<256x1024xf32> -> vector<256x1024xf32>
    %get3A_6 = arith.constant 0 : index
    %get3A_7 = arith.constant 0 : index
    %get3A_8 = vector.load %arg3[%get3A_6, %get3A_7] : memref<1x1024xf32, #tpu.memory_space<vmem>>, vector<1x1024xf32>
    %add3A = vector.broadcast %get3A_8 : vector<1x1024xf32> to vector<256x1024xf32>
    %add3A_9 = arith.addf %dot_general3A_5, %add3A : vector<256x1024xf32>
    %max3A = arith.constant 0.000000e+00 : f32
    %max3A_10 = vector.broadcast %max3A : f32 to vector<256x1024xf32>
    %max3A_11 = arith.maximumf %add3A_9, %max3A_10 : vector<256x1024xf32>
    %convert_element_type3A_12 = arith.truncf %max3A_11 : vector<256x1024xf32> to vector<256x1024xbf16>
    %swap3A = arith.constant 0 : index
    %swap3A_13 = arith.constant 0 : index
    %swap3A_14 = vector.load %arg8[%swap3A, %swap3A_13] : memref<256x1024xbf16, #tpu.memory_space<vmem>>, vector<256x1024xbf16>
    tpu.vector_store %arg8[%swap3A, %swap3A_13], %convert_element_type3A_12 {strides = array<i32>} : memref<256x1024xbf16, #tpu.memory_space<vmem>>, vector<256x1024xbf16>,
    %get3A_15 = arith.constant 0 : index
    %get3A_16 = arith.constant 0 : index
    %get3A_17 = vector.load %arg4[%get3A_15, %get3A_16] : memref<2048x512xbf16, #tpu.memory_space<vmem>>, vector<2048x512xbf16>
    %dot_general3A_18 = arith.constant dense<0.000000e+00> : vector<256x512xf32>
    %dot_general3A_19 = tpu.matmul %convert_element_type3A, %get3A_17, %dot_general3A_18 {dimension_numbers = #tpu.dot_dimension_numbers<[1], [0], [0], [1], [0, 0, 1, 1], [], []>, transpose_lhs_hint = false} : vector<256x2048xbf16>, vector<2048x512xbf16>, vector<256x512xf32> -> vector<256x512xf32>
    %get3A_20 = arith.constant 0 : index
    %get3A_21 = arith.constant 0 : index
    %get3A_22 = vector.load %arg5[%get3A_20, %get3A_21] : memref<1x512xf32, #tpu.memory_space<vmem>>, vector<1x512xf32>
    %add3A_23 = vector.broadcast %get3A_22 : vector<1x512xf32> to vector<256x512xf32>
    %add3A_24 = arith.addf %dot_general3A_19, %add3A_23 : vector<256x512xf32>
    %max3A_25 = arith.constant 0.000000e+00 : f32
    %max3A_26 = vector.broadcast %max3A_25 : f32 to vector<256x512xf32>
    %max3A_27 = arith.maximumf %add3A_24, %max3A_26 : vector<256x512xf32>
    %convert_element_type3A_28 = arith.truncf %max3A_27 : vector<256x512xf32> to vector<256x512xbf16>
    %get3A_29 = arith.constant 0 : index
    %get3A_30 = arith.constant 0 : index
    %get3A_31 = vector.load %arg6[%get3A_29, %get3A_30] : memref<512x2048xbf16, #tpu.memory_space<vmem>>, vector<512x2048xbf16>
    %dot_general3A_32 = arith.constant dense<0.000000e+00> : vector<256x2048xf32>
    %dot_general3A_33 = tpu.matmul %convert_element_type3A_28, %get3A_31, %dot_general3A_32 {dimension_numbers = #tpu.dot_dimension_numbers<[1], [0], [0], [1], [0, 0, 1, 1], [], []>, transpose_lhs_hint = false} : vector<256x512xbf16>, vector<512x2048xbf16>, vector<256x2048xf32> -> vector<256x2048xf32>
    %get3A_34 = arith.constant 0 : index
    %get3A_35 = arith.constant 0 : index
    %get3A_36 = vector.load %arg7[%get3A_34, %get3A_35] : memref<1x2048xf32, #tpu.memory_space<vmem>>, vector<1x2048xf32>
    %add3A_37 = vector.broadcast %get3A_36 : vector<1x2048xf32> to vector<256x2048xf32>
    %add3A_38 = arith.addf %dot_general3A_33, %add3A_37 : vector<256x2048xf32>
    %convert_element_type3A_39 = arith.truncf %add3A_38 : vector<256x2048xf32> to vector<256x2048xbf16>
    %swap3A_40 = arith.constant 0 : index
    %swap3A_41 = arith.constant 0 : index
    %swap3A_42 = vector.load %arg9[%swap3A_40, %swap3A_41] : memref<256x2048xbf16, #tpu.memory_space<vmem>>, vector<256x2048xbf16>
    tpu.vector_store %arg9[%swap3A_40, %swap3A_41], %convert_element_type3A_39 {strides = array<i32>} : memref<256x2048xbf16, #tpu.memory_space<vmem>>, vector<256x2048xbf16>,
    return
  }
  func.func @transform_0(%arg0: i32) -> (i32, i32) {
    %c0_i32 = arith.constant 0 : i32
    %c0_i32_0 = arith.constant 0 : i32
    return %arg0, %c0_i32 : i32, i32
  }
  func.func @transform_1(%arg0: i32) -> (i32, i32) {
    %c0_i32 = arith.constant 0 : i32
    %c0_i32_0 = arith.constant 0 : i32
    %c0_i32_1 = arith.constant 0 : i32
    return %c0_i32, %c0_i32_0 : i32, i32
  }
  func.func @transform_2(%arg0: i32) -> (i32, i32) {
    %c0_i32 = arith.constant 0 : i32
    %c0_i32_0 = arith.constant 0 : i32
    %c0_i32_1 = arith.constant 0 : i32
    return %c0_i32, %c0_i32_0 : i32, i32
  }
  func.func @transform_3(%arg0: i32) -> (i32, i32) {
    %c0_i32 = arith.constant 0 : i32
    %c0_i32_0 = arith.constant 0 : i32
    %c0_i32_1 = arith.constant 0 : i32
    return %c0_i32, %c0_i32_0 : i32, i32
  }
  func.func @transform_4(%arg0: i32) -> (i32, i32) {
    %c0_i32 = arith.constant 0 : i32
    %c0_i32_0 = arith.constant 0 : i32
    %c0_i32_1 = arith.constant 0 : i32
    return %c0_i32, %c0_i32_0 : i32, i32
  }
  func.func @transform_5(%arg0: i32) -> (i32, i32) {
    %c0_i32 = arith.constant 0 : i32
    %c0_i32_0 = arith.constant 0 : i32
    %c0_i32_1 = arith.constant 0 : i32
    return %c0_i32, %c0_i32_0 : i32, i32
  }
  func.func @transform_6(%arg0: i32) -> (i32, i32) {
    %c0_i32 = arith.constant 0 : i32
    %c0_i32_0 = arith.constant 0 : i32
    %c0_i32_1 = arith.constant 0 : i32
    return %c0_i32, %c0_i32_0 : i32, i32
  }
  func.func @transform_7(%arg0: i32) -> (i32, i32) {
    %c0_i32 = arith.constant 0 : i32
    %c0_i32_0 = arith.constant 0 : i32
    return %arg0, %c0_i32 : i32, i32
  }
  func.func @transform_8(%arg0: i32) -> (i32, i32) {
    %c0_i32 = arith.constant 0 : i32
    %c0_i32_0 = arith.constant 0 : i32
    return %arg0, %c0_i32 : i32, i32
  }
}

module attributes {stable_mosaic.version = 14 : i64} {
  func.func @_post_body(%arg0: i32, %arg1: memref<256x1024xbf16, #tpu.memory_space<vmem>>, %arg2: memref<256x2048xbf16, #tpu.memory_space<vmem>>, %arg3: memref<1024x2048xbf16, #tpu.memory_space<vmem>>, %arg4: memref<8x2048xf32, #tpu.memory_space<vmem>>, %arg5: memref<256x1xi32, #tpu.memory_space<vmem>>, %arg6: memref<256x1xi32, #tpu.memory_space<vmem>>, %arg7: memref<256x1xf32, #tpu.memory_space<vmem>>, %arg8: memref<256x1xf32, #tpu.memory_space<vmem>>, %arg9: memref<256x2048xf32, #tpu.memory_space<vmem>>) attributes {dimension_semantics = [#tpu.dimension_semantics<arbitrary>], iteration_bounds = array<i64: 16>, scalar_prefetch = 0 : i64, scratch_operands = 0 : i64, tpu.core_type = #tpu.core_type<tc>, window_params = [{transform_indices = @transform_0, window_bounds = array<i64: 256, 1024>}, {transform_indices = @transform_1, window_bounds = array<i64: 256, 2048>}, {pipeline_mode = #tpu.pipeline_mode<synchronous>, transform_indices = @transform_2, window_bounds = array<i64: 1024, 2048>}, {pipeline_mode = #tpu.pipeline_mode<synchronous>, transform_indices = @transform_3, window_bounds = array<i64: 8, 2048>}, {transform_indices = @transform_4, window_bounds = array<i64: 256, 1>}, {transform_indices = @transform_5, window_bounds = array<i64: 256, 1>}, {transform_indices = @transform_6, window_bounds = array<i64: 256, 1>}, {transform_indices = @transform_7, window_bounds = array<i64: 256, 1>}, {transform_indices = @transform_8, window_bounds = array<i64: 256, 2048>}]} {
    %get3A = arith.constant 0 : index
    %get3A_0 = arith.constant 0 : index
    %get3A_1 = vector.load %arg5[%get3A, %get3A_0] : memref<256x1xi32, #tpu.memory_space<vmem>>, vector<256x1xi32>
    %get3A_2 = arith.constant 0 : index
    %get3A_3 = arith.constant 0 : index
    %get3A_4 = vector.load %arg6[%get3A_2, %get3A_3] : memref<256x1xi32, #tpu.memory_space<vmem>>, vector<256x1xi32>
    %get3A_5 = arith.constant 0 : index
    %get3A_6 = arith.constant 0 : index
    %get3A_7 = vector.load %arg7[%get3A_5, %get3A_6] : memref<256x1xf32, #tpu.memory_space<vmem>>, vector<256x1xf32>
    %get3A_8 = arith.constant 0 : index
    %get3A_9 = arith.constant 0 : index
    %get3A_10 = vector.load %arg8[%get3A_8, %get3A_9] : memref<256x1xf32, #tpu.memory_space<vmem>>, vector<256x1xf32>
    %iota3A = tpu.iota {dimensions = array<i32: 1>} : vector<256x1024xi32>
    %jit3A = arith.constant 128 : i32
    %div3A = vector.broadcast %jit3A : i32 to vector<256x1024xi32>
    %div3A_11 = arith.divsi %iota3A, %div3A : vector<256x1024xi32>
    %sign3A = arith.constant 0 : i32
    %sign3A_12 = vector.broadcast %sign3A : i32 to vector<256x1024xi32>
    %sign3A_13 = arith.cmpi sgt, %iota3A, %sign3A_12 : vector<256x1024xi32>
    %sign3A_14 = arith.extui %sign3A_13 : vector<256x1024xi1> to vector<256x1024xi32>
    %sign3A_15 = arith.constant 0 : i32
    %sign3A_16 = vector.broadcast %sign3A_15 : i32 to vector<256x1024xi32>
    %sign3A_17 = arith.cmpi slt, %iota3A, %sign3A_16 : vector<256x1024xi32>
    %sign3A_18 = arith.extui %sign3A_17 : vector<256x1024xi1> to vector<256x1024xi32>
    %sign3A_19 = arith.subi %sign3A_14, %sign3A_18 : vector<256x1024xi32>
    %sign3A_20 = arith.constant 0 : i32
    %sign3A_21 = arith.cmpi sgt, %jit3A, %sign3A_20 : i32
    %sign3A_22 = arith.extui %sign3A_21 : i1 to i32
    %sign3A_23 = arith.constant 0 : i32
    %sign3A_24 = arith.cmpi slt, %jit3A, %sign3A_23 : i32
    %sign3A_25 = arith.extui %sign3A_24 : i1 to i32
    %sign3A_26 = arith.subi %sign3A_22, %sign3A_25 : i32
    %ne3A = vector.broadcast %sign3A_26 : i32 to vector<256x1024xi32>
    %ne3A_27 = arith.cmpi ne, %sign3A_19, %ne3A : vector<256x1024xi32>
    %rem3A = vector.broadcast %jit3A : i32 to vector<256x1024xi32>
    %rem3A_28 = arith.remsi %iota3A, %rem3A : vector<256x1024xi32>
    %ne3A_29 = arith.constant 0 : i32
    %ne3A_30 = vector.broadcast %ne3A_29 : i32 to vector<256x1024xi32>
    %ne3A_31 = arith.cmpi ne, %rem3A_28, %ne3A_30 : vector<256x1024xi32>
    %and3A = arith.andi %ne3A_27, %ne3A_31 : vector<256x1024xi1>
    %sub3A = arith.constant 1 : i32
    %sub3A_32 = vector.broadcast %sub3A : i32 to vector<256x1024xi32>
    %sub3A_33 = arith.subi %div3A_11, %sub3A_32 : vector<256x1024xi32>
    %select_n3A = arith.select %and3A, %sub3A_33, %div3A_11 : vector<256x1024xi1>, vector<256x1024xi32>
    %eq3A = vector.broadcast %get3A_1 : vector<256x1xi32> to vector<256x1024xi32>
    %eq3A_34 = arith.cmpi eq, %select_n3A, %eq3A : vector<256x1024xi32>
    %jit3A_35 = arith.constant 0.000000e+00 : f32
    %broadcast_in_dim3A = vector.shape_cast %get3A_7 : vector<256x1xf32> to vector<256x1xf32>
    %broadcast_in_dim3A_36 = vector.broadcast %broadcast_in_dim3A : vector<256x1xf32> to vector<256x1024xf32>
    %broadcast_in_dim3A_37 = vector.broadcast %jit3A_35 : f32 to vector<256x1024xf32>
    %select_n3A_38 = arith.select %eq3A_34, %broadcast_in_dim3A_36, %broadcast_in_dim3A_37 : vector<256x1024xi1>, vector<256x1024xf32>
    %eq3A_39 = vector.broadcast %get3A_4 : vector<256x1xi32> to vector<256x1024xi32>
    %eq3A_40 = arith.cmpi eq, %select_n3A, %eq3A_39 : vector<256x1024xi32>
    %jit3A_41 = arith.constant 0.000000e+00 : f32
    %broadcast_in_dim3A_42 = vector.shape_cast %get3A_10 : vector<256x1xf32> to vector<256x1xf32>
    %broadcast_in_dim3A_43 = vector.broadcast %broadcast_in_dim3A_42 : vector<256x1xf32> to vector<256x1024xf32>
    %broadcast_in_dim3A_44 = vector.broadcast %jit3A_41 : f32 to vector<256x1024xf32>
    %select_n3A_45 = arith.select %eq3A_40, %broadcast_in_dim3A_43, %broadcast_in_dim3A_44 : vector<256x1024xi1>, vector<256x1024xf32>
    %add3A = arith.addf %select_n3A_38, %select_n3A_45 : vector<256x1024xf32>
    %get3A_46 = arith.constant 0 : index
    %get3A_47 = arith.constant 0 : index
    %get3A_48 = vector.load %arg1[%get3A_46, %get3A_47] : memref<256x1024xbf16, #tpu.memory_space<vmem>>, vector<256x1024xbf16>
    %convert_element_type3A = arith.extf %get3A_48 : vector<256x1024xbf16> to vector<256x1024xf32>
    %mul3A = arith.mulf %convert_element_type3A, %add3A : vector<256x1024xf32>
    %convert_element_type3A_49 = arith.truncf %mul3A : vector<256x1024xf32> to vector<256x1024xbf16>
    %get3A_50 = arith.constant 0 : index
    %get3A_51 = arith.constant 0 : index
    %get3A_52 = vector.load %arg3[%get3A_50, %get3A_51] : memref<1024x2048xbf16, #tpu.memory_space<vmem>>, vector<1024x2048xbf16>
    %dot_general3A = arith.constant dense<0.000000e+00> : vector<256x2048xf32>
    %dot_general3A_53 = tpu.matmul %convert_element_type3A_49, %get3A_52, %dot_general3A {dimension_numbers = #tpu.dot_dimension_numbers<[1], [0], [0], [1], [0, 0, 1, 1], [], []>, transpose_lhs_hint = false} : vector<256x1024xbf16>, vector<1024x2048xbf16>, vector<256x2048xf32> -> vector<256x2048xf32>
    %iota3A_54 = tpu.iota {dimensions = array<i32: 1>} : vector<256x8xi32>
    %eq3A_55 = vector.broadcast %get3A_1 : vector<256x1xi32> to vector<256x8xi32>
    %eq3A_56 = arith.cmpi eq, %iota3A_54, %eq3A_55 : vector<256x8xi32>
    %jit3A_57 = arith.constant 0.000000e+00 : f32
    %broadcast_in_dim3A_58 = vector.shape_cast %get3A_7 : vector<256x1xf32> to vector<256x1xf32>
    %broadcast_in_dim3A_59 = vector.broadcast %broadcast_in_dim3A_58 : vector<256x1xf32> to vector<256x8xf32>
    %broadcast_in_dim3A_60 = vector.broadcast %jit3A_57 : f32 to vector<256x8xf32>
    %select_n3A_61 = arith.select %eq3A_56, %broadcast_in_dim3A_59, %broadcast_in_dim3A_60 : vector<256x8xi1>, vector<256x8xf32>
    %eq3A_62 = vector.broadcast %get3A_4 : vector<256x1xi32> to vector<256x8xi32>
    %eq3A_63 = arith.cmpi eq, %iota3A_54, %eq3A_62 : vector<256x8xi32>
    %jit3A_64 = arith.constant 0.000000e+00 : f32
    %broadcast_in_dim3A_65 = vector.shape_cast %get3A_10 : vector<256x1xf32> to vector<256x1xf32>
    %broadcast_in_dim3A_66 = vector.broadcast %broadcast_in_dim3A_65 : vector<256x1xf32> to vector<256x8xf32>
    %broadcast_in_dim3A_67 = vector.broadcast %jit3A_64 : f32 to vector<256x8xf32>
    %select_n3A_68 = arith.select %eq3A_63, %broadcast_in_dim3A_66, %broadcast_in_dim3A_67 : vector<256x8xi1>, vector<256x8xf32>
    %add3A_69 = arith.addf %select_n3A_61, %select_n3A_68 : vector<256x8xf32>
    %get3A_70 = arith.constant 0 : index
    %get3A_71 = arith.constant 0 : index
    %get3A_72 = vector.load %arg4[%get3A_70, %get3A_71] : memref<8x2048xf32, #tpu.memory_space<vmem>>, vector<8x2048xf32>
    %dot_general3A_73 = arith.constant dense<0.000000e+00> : vector<256x2048xf32>
    %dot_general3A_74 = tpu.matmul %add3A_69, %get3A_72, %dot_general3A_73 {dimension_numbers = #tpu.dot_dimension_numbers<[1], [0], [0], [1], [0, 0, 1, 1], [], []>, transpose_lhs_hint = false} : vector<256x8xf32>, vector<8x2048xf32>, vector<256x2048xf32> -> vector<256x2048xf32>
    %add3A_75 = arith.addf %dot_general3A_53, %dot_general3A_74 : vector<256x2048xf32>
    %get3A_76 = arith.constant 0 : index
    %get3A_77 = arith.constant 0 : index
    %get3A_78 = vector.load %arg2[%get3A_76, %get3A_77] : memref<256x2048xbf16, #tpu.memory_space<vmem>>, vector<256x2048xbf16>
    %convert_element_type3A_79 = arith.extf %get3A_78 : vector<256x2048xbf16> to vector<256x2048xf32>
    %add3A_80 = arith.addf %add3A_75, %convert_element_type3A_79 : vector<256x2048xf32>
    %swap3A = arith.constant 0 : index
    %swap3A_81 = arith.constant 0 : index
    %swap3A_82 = vector.load %arg9[%swap3A, %swap3A_81] : memref<256x2048xf32, #tpu.memory_space<vmem>>, vector<256x2048xf32>
    tpu.vector_store %arg9[%swap3A, %swap3A_81], %add3A_80 {strides = array<i32>} : memref<256x2048xf32, #tpu.memory_space<vmem>>, vector<256x2048xf32>,
    return
  }
  func.func @transform_0(%arg0: i32) -> (i32, i32) {
    %c0_i32 = arith.constant 0 : i32
    %c0_i32_0 = arith.constant 0 : i32
    return %arg0, %c0_i32 : i32, i32
  }
  func.func @transform_1(%arg0: i32) -> (i32, i32) {
    %c0_i32 = arith.constant 0 : i32
    %c0_i32_0 = arith.constant 0 : i32
    return %arg0, %c0_i32 : i32, i32
  }
  func.func @transform_2(%arg0: i32) -> (i32, i32) {
    %c0_i32 = arith.constant 0 : i32
    %c0_i32_0 = arith.constant 0 : i32
    %c0_i32_1 = arith.constant 0 : i32
    return %c0_i32, %c0_i32_0 : i32, i32
  }
  func.func @transform_3(%arg0: i32) -> (i32, i32) {
    %c0_i32 = arith.constant 0 : i32
    %c0_i32_0 = arith.constant 0 : i32
    %c0_i32_1 = arith.constant 0 : i32
    return %c0_i32, %c0_i32_0 : i32, i32
  }
  func.func @transform_4(%arg0: i32) -> (i32, i32) {
    %c0_i32 = arith.constant 0 : i32
    %c0_i32_0 = arith.constant 0 : i32
    return %arg0, %c0_i32 : i32, i32
  }
  func.func @transform_5(%arg0: i32) -> (i32, i32) {
    %c0_i32 = arith.constant 0 : i32
    %c0_i32_0 = arith.constant 0 : i32
    return %arg0, %c0_i32 : i32, i32
  }
  func.func @transform_6(%arg0: i32) -> (i32, i32) {
    %c0_i32 = arith.constant 0 : i32
    %c0_i32_0 = arith.constant 0 : i32
    return %arg0, %c0_i32 : i32, i32
  }
  func.func @transform_7(%arg0: i32) -> (i32, i32) {
    %c0_i32 = arith.constant 0 : i32
    %c0_i32_0 = arith.constant 0 : i32
    return %arg0, %c0_i32 : i32, i32
  }
  func.func @transform_8(%arg0: i32) -> (i32, i32) {
    %c0_i32 = arith.constant 0 : i32
    %c0_i32_0 = arith.constant 0 : i32
    return %arg0, %c0_i32 : i32, i32
  }
}

</mosaic_0001>

<sc_bundles>
// kernel: kernel.6.cloned.1.call-start
scs
__scs_entry_jumppad:
0x0: {  	(pc) =	sbr.rel $0x88, $3  }
0x1: {  	(tag) =	ssettag $0x0;
	lr =	simm.s32 $0x1  }
0x2: {  	[smem:$0x3F97] =	sst lr;
	_ =	strace $0xD0000000  }
0x3: {  	_ = 	snop  }
0x4: {  	_ = 	snop  }
0x5: {  	_ = 	snop  }
0x6: {  	_ = 	snop  }
0x7: {  	_ = 	snop  }
__scs_overlays_trampoline_lowered:
0x8: {  	[smem:$0x3FA6] =	sst s0  }
0x9: {  	[smem:$0x3FA7] =	sst s1  }
0xa: {  	[smem:$0x3FA8] =	sst s2  }
0xb: {  	[smem:$0x3FA9] =	sst s3  }
0xc: {  	[smem:$0x3FAA] =	sst s4  }
0xd: {  	[smem:$0x3FAB] =	sst s5  }
0xe: {  	[smem:$0x3FAC] =	sst s6  }
0xf: {  	[smem:$0x3FAD] =	sst s7  }
0x10: {  	[smem:$0x3FAE] =	sst s8  }
0x11: {  	[smem:$0x3FAF] =	sst s9;
	s0 =	simm.s32 @!p0 $0x0  }
0x12: {  	s1 =	sld [smem:$0x3F95];
	s0 =	simm.s32 @p0 $0x1  }
0x13: {  	[smem:$0x3FB0] =	sst s0;
	s0 =	simm.s32 @!p1 $0x0  }
0x14: {  	s2 =	sld [smem:$0x3F94];
	s0 =	simm.s32 @p1 $0x1  }
0x15: {  	[smem:$0x3FB1] =	sst s0;
	s0 =	simm.s32 @!p2 $0x0  }
0x16: {  	s3 =	sld [smem:$0x3FDB];
	s0 =	simm.s32 @p2 $0x1  }
0x17: {  	s4 =	simm.s32 $0x1BF5;
	[smem:$0x3FB3] =	sst s0  }
0x18: {  	s0 =	sld [smem:$0x3F96];
	_ =	swait.ge [sflag:s4], $0x0  }
0x19: {  	s7 =	sld [smem:$0x3F97]  }
0x1a: {  	s8 =	sadd.s32 $0xFFFFE003, lr  }
0x1b: {  	s9 =	sadd.s32 $0xFFFFFEF7, lr;
	s5 =	simm.s32 $0xFFFFFFFF;
	p2 =	slt.u32 s8, $0xFFFFF086  }
0x1c: {  	p1 =	slt.u32 s9, $0xF7A;
	s5 =	simm.s32 @!p2 $0x0  }
0x1d: {  	s5 =	simm.s32 @p1 $0x1;
	p0 =	seq.s32 s7, s2  }
0x1e: {  	s7 =	smul.u32 @!p0 $0xF7A, s2;
	p2 =	seq.s32 @!p0 s5, $0x0  }
0x1f: {  	s9 =	smul.u32 $0xF7A, s1;
	s8 =	simm.s32 @!p0 $0x1BF5;
	p2 =	por !p2, p0  }
0x20: {  	[sflag:s8] =	ssyncset.s32 @!p0 $0xFFFFF086;
	s6 =	sadd.s32 @!p0 s3, s7;
	s7 =	simm.s32 @!p0 $0x108  }
0x21: {  	s3 =	sadd.s32 s3, s9;
	s6 =	sadd.s32 @!p0 $0x88, s6;
	s7 =	simm.s32 @p2 $0x1082  }
0x22: {  	[simem:s7], [sflag:s8] =	dma.local @!p0 [hbm:s6], $0xF7A  }
0x23: {  	s9 =	sor.u32 $0xD0000000, s2;
	s6 =	simm.s32 $0x108;
	_ =	swait.ge @!p0 [sflag:s8], $0x0  }
0x24: {  	s3 =	sadd.s32 $0x88, s3;
	s6 =	simm.s32 @!p1 $0x1082;
	[sflag:s4] =	ssyncset.s32 $0xFFFFF086  }
0x25: {  	[simem:s6], [sflag:s4] =	dma.local [hbm:s3], $0xF7A  }
0x26: {  	[smem:$0x3F97] =	sst s1;
	(tag) =	ssettag s2;
	_ =	strace s9  }
0x27: {  	s1 =	sld [smem:$0x3FA7]  }
0x28: {  	s2 =	sld [smem:$0x3FA8]  }
0x29: {  	s4 =	sld [smem:$0x3FAA]  }
0x2a: {  	p0 =	seq.s32 s5, $0x0;
	s5 =	sld [smem:$0x3FAB]  }
0x2b: {  	s6 =	sld [smem:$0x3FAC]  }
0x2c: {  	s7 =	sld [smem:$0x3FAD]  }
0x2d: {  	s3 =	simm.s32 $0x108;
	s8 =	sld [smem:$0x3FAE]  }
0x2e: {  	s3 =	simm.s32 @!p0 $0x1082;
	s9 =	sld [smem:$0x3FAF]  }
0x2f: {  	lr =	sadd.s32 s0, s3;
	s0 =	sld [smem:$0x3FA6]  }
0x30: {  	s3 =	sld [smem:$0x3FA9]  }
0x31: {  	[smem:$0x3FB2] =	sst s10  }
0x32: {  	s10 =	sld [smem:$0x3FB0];
	_ =	sdelay $0x3  }
0x33: {  	p0 =	seq.s32 s10, $0x1;
	s10 =	sld [smem:$0x3FB2];
	_ =	sdelay $0x3  }
0x34: {  	[smem:$0x3FB2] =	sst s10  }
0x35: {  	s10 =	sld [smem:$0x3FB1];
	_ =	sdelay $0x3  }
0x36: {  	p1 =	seq.s32 s10, $0x1;
	s10 =	sld [smem:$0x3FB2];
	_ =	sdelay $0x3  }
0x37: {  	[smem:$0x3FB2] =	sst s10  }
0x38: {  	s10 =	sld [smem:$0x3FB3]  }
0x39: {  	_ = 	snop;
	(pc) =	sbr.ind lr, $3  }
0x3a: {  	_ = 	snop  }
0x3b: {  	_ = 	snop  }
0x3c: {  	p2 =	seq.s32 s10, $0x1;
	s10 =	sld [smem:$0x3FB2]  }
0x3d: {  	_ =	shalt  }
0x3e: {  	_ =	shalt  }
0x3f: {  	_ =	shalt  }
0x40: {  	_ =	shalt  }
0x41: {  	_ =	shalt  }
0x42: {  	_ =	shalt  }
0x43: {  	_ =	shalt  }
0x44: {  	_ =	shalt  }
0x45: {  	_ =	shalt  }
0x46: {  	_ =	shalt  }
0x47: {  	_ =	shalt  }
0x48: {  	_ =	shalt  }
0x49: {  	_ =	shalt  }
0x4a: {  	_ =	shalt  }
0x4b: {  	_ =	shalt  }
0x4c: {  	_ =	shalt  }
0x4d: {  	_ =	shalt  }
0x4e: {  	_ =	shalt  }
0x4f: {  	_ =	shalt  }
0x50: {  	_ =	shalt  }
0x51: {  	_ =	shalt  }
0x52: {  	_ =	shalt  }
0x53: {  	_ =	shalt  }
0x54: {  	_ =	shalt  }
0x55: {  	_ =	shalt  }
0x56: {  	_ =	shalt  }
0x57: {  	_ =	shalt  }
0x58: {  	_ =	shalt  }
0x59: {  	_ =	shalt  }
0x5a: {  	_ =	shalt  }
0x5b: {  	_ =	shalt  }
0x5c: {  	_ =	shalt  }
0x5d: {  	_ =	shalt  }
0x5e: {  	_ =	shalt  }
0x5f: {  	_ =	shalt  }
0x60: {  	_ =	shalt  }
0x61: {  	_ =	shalt  }
0x62: {  	_ =	shalt  }
0x63: {  	_ =	shalt  }
0x64: {  	_ =	shalt  }
0x65: {  	_ =	shalt  }
0x66: {  	_ =	shalt  }
0x67: {  	_ =	shalt  }
0x68: {  	_ =	shalt  }
0x69: {  	_ =	shalt  }
0x6a: {  	_ =	shalt  }
0x6b: {  	_ =	shalt  }
0x6c: {  	_ =	shalt  }
0x6d: {  	_ =	shalt  }
0x6e: {  	_ =	shalt  }
0x6f: {  	_ =	shalt  }
0x70: {  	_ =	shalt  }
0x71: {  	_ =	shalt  }
0x72: {  	_ =	shalt  }
0x73: {  	_ =	shalt  }
0x74: {  	_ =	shalt  }
0x75: {  	_ =	shalt  }
0x76: {  	_ =	shalt  }
0x77: {  	_ =	shalt  }
0x78: {  	_ =	shalt  }
0x79: {  	_ =	shalt  }
0x7a: {  	_ =	shalt  }
0x7b: {  	_ =	shalt  }
0x7c: {  	_ =	shalt  }
0x7d: {  	_ =	shalt  }
0x7e: {  	_ =	shalt  }
0x7f: {  	_ =	shalt  }
0x80: {  	_ =	shalt  }
0x81: {  	_ =	shalt  }
0x82: {  	_ =	shalt  }
0x83: {  	_ =	shalt  }
0x84: {  	_ =	shalt  }
0x85: {  	_ =	shalt  }
0x86: {  	_ =	shalt  }
0x87: {  	_ =	shalt  }
.Lfunc_end0:
.L_simem_size_0:
called_computation_lowered:
.L_overlay_start_0:
0x88: {  	s2 =	sld [smem:$0x3FD9]  }
0x89: {  	s3 =	sld [smem:$0x3FFE];
	_ =	sdelay $0x1  }
0x8a: {  	s1 =	srdreg.scid  }
0x8b: {  	s0 =	sand.u32 $0x1, s1  }
0x8c: {  	s16 =	sshll.u32 s0, $0xA;
	s2 =	sadd.s32 s3, s2  }
0x8d: {  	s2 =	sadd.s32 s2, s16  }
0x8e: {  	[smem:$0x3FBE] =	sst s2  }
0x8f: {  	_ = 	snop  }
0x90: {  	(tm) =	ssettm $0x1  }
0x91: {  	s17 =	sld [smem:$0x3FFB];
	_ =	sdelay $0x3  }
0x92: {  	_ =	strace s17  }
0x93: {  	s2 =	sld [smem:$0x3FFC];
	_ =	sdelay $0x3  }
0x94: {  	_ =	strace s2  }
0x95: {  	s2 =	sld [smem:$0x3FFD];
	_ =	sdelay $0x3  }
0x96: {  	_ =	strace s2  }
0x97: {  	_ =	strace $0x8FFFFFFF  }
0x98: {  	s18 =	sld [smem:$0x3FDB];
	_ =	sdelay $0x1  }
0x99: {  	s19 =	simm.s32 $_scs_section_size  }
0x9a: {  	s4 =	simm.s32 $_size__tile_overlayer_lowered;
	s5 =	simm.s32 $_tile_overlayer_lowered  }
0x9b: {  	s22 =	simm.s32 $0x1BFF;
	s21 =	sshll.u32 s5, $0x1;
	s2 =	sadd.s32 s19, s18  }
0x9c: {  	s6 =	simm.s32 $0x0;
	s20 =	sshll.u32 s4, $0x1;
	s4 =	sadd.s32 s21, s2  }
0x9d: {  	[timem:s6], [sflag:s22] =	dma.local [hbm:s4], s20  }
0x9e: {  	_ =	swait.ge [sflag:s22], s20  }
0x9f: {  	s3 =	ssub.s32 $0x0, s20;
	[sflag:s22] =	ssyncset.done $0x0  }
0xa0: {  	[sflag:s22] =	ssyncadd.s32 s3;
	_ =	sdelay $0x1  }
0xa1: {  	s23 =	simm.s32 $0x1B8B  }
0xa2: {  	_ =	swait.ge [sflag:s23], $0x1  }
0xa3: {  	[sflag:s23] =	ssyncset.done $0x0  }
0xa4: {  	s25 =	simm.s32 $0x1B8E;
	s24 =	sld [smem:$0x3FFE];
	[sflag:s23] =	ssyncadd.s32 $0xFFFFFFFF  }
0xa5: {  	s26 =	simm.s32 $execute0_lowered;
	[smem:$0x3FD2] =	sst s25  }
0xa6: {  	s4 =	sshll.u32 s26, $0x1;
	_ =	strace $0x80000046;
	[dreg:$0x1] =	wrdreg $0xFFFFFFFF  }
0xa7: {  	s28 =	simm.s32 $_size_execute0_lowered;
	s2 =	sadd.s32 s2, s4;
	[dreg:$0x0] =	wrdreg $0x0  }
0xa8: {  	s4 =	sshll.u32 s28, $0x1;
	[dreg:$0x2] =	wrdreg s2  }
0xa9: {  	[dreg:$0x3] =	wrdreg s4  }
0xaa: {  	[dreg:$0x4] =	wrdreg $0xC0  }
0xab: {  	_ =	task [dreg:s6], $0x5FFFF  }
0xac: {  	[dreg:$0x1] =	wrdreg $0xFFFFFFFF  }
0xad: {  	[dreg:$0x0] =	wrdreg $0x60  }
0xae: {  	[dreg:$0x2] =	wrdreg s24  }
0xaf: {  	[dreg:$0x3] =	wrdreg $0x9  }
0xb0: {  	_ =	task.clear_ibuf [dreg:s6], $0x4FFFF;
	_ =	strace $0x90000046  }
0xb1: {  	s29 =	simm.s32 $0x9;
	_ =	strace $0x80000048  }
0xb2: {  	_ =	swait.ge [sflag:s29], $0x1  }
0xb3: {  	[sflag:s29] =	ssyncadd.s32 $0xFFFFFFFF  }
0xb4: {  	_ =	strace $0x90000048  }
0xb5: {  	_ =	sfence  }
0xb6: {  	s30 =	sld [smem:$0x0];
	_ =	sdelay $0x2  }
0xb7: {  	s31 =	sshll.u32 s1, $0xD;
	s1 =	sshrl.u32 s1, $0x2  }
0xb8: {  	s3 =	sand.u32 $0x4000, s31;
	s1 =	sadd.s32 s1, s30  }
0xb9: {  	s0 =	sor.u32 s3, s0;
	s1 =	sshll.u32 s1, $0x11  }
0xba: {  	s0 =	sor.u32 s1, s0  }
0xbb: {  	s0 =	sadd.s32 $0x8F2B, s0  }
0xbc: {  	[sflag:s0] =	ssyncadd.remote.s32 $0x1  }
0xbd: {  	_ =	sfence.sel $0xFFFF  }
0xbe: {  	[dreg:$0x0] =	wrdreg $0xFFFFFFFF;
	(pc) =	sbr.abs _section_cstart, $3  }
0xbf: {  	[dreg:$0x1] =	wrdreg $0xFFFFFFFF  }
0xc0: {  	_ =	task.clear_ibuf [dreg:s6], $0x2FFFF;
	_ =	strace $0x9FFFFFFF  }
0xc1: {  	(tm) =	ssettm $0x7FFFFFFF  }
tec
execute0_lowered:
.L_overlay_start_1:
0x0: {  	(tag) =	ssettag $0x1  }
0x1: {  	s3 =	rddreg [dreg:$0x0]  }
0x2: {  	s0 =	rddreg [dreg:$0x1];
	s2 =	simm.s32 $0x0;
	s4 =	srdreg.scid  }
0x3: {  	s1 =	stileid.u32;
	s9 =	simm.s32 $0x1;
	s10 =	simm.s32 $0x400  }
0x4: {  	s11 =	simm.s32 $0x480;
	s12 =	simm.s32 $0x500;
	s13 =	simm.s32 $0x580  }
0x5: {  	[smem:$0x7FF] =	sst s2;
	s4 =	sand.u32 $0x1, s4;
	s5 =	sshll.u32 s1, $0x1  }
0x6: {  	_ =	strace $0x80000047;
	s5 =	sor.u32 s4, s5;
	s4 =	ssub.s32 $0x2, s4  }
0x7: {  	s6 =	sshll.u32 s5, $0x7;
	s5 =	sshll.u32 s5, $0x4;
	s31 =	sshrl.u32 s4, $0x1  }
0x8: {  	s6 =	sadd.s32 s6, s3;
	s7 =	sadd.s32 s5, s3;
	s8 =	ssub.s32 s4, s31  }
0x9: {  	s3 =	sadd.s32 $0x2C00, s6;
	s4 =	sadd.s32 $0x3E00, s7;
	s5 =	sadd.s32 $0x3C00, s7  }
0xa: {  	v0 =	vimm.s32 $0x0;
	s6 =	sadd.s32 $0x4000, s7;
	s7 =	sadd.s32 $0x4200, s7;
	s8 =	smax.u32 s8, $0x1  }
.LBB2_1:
0xb: {  	[tilespmem:s2], [sflag:$0x1] =	stream.linear.gather [hbm4b:s3+s2], $0x400, $0x38;
	[tilespmem:$0x600] =	vst v63  }
0xc: {  	_ =	swait.ge [sflag:s9], $0x400  }
0xd: {  	[sflag:s9] =	ssyncset.done $0x0  }
0xe: {  	[sflag:s9] =	ssyncadd.s32 $0xFFFFFC00  }
0xf: {  	v1 =	vld [tilespmem:$0x0]  }
0x10: {  	v2 =	vld [tilespmem:$0x80];
	_ =	sdelay $0x2  }
0x11: {  	v3 =	vld [tilespmem:$0x100];
	_ =	sdelay $0x1  }
0x12: {  	v4 =	vld [tilespmem:$0x180];
	vm0 =	vgt.f32 v2, v1  }
0x13: {  	vm3 =	vmneg vm0  }
0x14: {  	v38 =	vld [tilespmem:$0x200];
	v6 =	vsel vm3, v1, v2  }
0x15: {  	vm8 =	vgt.f32 v3, v6  }
0x16: {  	v39 =	vld [tilespmem:$0x280];
	v8 =	vsel vm8, v3, v6  }
0x17: {  	vm6 =	vgt.f32 v4, v8  }
0x18: {  	v9 =	vld [tilespmem:$0x300];
	v10 =	vsel vm6, v4, v8  }
0x19: {  	vm4 =	vgt.f32 v38, v10  }
0x1a: {  	v40 =	vld [tilespmem:$0x380];
	v12 =	vsel vm4, v38, v10  }
0x1b: {  	vm5 =	vgt.f32 v39, v12  }
0x1c: {  	v41 =	vsel vm5, v39, v12  }
0x1d: {  	vm2 =	vgt.f32 v9, v41  }
0x1e: {  	v42 =	vsel vm2, v9, v41  }
0x1f: {  	vm14 =	vgt.f32 v40, v42  }
0x20: {  	v5 =	vimm.s32 $0x0;
	v16 =	vimm.s32 $0x0;
	v43 =	vsel vm14, v40, v42  }
0x21: {  	vm11 =	vlt.f32 v2, $-Inf;
	vm1 =	vgt.f32 v2, $-Inf;
	v44 =	vsub.f32 v1, v43  }
0x22: {  	v5 =	vsel vm0, $0xFFFFFFFF, v5;
	vm0 =	vmor vm1, vm11;
	v16 =	vsel vm14, $0xFFFFFFFF, v16  }
0x23: {  	v45 =	vnsel vm0, $0xFF800000, v2;
	[tilespmem:$0x1FB40] =	vst v16;
	v16 =	vmul.f32 $1.442695020e+00, v44  }
0x24: {  	v1 =	vsel vm3, v45, v1;
	v2 =	vsub.f32 v2, v43  }
0x25: {  	vm12 =	vgt.f32 v3, v1;
	(erf) = vpow2.f32 v16  }
0x26: {  	v1 =	vsel vm12, v3, v1;
	v2 =	vmul.f32 $1.442695020e+00, v2;
	v3 =	vsub.f32 v3, v43;
	_ =	sdelay $0x1  }
0x27: {  	(erf) = vpow2.f32 v2;
	v2 =	vmul.f32 $1.442695020e+00, v3;
	v3 =	vsub.f32 v4, v43  }
0x28: {  	v1 =	vsel vm8, v6, v1  }
0x29: {  	(erf) = vpow2.f32 v2;
	v2 =	vmul.f32 $1.442695020e+00, v3;
	v3 =	vsub.f32 v38, v43  }
0x2a: {  	vm13 =	vgt.f32 v4, v1  }
0x2b: {  	(erf) = vpow2.f32 v2;
	v2 =	vmul.f32 $1.442695020e+00, v3;
	v3 =	vsub.f32 v39, v43  }
0x2c: {  	v1 =	vsel vm13, v4, v1  }
0x2d: {  	v48 =	vpop (erf);
	(erf) = vpow2.f32 v2;
	v2 =	vmul.f32 $1.442695020e+00, v3;
	v3 =	vsub.f32 v9, v43  }
0x2e: {  	v1 =	vsel vm6, v8, v1  }
0x2f: {  	(erf) = vpow2.f32 v2;
	v2 =	vmul.f32 $1.442695020e+00, v3;
	v3 =	vsub.f32 v40, v43  }
0x30: {  	vm15 =	vgt.f32 v38, v1;
	v4 =	vadd.f32 $0.0e+00, v48  }
0x31: {  	v1 =	vsel vm15, v38, v1;
	v50 =	vpop (erf);
	(erf) = vpow2.f32 v2;
	v2 =	vmul.f32 $1.442695020e+00, v3  }
0x32: {  	v11 =	vimm.s32 $0x0;
	v1 =	vsel vm4, v10, v1;
	v4 =	vadd.f32 v4, v50  }
0x33: {  	v11 =	vsel vm6, $0xFFFFFFFF, v11;
	vm6 =	vgt.f32 v39, v1;
	v3 =	vpop (erf)  }
0x34: {  	v1 =	vsel vm6, v39, v1;
	v3 =	vadd.f32 v4, v3  }
0x35: {  	v1 =	vsel vm5, v12, v1;
	(erf) = vpow2.f32 v2;
	v2 =	vpop (erf)  }
0x36: {  	vm7 =	vgt.f32 v9, v1;
	v2 =	vadd.f32 v3, v2;
	v3 =	vimm.s32 $0x0  }
0x37: {  	v3 =	vsel vm7, $0xFFFFFFFF, v3;
	_ =	sdelay $0x2  }
0x38: {  	[tilespmem:$0x1FA70] =	vst v3;
	v3 =	vpop (erf)  }
0x39: {  	v1 =	vsel vm7, v9, v1;
	v2 =	vadd.f32 v2, v3  }
0x3a: {  	v52 =	vld [tilespmem:$0x10];
	v1 =	vsel vm2, v41, v1;
	v3 =	vpop (erf)  }
0x3b: {  	vm9 =	vgt.f32 v40, v1;
	v2 =	vadd.f32 v2, v3;
	v3 =	vld [tilespmem:$0x90]  }
0x3c: {  	v1 =	vsel vm9, v40, v1;
	v54 =	vpop (erf)  }
0x3d: {  	v1 =	vsel vm14, v42, v1;
	v2 =	vadd.f32 v2, v54  }
0x3e: {  	v13 =	vimm.s32 $0x0;
	v15 =	vimm.s32 $0x0;
	v56 =	vld [tilespmem:$0x110];
	v1 =	vsub.f32 v1, v43;
	v55 =	vpop (erf)  }
0x3f: {  	v17 =	vimm.s32 $0x0;
	v51 =	vimm.s32 $0x0;
	v2 =	vadd.f32 v2, v55  }
0x40: {  	v53 =	vimm.s32 $0x0;
	v57 =	vld [tilespmem:$0x190];
	v1 =	vmul.f32 $1.442695020e+00, v1;
	vm10 =	vgt.f32 v3, v52  }
0x41: {  	v13 =	vsel vm4, $0xFFFFFFFF, v13;
	(erf) = vrcp.f32 v2;
	vm4 =	vmneg vm10  }
0x42: {  	v59 =	vld [tilespmem:$0x210];
	(erf) = vpow2.f32 v1;
	v60 =	vsel vm4, v52, v3;
	v1 =	vimm.s32 $0x0  }
0x43: {  	[tilespmem:$0x1F9F0] =	vst v5;
	v15 =	vsel vm2, $0xFFFFFFFF, v15;
	v1 =	vsel vm4, $0xFFFFFFFF, v1;
	vm2 =	vgt.f32 v56, v60  }
0x44: {  	v61 =	vld [tilespmem:$0x290];
	v5 =	vsel vm6, $0xFFFFFFFF, v51;
	[tilespmem:$0x1FAB0] =	vst v1;
	v62 =	vsel vm2, v56, v60;
	v1 =	vimm.s32 $0x0  }
0x45: {  	[tilespmem:$0x1FA50] =	vst v5;
	v5 =	vsel vm9, $0xFFFFFFFF, v53;
	v1 =	vsel vm2, $0xFFFFFFFF, v1;
	vm9 =	vgt.f32 v57, v62  }
0x46: {  	v47 =	vimm.s32 $0x0;
	v63 =	vld [tilespmem:$0x310];
	[tilespmem:$0x1FAE0] =	vst v1;
	v24 =	vsel vm9, v57, v62;
	v1 =	vimm.s32 $0x0  }
0x47: {  	v6 =	vsel vm13, $0xFFFFFFFF, v47;
	v1 =	vsel vm9, $0xFFFFFFFF, v1;
	vm13 =	vgt.f32 v59, v24  }
0x48: {  	v46 =	vimm.s32 $0x0;
	v25 =	vld [tilespmem:$0x390];
	v17 =	vsel vm0, $0xFFFFFFFF, v17;
	v26 =	vsel vm13, v59, v24  }
0x49: {  	[tilespmem:$0x1F9D0] =	vst v17;
	v17 =	vsel vm12, $0xFFFFFFFF, v46;
	vm12 =	vgt.f32 v61, v26  }
0x4a: {  	[tilespmem:$0x1FB00] =	vst v1;
	v1 =	vpop (erf);
	v27 =	vsel vm12, v61, v26  }
0x4b: {  	v7 =	vimm.s32 $0x0;
	v2 =	vpop (erf);
	vm11 =	vgt.f32 v63, v27  }
0x4c: {  	v49 =	vimm.s32 $0x0;
	v2 =	vmul.f32 v1, v2;
	v28 =	vsel vm11, v63, v27  }
0x4d: {  	v29 =	vimm.s32 $0x0;
	v7 =	vsel vm3, $0xFFFFFFFF, v7;
	vm3 =	vgt.f32 v25, v28  }
0x4e: {  	v19 =	vimm.s32 $0x0;
	[tilespmem:$0x1FA00] =	vst v17;
	v30 =	vadd.f32 v2, v1;
	v18 =	vsel vm3, v25, v28  }
0x4f: {  	[tilespmem:$0x1FA10] =	vst v6;
	v6 =	vsel vm15, $0xFFFFFFFF, v49;
	v17 =	vsel vm11, $0xFFFFFFFF, v29;
	v31 =	vsub.f32 v52, v18  }
0x50: {  	vm14 =	vlt.f32 v3, $-Inf;
	[tilespmem:$0x1FB50] =	vst v17;
	v19 =	vsel vm3, $0xFFFFFFFF, v19;
	v17 =	vadd.f32 $9.999999680e-21, v30  }
0x51: {  	vm15 =	vgt.f32 v3, $-Inf;
	[tilespmem:$0x1FC00] =	vst v19;
	v32 =	vsub.f32 v3, v18;
	v19 =	vmul.f32 $1.442695020e+00, v31  }
0x52: {  	vm0 =	vmor vm15, vm14;
	(erf) = vrcp.f32 v17  }
0x53: {  	v33 =	vsub.f32 v56, v18;
	v17 =	vmul.f32 $1.442695020e+00, v32;
	(erf) = vpow2.f32 v19  }
0x54: {  	v3 =	vnsel vm0, $0xFF800000, v3  }
0x55: {  	v34 =	vsub.f32 v57, v18;
	v19 =	vmul.f32 $1.442695020e+00, v33;
	(erf) = vpow2.f32 v17  }
0x56: {  	v36 =	vsub.f32 v59, v18;
	v3 =	vsel vm4, v3, v52  }
0x57: {  	v35 =	vmul.f32 $1.442695020e+00, v34;
	vm4 =	vgt.f32 v56, v3;
	(erf) = vpow2.f32 v19  }
0x58: {  	v3 =	vsel vm4, v56, v3  }
0x59: {  	v38 =	vsub.f32 v61, v18;
	v39 =	vmul.f32 $1.442695020e+00, v36;
	(erf) = vpow2.f32 v35  }
0x5a: {  	v58 =	vimm.s32 $0x0;
	v42 =	vsub.f32 v63, v18;
	v8 =	vsel vm2, v60, v3  }
0x5b: {  	[tilespmem:$0x1FA30] =	vst v6;
	v6 =	vmul.f32 $1.442695020e+00, v38;
	vm6 =	vgt.f32 v57, v8;
	v3 =	vpop (erf);
	(erf) = vpow2.f32 v39  }
0x5c: {  	[tilespmem:$0x1FA90] =	vst v5;
	v43 =	vsub.f32 v25, v18;
	v4 =	vmul.f32 $1.442695020e+00, v42;
	v5 =	vsel vm6, v57, v8;
	v41 =	vpop (erf)  }
0x5d: {  	v5 =	vsel vm9, v62, v5;
	(erf) = vpow2.f32 v6;
	v8 =	vadd.f32 $0.0e+00, v41  }
0x5e: {  	[tilespmem:$0x1F9E0] =	vst v7;
	v7 =	vsel vm10, $0xFFFFFFFF, v58;
	v46 =	vmul.f32 $1.442695020e+00, v43;
	vm7 =	vgt.f32 v59, v5;
	v45 =	vpop (erf)  }
0x5f: {  	[tilespmem:$0x1FAC0] =	vst v7;
	v5 =	vsel vm7, v59, v5;
	(erf) = vpow2.f32 v4;
	v7 =	vadd.f32 v8, v45  }
0x60: {  	v48 =	vimm.s32 $0x0;
	v5 =	vsel vm13, v24, v5;
	v47 =	vpop (erf)  }
0x61: {  	vm9 =	vgt.f32 v61, v5;
	(erf) = vpow2.f32 v46;
	v6 =	vadd.f32 v7, v47  }
0x62: {  	v49 =	vsel vm9, v61, v5;
	v4 =	vsel vm9, $0xFFFFFFFF, v48;
	v50 =	vpop (erf)  }
0x63: {  	[tilespmem:$0x1FB20] =	vst v4;
	v4 =	vsel vm12, v26, v49;
	v5 =	vadd.f32 v6, v50  }
0x64: {  	vm10 =	vgt.f32 v63, v4;
	v51 =	vpop (erf)  }
0x65: {  	v54 =	vld [tilespmem:$0x20];
	v4 =	vsel vm10, v63, v4;
	v5 =	vadd.f32 v5, v51  }
0x66: {  	v55 =	vld [tilespmem:$0xA0];
	v4 =	vsel vm11, v27, v4;
	v53 =	vpop (erf)  }
0x67: {  	vm11 =	vgt.f32 v25, v4;
	v5 =	vadd.f32 v5, v53  }
0x68: {  	v4 =	vsel vm11, v25, v4;
	v57 =	vpop (erf)  }
0x69: {  	v59 =	vld [tilespmem:$0x120];
	v4 =	vsel vm3, v28, v4;
	v5 =	vadd.f32 v5, v57  }
0x6a: {  	v37 =	vimm.s32 $0x0;
	v4 =	vsub.f32 v4, v18;
	v58 =	vpop (erf)  }
0x6b: {  	v44 =	vimm.s32 $0x0;
	vm14 =	vgt.f32 v55, v54;
	v60 =	vld [tilespmem:$0x1A0];
	v5 =	vadd.f32 v5, v58  }
0x6c: {  	v10 =	vsel vm7, $0xFFFFFFFF, v44;
	vm3 =	vmneg vm14;
	v4 =	vmul.f32 $1.442695020e+00, v4  }
0x6d: {  	v62 =	vld [tilespmem:$0x220];
	v61 =	vimm.s32 $0x0;
	v63 =	vsel vm3, v54, v55;
	(erf) = vrcp.f32 v5  }
0x6e: {  	[tilespmem:$0x1FB10] =	vst v10;
	v10 =	vsel vm14, $0xFFFFFFFF, v61;
	vm14 =	vgt.f32 v59, v63;
	(erf) = vpow2.f32 v4  }
0x6f: {  	v29 =	vimm.s32 $0x0;
	v56 =	vimm.s32 $0x0;
	v26 =	vsel vm14, v59, v63  }
0x70: {  	v19 =	vsel vm4, $0xFFFFFFFF, v37;
	v24 =	vimm.s32 $0x0;
	v25 =	vld [tilespmem:$0x2A0];
	vm4 =	vgt.f32 v60, v26  }
0x71: {  	v32 =	vimm.s32 $0x0;
	v28 =	vsel vm4, v60, v26;
	v4 =	vsel vm3, $0xFFFFFFFF, v24  }
0x72: {  	v27 =	vld [tilespmem:$0x320];
	v8 =	vsel vm11, $0xFFFFFFFF, v56;
	vm11 =	vgt.f32 v62, v28;
	[tilespmem:$0x1FB80] =	vst v4;
	v4 =	vsel vm4, $0xFFFFFFFF, v29  }
0x73: {  	v14 =	vimm.s32 $0x0;
	[tilespmem:$0x1FBC0] =	vst v4;
	v4 =	vsel vm11, $0xFFFFFFFF, v32  }
0x74: {  	v20 =	vimm.s32 $0x0;
	v22 =	vimm.s32 $0x0;
	v30 =	vld [tilespmem:$0x3A0];
	v31 =	vsel vm11, v62, v28  }
0x75: {  	v14 =	vsel vm5, $0xFFFFFFFF, v14;
	v40 =	vimm.s32 $0x0;
	vm2 =	vgt.f32 v25, v31  }
0x76: {  	vm15 =	vlt.f32 v55, $-Inf;
	v34 =	vimm.s32 $0x0;
	v33 =	vsel vm2, v25, v31;
	[tilespmem:$0x1FBE0] =	vst v4;
	v4 =	vpop (erf)  }
0x77: {  	v17 =	vsel vm6, $0xFFFFFFFF, v40;
	v5 =	vsel vm2, $0xFFFFFFFF, v34;
	vm6 =	vgt.f32 v27, v33;
	v35 =	vpop (erf)  }
0x78: {  	vm5 =	vgt.f32 v55, $-Inf;
	[tilespmem:$0x1FC10] =	vst v5;
	v36 =	vsel vm6, v27, v33;
	v5 =	vmul.f32 v4, v35  }
0x79: {  	v20 =	vsel vm0, $0xFFFFFFFF, v20;
	vm0 =	vmor vm5, vm15;
	vm9 =	vgt.f32 v30, v36  }
0x7a: {  	v37 =	vimm.s32 $0x0;
	v21 =	vsel vm9, v30, v36;
	v38 =	vadd.f32 v5, v4  }
0x7b: {  	[tilespmem:$0x1FAA0] =	vst v20;
	v6 =	vnsel vm0, $0xFF800000, v55;
	v20 =	vsel vm6, $0xFFFFFFFF, v37;
	v39 =	vsub.f32 v54, v21  }
0x7c: {  	v6 =	vsel vm3, v6, v54;
	[tilespmem:$0x1FC30] =	vst v20;
	v22 =	vsel vm9, $0xFFFFFFFF, v22;
	v20 =	vadd.f32 $9.999999680e-21, v38  }
0x7d: {  	vm7 =	vgt.f32 v59, v6;
	[tilespmem:$0x1FC90] =	vst v22;
	v40 =	vsub.f32 v55, v21;
	v22 =	vmul.f32 $1.442695020e+00, v39  }
0x7e: {  	v6 =	vsel vm7, v59, v6;
	(erf) = vrcp.f32 v20  }
0x7f: {  	v41 =	vsub.f32 v59, v21;
	v20 =	vmul.f32 $1.442695020e+00, v40;
	(erf) = vpow2.f32 v22  }
0x80: {  	[tilespmem:$0x1FA20] =	vst v11;
	v52 =	vimm.s32 $0x0;
	v11 =	vsel vm14, v63, v6  }
0x81: {  	v42 =	vsub.f32 v60, v21;
	v22 =	vmul.f32 $1.442695020e+00, v41;
	(erf) = vpow2.f32 v20  }
0x82: {  	v7 =	vsel vm10, $0xFFFFFFFF, v52;
	vm10 =	vgt.f32 v60, v11  }
0x83: {  	v44 =	vsub.f32 v62, v21;
	v43 =	vmul.f32 $1.442695020e+00, v42;
	(erf) = vpow2.f32 v22  }
0x84: {  	[tilespmem:$0x1FB60] =	vst v8;
	v8 =	vsel vm10, v60, v11  }
0x85: {  	v46 =	vsub.f32 v25, v21;
	v47 =	vmul.f32 $1.442695020e+00, v44;
	(erf) = vpow2.f32 v43  }
0x86: {  	v8 =	vsel vm4, v26, v8  }
0x87: {  	v50 =	vsub.f32 v27, v21;
	v9 =	vmul.f32 $1.442695020e+00, v46;
	v6 =	vpop (erf);
	(erf) = vpow2.f32 v47  }
0x88: {  	vm15 =	vgt.f32 v62, v8;
	v51 =	vsub.f32 v30, v21;
	v49 =	vpop (erf)  }
0x89: {  	[tilespmem:$0x1FB30] =	vst v7;
	v7 =	vmul.f32 $1.442695020e+00, v50;
	(erf) = vpow2.f32 v9;
	v11 =	vadd.f32 $0.0e+00, v49  }
0x8a: {  	v8 =	vsel vm15, v62, v8;
	v53 =	vpop (erf)  }
0x8b: {  	[tilespmem:$0x1FB90] =	vst v10;
	v54 =	vmul.f32 $1.442695020e+00, v51;
	(erf) = vpow2.f32 v7;
	v10 =	vadd.f32 v11, v53  }
0x8c: {  	v56 =	vimm.s32 $0x0;
	v8 =	vsel vm11, v28, v8;
	v55 =	vpop (erf)  }
0x8d: {  	vm4 =	vgt.f32 v25, v8;
	(erf) = vpow2.f32 v54;
	v9 =	vadd.f32 v10, v55  }
0x8e: {  	v57 =	vsel vm4, v25, v8;
	v7 =	vsel vm4, $0xFFFFFFFF, v56;
	v58 =	vpop (erf)  }
0x8f: {  	[tilespmem:$0x1FBF0] =	vst v7;
	v7 =	vsel vm2, v31, v57;
	v8 =	vadd.f32 v9, v58  }
0x90: {  	vm5 =	vgt.f32 v27, v7;
	v59 =	vpop (erf)  }
0x91: {  	v63 =	vld [tilespmem:$0xB0];
	v7 =	vsel vm5, v27, v7;
	v8 =	vadd.f32 v8, v59  }
0x92: {  	v45 =	vimm.s32 $0x0;
	v62 =	vld [tilespmem:$0x30];
	v7 =	vsel vm6, v33, v7;
	v61 =	vpop (erf)  }
0x93: {  	v22 =	vsel vm7, $0xFFFFFFFF, v45;
	vm7 =	vgt.f32 v30, v7;
	v8 =	vadd.f32 v8, v61  }
0x94: {  	v7 =	vsel vm7, v30, v7;
	v29 =	vpop (erf)  }
0x95: {  	v31 =	vld [tilespmem:$0x130];
	v7 =	vsel vm9, v36, v7;
	v8 =	vadd.f32 v8, v29  }
0x96: {  	v7 =	vsub.f32 v7, v21;
	v30 =	vpop (erf)  }
0x97: {  	v32 =	vld [tilespmem:$0x1B0];
	vm9 =	vgt.f32 v63, v62;
	v8 =	vadd.f32 v8, v30  }
0x98: {  	vm4 =	vmneg vm9;
	v7 =	vmul.f32 $1.442695020e+00, v7  }
0x99: {  	v34 =	vld [tilespmem:$0x230];
	v35 =	vsel vm4, v62, v63;
	(erf) = vrcp.f32 v8  }
0x9a: {  	vm11 =	vgt.f32 v31, v35;
	(erf) = vpow2.f32 v7  }
0x9b: {  	v28 =	vimm.s32 $0x0;
	v38 =	vsel vm11, v31, v35  }
0x9c: {  	v37 =	vld [tilespmem:$0x2B0];
	v11 =	vsel vm7, $0xFFFFFFFF, v28;
	vm7 =	vgt.f32 v32, v38  }
0x9d: {  	v23 =	vimm.s32 $0x0;
	v36 =	vimm.s32 $0x0;
	v40 =	vsel vm7, v32, v38  }
0x9e: {  	v39 =	vld [tilespmem:$0x330];
	v43 =	vimm.s32 $0x0;
	vm6 =	vgt.f32 v34, v40;
	v7 =	vsel vm4, $0xFFFFFFFF, v36  }
0x9f: {  	v23 =	vsel vm0, $0xFFFFFFFF, v23;
	v48 =	vimm.s32 $0x0;
	[tilespmem:$0x1FC60] =	vst v7;
	v7 =	vsel vm6, $0xFFFFFFFF, v43  }
0xa0: {  	v52 =	vimm.s32 $0x0;
	v60 =	vimm.s32 $0x0;
	v41 =	vld [tilespmem:$0x3B0];
	v42 =	vsel vm6, v34, v40  }
0xa1: {  	[tilespmem:$0x1FA40] =	vst v13;
	v13 =	vsel vm15, $0xFFFFFFFF, v52;
	v10 =	vsel vm5, $0xFFFFFFFF, v60;
	vm5 =	vgt.f32 v37, v42  }
0xa2: {  	vm15 =	vgt.f32 v63, $-Inf;
	v45 =	vimm.s32 $0x0;
	v44 =	vsel vm5, v37, v42;
	[tilespmem:$0x1FCC0] =	vst v7;
	v7 =	vpop (erf)  }
0xa3: {  	v25 =	vimm.s32 $0x0;
	v8 =	vsel vm5, $0xFFFFFFFF, v45;
	vm3 =	vgt.f32 v39, v44;
	v46 =	vpop (erf)  }
0xa4: {  	v20 =	vsel vm10, $0xFFFFFFFF, v48;
	[tilespmem:$0x1FCE0] =	vst v8;
	v47 =	vsel vm3, v39, v44;
	v8 =	vmul.f32 v7, v46  }
0xa5: {  	v48 =	vimm.s32 $0x0;
	vm10 =	vlt.f32 v63, $-Inf;
	vm2 =	vgt.f32 v41, v47  }
0xa6: {  	vm0 =	vmor vm15, vm10;
	v24 =	vsel vm2, v41, v47;
	v49 =	vadd.f32 v8, v7  }
0xa7: {  	[tilespmem:$0x1FB70] =	vst v23;
	v9 =	vnsel vm0, $0xFF800000, v63;
	v23 =	vsel vm3, $0xFFFFFFFF, v48;
	v50 =	vsub.f32 v62, v24  }
0xa8: {  	v9 =	vsel vm4, v9, v62;
	[tilespmem:$0x1FD00] =	vst v23;
	v25 =	vsel vm2, $0xFFFFFFFF, v25;
	v23 =	vadd.f32 $9.999999680e-21, v49  }
0xa9: {  	vm4 =	vgt.f32 v31, v9;
	[tilespmem:$0x1FD90] =	vst v25;
	v51 =	vsub.f32 v63, v24;
	v25 =	vmul.f32 $1.442695020e+00, v50  }
0xaa: {  	v9 =	vsel vm4, v31, v9;
	(erf) = vrcp.f32 v23  }
0xab: {  	v52 =	vsub.f32 v31, v24;
	v23 =	vmul.f32 $1.442695020e+00, v51;
	(erf) = vpow2.f32 v25  }
0xac: {  	[tilespmem:$0x1FA60] =	vst v14;
	v33 =	vimm.s32 $0x0;
	v14 =	vsel vm11, v35, v9  }
0xad: {  	v53 =	vsub.f32 v32, v24;
	v25 =	vmul.f32 $1.442695020e+00, v52;
	(erf) = vpow2.f32 v23  }
0xae: {  	v26 =	vimm.s32 $0x0;
	[tilespmem:$0x1FBD0] =	vst v13;
	v13 =	vsel vm9, $0xFFFFFFFF, v33;
	vm9 =	vgt.f32 v32, v14  }
0xaf: {  	v55 =	vsub.f32 v34, v24;
	v54 =	vmul.f32 $1.442695020e+00, v53;
	(erf) = vpow2.f32 v25  }
0xb0: {  	v26 =	vsel vm0, $0xFFFFFFFF, v26;
	[tilespmem:$0x1FC40] =	vst v11;
	v11 =	vsel vm9, v32, v14  }
0xb1: {  	v57 =	vsub.f32 v37, v24;
	v58 =	vmul.f32 $1.442695020e+00, v55;
	(erf) = vpow2.f32 v54  }
0xb2: {  	v59 =	vimm.s32 $0x0;
	v61 =	vsub.f32 v39, v24;
	v11 =	vsel vm7, v38, v11  }
0xb3: {  	v12 =	vmul.f32 $1.442695020e+00, v57;
	v23 =	vsel vm9, $0xFFFFFFFF, v59;
	v9 =	vpop (erf);
	(erf) = vpow2.f32 v58  }
0xb4: {  	v56 =	vimm.s32 $0x0;
	[tilespmem:$0x1FC20] =	vst v10;
	v62 =	vsub.f32 v41, v24;
	vm10 =	vgt.f32 v34, v11;
	v60 =	vpop (erf)  }
0xb5: {  	[tilespmem:$0x1FC70] =	vst v13;
	v10 =	vmul.f32 $1.442695020e+00, v61;
	(erf) = vpow2.f32 v12;
	v14 =	vadd.f32 $0.0e+00, v60  }
0xb6: {  	v11 =	vsel vm10, v34, v11;
	v25 =	vsel vm4, $0xFFFFFFFF, v56;
	[tilespmem:$0x1FCA0] =	vst v23;
	v23 =	vpop (erf)  }
0xb7: {  	[tilespmem:$0x1FC80] =	vst v25;
	v25 =	vmul.f32 $1.442695020e+00, v62;
	(erf) = vpow2.f32 v10;
	v13 =	vadd.f32 v14, v23  }
0xb8: {  	[tilespmem:$0x1FC50] =	vst v26;
	v27 =	vimm.s32 $0x0;
	v11 =	vsel vm6, v40, v11;
	v26 =	vpop (erf)  }
0xb9: {  	vm15 =	vgt.f32 v37, v11;
	(erf) = vpow2.f32 v25;
	v12 =	vadd.f32 v13, v26  }
0xba: {  	v28 =	vsel vm15, v37, v11;
	v10 =	vsel vm15, $0xFFFFFFFF, v27;
	v29 =	vpop (erf)  }
0xbb: {  	[tilespmem:$0x1FCD0] =	vst v10;
	v10 =	vsel vm5, v42, v28;
	v11 =	vadd.f32 v12, v29  }
0xbc: {  	vm4 =	vgt.f32 v39, v10;
	v30 =	vpop (erf)  }
0xbd: {  	v10 =	vsel vm4, v39, v10;
	v11 =	vadd.f32 v11, v30  }
0xbe: {  	v33 =	vld [tilespmem:$0x40];
	v10 =	vsel vm3, v44, v10;
	v32 =	vpop (erf)  }
0xbf: {  	v34 =	vld [tilespmem:$0xC0];
	vm5 =	vgt.f32 v41, v10;
	v11 =	vadd.f32 v11, v32  }
0xc0: {  	v10 =	vsel vm5, v41, v10;
	v36 =	vpop (erf)  }
0xc1: {  	v10 =	vsel vm2, v47, v10;
	v11 =	vadd.f32 v11, v36  }
0xc2: {  	v38 =	vld [tilespmem:$0x140];
	v10 =	vsub.f32 v10, v24;
	v37 =	vpop (erf)  }
0xc3: {  	v11 =	vadd.f32 v11, v37  }
0xc4: {  	vm6 =	vgt.f32 v34, v33;
	v39 =	vld [tilespmem:$0x1C0];
	v10 =	vmul.f32 $1.442695020e+00, v10  }
0xc5: {  	vm2 =	vmneg vm6;
	(erf) = vrcp.f32 v11  }
0xc6: {  	v63 =	vimm.s32 $0x0;
	v41 =	vld [tilespmem:$0x240];
	v42 =	vsel vm2, v33, v34;
	(erf) = vpow2.f32 v10  }
0xc7: {  	v16 =	vsel vm10, $0xFFFFFFFF, v63;
	vm10 =	vgt.f32 v38, v42  }
0xc8: {  	v44 =	vld [tilespmem:$0x2C0];
	v45 =	vsel vm10, v38, v42  }
0xc9: {  	v43 =	vimm.s32 $0x0;
	vm3 =	vgt.f32 v39, v45  }
0xca: {  	v35 =	vimm.s32 $0x0;
	v31 =	vimm.s32 $0x0;
	v46 =	vld [tilespmem:$0x340];
	v47 =	vsel vm3, v39, v45  }
0xcb: {  	v48 =	vimm.s32 $0x0;
	v13 =	vsel vm4, $0xFFFFFFFF, v31;
	vm4 =	vgt.f32 v41, v47  }
0xcc: {  	[tilespmem:$0x1FBA0] =	vst v22;
	v22 =	vld [tilespmem:$0x3C0];
	v50 =	vimm.s32 $0x0;
	v49 =	vsel vm4, v41, v47;
	v10 =	vsel vm2, $0xFFFFFFFF, v43  }
0xcd: {  	v14 =	vsel vm5, $0xFFFFFFFF, v35;
	vm5 =	vgt.f32 v44, v49;
	[tilespmem:$0x1FD30] =	vst v10;
	v10 =	vsel vm3, $0xFFFFFFFF, v48  }
0xce: {  	v52 =	vimm.s32 $0x0;
	v51 =	vsel vm5, v44, v49;
	[tilespmem:$0x1FD70] =	vst v10;
	v10 =	vsel vm4, $0xFFFFFFFF, v50;
	v11 =	vpop (erf)  }
0xcf: {  	v55 =	vimm.s32 $0x0;
	vm15 =	vgt.f32 v46, v51;
	[tilespmem:$0x1FDA0] =	vst v10;
	v10 =	vsel vm5, $0xFFFFFFFF, v52;
	v53 =	vpop (erf)  }
0xd0: {  	v40 =	vimm.s32 $0x0;
	v54 =	vsel vm15, v46, v51;
	[tilespmem:$0x1FE40] =	vst v10;
	v10 =	vmul.f32 v11, v53  }
0xd1: {  	[tilespmem:$0x1FCB0] =	vst v16;
	vm0 =	vlt.f32 v34, $-Inf;
	v16 =	vsel vm6, $0xFFFFFFFF, v40;
	vm6 =	vgt.f32 v22, v54  }
0xd2: {  	vm9 =	vgt.f32 v34, $-Inf;
	v27 =	vsel vm6, v22, v54;
	v56 =	vadd.f32 v10, v11  }
0xd3: {  	v28 =	vimm.s32 $0x0;
	v26 =	vsel vm15, $0xFFFFFFFF, v55;
	v57 =	vsub.f32 v33, v27  }
0xd4: {  	vm0 =	vmor vm9, vm0;
	[tilespmem:$0x1FEA0] =	vst v26;
	v28 =	vsel vm6, $0xFFFFFFFF, v28;
	v26 =	vadd.f32 $9.999999680e-21, v56  }
0xd5: {  	v12 =	vnsel vm0, $0xFF800000, v34;
	[tilespmem:$0x1FF20] =	vst v28;
	v58 =	vsub.f32 v34, v27;
	v28 =	vmul.f32 $1.442695020e+00, v57  }
0xd6: {  	v12 =	vsel vm2, v12, v33;
	(erf) = vrcp.f32 v26  }
0xd7: {  	v59 =	vsub.f32 v38, v27;
	v26 =	vmul.f32 $1.442695020e+00, v58;
	(erf) = vpow2.f32 v28  }
0xd8: {  	vm9 =	vgt.f32 v38, v12  }
0xd9: {  	v60 =	vsub.f32 v39, v27;
	v28 =	vmul.f32 $1.442695020e+00, v59;
	(erf) = vpow2.f32 v26  }
0xda: {  	v12 =	vsel vm9, v38, v12  }
0xdb: {  	v62 =	vsub.f32 v41, v27;
	v61 =	vmul.f32 $1.442695020e+00, v60;
	(erf) = vpow2.f32 v28  }
0xdc: {  	[tilespmem:$0x1FAF0] =	vst v17;
	v63 =	vimm.s32 $0x0;
	v17 =	vsel vm10, v42, v12;
	v31 =	vsub.f32 v44, v27  }
0xdd: {  	v33 =	vimm.s32 $0x0;
	v32 =	vmul.f32 $1.442695020e+00, v62;
	(erf) = vpow2.f32 v61  }
0xde: {  	[tilespmem:$0x1FA80] =	vst v15;
	v35 =	vsub.f32 v46, v27;
	v37 =	vsub.f32 v22, v27;
	v15 =	vmul.f32 $1.442695020e+00, v31  }
0xdf: {  	v28 =	vsel vm9, $0xFFFFFFFF, v63;
	vm9 =	vgt.f32 v39, v17;
	v12 =	vpop (erf);
	(erf) = vpow2.f32 v32  }
0xe0: {  	[tilespmem:$0x1FD10] =	vst v14;
	v38 =	vimm.s32 $0x0;
	v36 =	vmul.f32 $1.442695020e+00, v35;
	v14 =	vsel vm9, v39, v17;
	v34 =	vpop (erf)  }
0xe1: {  	[tilespmem:$0x1FCF0] =	vst v13;
	v14 =	vsel vm3, v45, v14;
	(erf) = vpow2.f32 v15;
	v13 =	vadd.f32 $0.0e+00, v34  }
0xe2: {  	v40 =	vmul.f32 $1.442695020e+00, v37;
	v26 =	vsel vm9, $0xFFFFFFFF, v33;
	vm9 =	vgt.f32 v41, v14;
	v39 =	vpop (erf)  }
0xe3: {  	v14 =	vsel vm9, v41, v14;
	(erf) = vpow2.f32 v36;
	v13 =	vadd.f32 v13, v39  }
0xe4: {  	[tilespmem:$0x1FAD0] =	vst v19;
	v19 =	vsel vm9, $0xFFFFFFFF, v38;
	v14 =	vsel vm4, v47, v14;
	v41 =	vpop (erf)  }
0xe5: {  	vm9 =	vgt.f32 v44, v14;
	(erf) = vpow2.f32 v40;
	v13 =	vadd.f32 v13, v41  }
0xe6: {  	v14 =	vsel vm9, v44, v14;
	v43 =	vpop (erf)  }
0xe7: {  	v14 =	vsel vm5, v49, v14;
	v13 =	vadd.f32 v13, v43  }
0xe8: {  	vm4 =	vgt.f32 v46, v14;
	v44 =	vpop (erf)  }
0xe9: {  	v48 =	vld [tilespmem:$0xD0];
	v14 =	vsel vm4, v46, v14;
	v13 =	vadd.f32 v13, v44  }
0xea: {  	v47 =	vld [tilespmem:$0x50];
	v14 =	vsel vm15, v51, v14;
	v46 =	vpop (erf)  }
0xeb: {  	vm5 =	vgt.f32 v22, v14;
	v13 =	vadd.f32 v13, v46  }
0xec: {  	v1 =	vmul.f32 v3, v1;
	v2 =	vmul.f32 v3, v2;
	v14 =	vsel vm5, v22, v14;
	v50 =	vpop (erf)  }
0xed: {  	v42 =	vimm.s32 $0x0;
	v52 =	vld [tilespmem:$0x150];
	v14 =	vsel vm6, v54, v14;
	v13 =	vadd.f32 v13, v50  }
0xee: {  	v4 =	vmul.f32 v6, v4;
	v15 =	vsel vm9, $0xFFFFFFFF, v42;
	v14 =	vsub.f32 v14, v27;
	v51 =	vpop (erf)  }
0xef: {  	v53 =	vld [tilespmem:$0x1D0];
	vm9 =	vgt.f32 v48, v47;
	v54 =	vimm.s32 $0x0;
	v13 =	vadd.f32 v13, v51  }
0xf0: {  	[tilespmem:$0x1FD80] =	vst v19;
	vm15 =	vmneg vm9;
	v19 =	vsel vm9, $0xFFFFFFFF, v54;
	v14 =	vmul.f32 $1.442695020e+00, v14  }
0xf1: {  	v5 =	vmul.f32 v6, v5;
	v55 =	vsel vm15, v47, v48;
	[tilespmem:$0x1FDE0] =	vst v19;
	v19 =	vld [tilespmem:$0x250];
	(erf) = vrcp.f32 v13  }
0xf2: {  	v60 =	vimm.s32 $0x0;
	vm9 =	vgt.f32 v52, v55;
	(erf) = vpow2.f32 v14  }
0xf3: {  	v62 =	vimm.s32 $0x0;
	v56 =	vimm.s32 $0x0;
	v57 =	vsel vm9, v52, v55  }
0xf4: {  	v21 =	vld [tilespmem:$0x2D0];
	v58 =	vimm.s32 $0x0;
	vm6 =	vgt.f32 v53, v57;
	v13 =	vsel vm15, $0xFFFFFFFF, v56  }
0xf5: {  	v49 =	vimm.s32 $0x0;
	v59 =	vsel vm6, v53, v57;
	[tilespmem:$0x1FDD0] =	vst v13;
	v13 =	vsel vm9, $0xFFFFFFFF, v58  }
0xf6: {  	v23 =	vld [tilespmem:$0x350];
	v17 =	vsel vm5, $0xFFFFFFFF, v49;
	vm5 =	vgt.f32 v19, v59;
	[tilespmem:$0x1FE00] =	vst v13;
	v13 =	vsel vm6, $0xFFFFFFFF, v60  }
0xf7: {  	v7 =	vmul.f32 v9, v7;
	v29 =	vimm.s32 $0x0;
	[tilespmem:$0x1FE20] =	vst v13;
	v13 =	vsel vm5, $0xFFFFFFFF, v62  }
0xf8: {  	v25 =	vld [tilespmem:$0x3D0];
	v29 =	vsel vm0, $0xFFFFFFFF, v29;
	v45 =	vimm.s32 $0x0;
	v61 =	vsel vm5, v19, v59  }
0xf9: {  	[tilespmem:$0x1FD40] =	vst v16;
	v35 =	vimm.s32 $0x0;
	v16 =	vsel vm4, $0xFFFFFFFF, v45;
	vm4 =	vgt.f32 v21, v61  }
0xfa: {  	v31 =	vimm.s32 $0x0;
	vm0 =	vlt.f32 v48, $-Inf;
	v63 =	vsel vm4, v21, v61;
	[tilespmem:$0x1FE50] =	vst v13;
	v13 =	vpop (erf)  }
0xfb: {  	vm1 =	vgt.f32 v48, $-Inf;
	v14 =	vsel vm4, $0xFFFFFFFF, v35;
	vm3 =	vgt.f32 v23, v63;
	v36 =	vpop (erf)  }
0xfc: {  	vm0 =	vmor vm1, vm0;
	[tilespmem:$0x1FE80] =	vst v14;
	v37 =	vsel vm3, v23, v63;
	v14 =	vmul.f32 v13, v36  }
0xfd: {  	v33 =	vimm.s32 $0x0;
	v38 =	vimm.s32 $0x0;
	vm2 =	vgt.f32 v25, v37  }
0xfe: {  	[tilespmem:$0x1FD20] =	vst v29;
	v32 =	vimm.s32 $0x0;
	v30 =	vsel vm2, v25, v37;
	v39 =	vadd.f32 v14, v13  }
0xff: {  	[tilespmem:$0x1FDB0] =	vst v15;
	v15 =	vnsel vm0, $0xFF800000, v48;
	v29 =	vsel vm3, $0xFFFFFFFF, v38;
	v40 =	vsub.f32 v47, v30  }
0x100: {  	v15 =	vsel vm15, v15, v47;
	[tilespmem:$0x1FEC0] =	vst v29;
	v31 =	vsel vm2, $0xFFFFFFFF, v31;
	v29 =	vadd.f32 $9.999999680e-21, v39  }
0x101: {  	vm15 =	vgt.f32 v52, v15;
	[tilespmem:$0x1FF30] =	vst v31;
	v41 =	vsub.f32 v48, v30;
	v31 =	vmul.f32 $1.442695020e+00, v40  }
0x102: {  	v32 =	vsel vm0, $0xFFFFFFFF, v32;
	v15 =	vsel vm15, v52, v15;
	(erf) = vrcp.f32 v29  }
0x103: {  	[tilespmem:$0x1FBB0] =	vst v20;
	v42 =	vsub.f32 v52, v30;
	v29 =	vmul.f32 $1.442695020e+00, v41;
	(erf) = vpow2.f32 v31  }
0x104: {  	[tilespmem:$0x1FDC0] =	vst v32;
	v32 =	vimm.s32 $0x0;
	v34 =	vimm.s32 $0x0;
	v20 =	vsel vm9, v55, v15  }
0x105: {  	v43 =	vsub.f32 v53, v30;
	v31 =	vmul.f32 $1.442695020e+00, v42;
	(erf) = vpow2.f32 v29  }
0x106: {  	v49 =	vimm.s32 $0x0;
	v54 =	vimm.s32 $0x0;
	vm9 =	vgt.f32 v53, v20  }
0x107: {  	v45 =	vsub.f32 v19, v30;
	v44 =	vmul.f32 $1.442695020e+00, v43;
	(erf) = vpow2.f32 v31  }
0x108: {  	[tilespmem:$0x1FEB0] =	vst v17;
	v46 =	vimm.s32 $0x0;
	v17 =	vsel vm9, v53, v20;
	v47 =	vsub.f32 v21, v30  }
0x109: {  	v17 =	vsel vm6, v57, v17;
	v48 =	vmul.f32 $1.442695020e+00, v45;
	(erf) = vpow2.f32 v44  }
0x10a: {  	v51 =	vsub.f32 v23, v30;
	v31 =	vsel vm15, $0xFFFFFFFF, v46;
	vm15 =	vgt.f32 v19, v17  }
0x10b: {  	v18 =	vmul.f32 $1.442695020e+00, v47;
	v17 =	vsel vm15, v19, v17;
	v15 =	vpop (erf);
	(erf) = vpow2.f32 v48  }
0x10c: {  	v53 =	vsub.f32 v25, v30;
	v52 =	vmul.f32 $1.442695020e+00, v51;
	v17 =	vsel vm5, v59, v17;
	v50 =	vpop (erf)  }
0x10d: {  	[tilespmem:$0x1FE60] =	vst v16;
	vm6 =	vgt.f32 v21, v17;
	(erf) = vpow2.f32 v18;
	v16 =	vadd.f32 $0.0e+00, v50  }
0x10e: {  	v27 =	vimm.s32 $0x0;
	v56 =	vmul.f32 $1.442695020e+00, v53;
	v17 =	vsel vm6, v21, v17;
	v55 =	vpop (erf)  }
0x10f: {  	v35 =	vld [tilespmem:$0x1F9D0];
	v17 =	vsel vm4, v61, v17;
	(erf) = vpow2.f32 v52;
	v16 =	vadd.f32 v16, v55  }
0x110: {  	v36 =	vld [tilespmem:$0x1F9E0];
	v29 =	vsel vm9, $0xFFFFFFFF, v49;
	v61 =	vimm.s32 $0x0;
	vm9 =	vgt.f32 v23, v17;
	v57 =	vpop (erf)  }
0x111: {  	v40 =	vld [tilespmem:$0x1FA00];
	v19 =	vsel vm9, $0xFFFFFFFF, v61;
	(erf) = vpow2.f32 v56;
	v16 =	vadd.f32 v16, v57  }
0x112: {  	v58 =	vimm.s32 $0x0;
	v38 =	vimm.s32 $0x0;
	v17 =	vsel vm9, v23, v17;
	[tilespmem:$0x1FE90] =	vst v19;
	v19 =	vld [tilespmem:$0x60];
	v59 =	vpop (erf)  }
0x113: {  	v41 =	vimm.s32 $0x0;
	v17 =	vsel vm3, v63, v17;
	v63 =	vld [tilespmem:$0xE0];
	v16 =	vadd.f32 v16, v59  }
0x114: {  	v22 =	vsel vm15, $0xFFFFFFFF, v54;
	v44 =	vimm.s32 $0x0;
	vm5 =	vnez.u8 v35;
	v60 =	vpop (erf)  }
0x115: {  	v54 =	vld [tilespmem:$0x1FAA0];
	v18 =	vsel vm6, $0xFFFFFFFF, v58;
	vm6 =	vnez.u8 v36;
	v16 =	vadd.f32 v16, v60  }
0x116: {  	v21 =	vld [tilespmem:$0x160];
	v36 =	vimm.s32 $0x0;
	vm0 =	vmand vm6, vm5;
	vm15 =	vgt.f32 v25, v17;
	v62 =	vpop (erf)  }
0x117: {  	v39 =	vld [tilespmem:$0x1F9F0];
	[tilespmem:$0x1FE10] =	vst v29;
	v20 =	vsel vm15, $0xFFFFFFFF, v27;
	v17 =	vsel vm15, v25, v17;
	v16 =	vadd.f32 v16, v62  }
0x118: {  	vm5 =	vnez.u8 v40;
	[tilespmem:$0x1FED0] =	vst v20;
	v17 =	vsel vm2, v37, v17;
	v20 =	vld [tilespmem:$0x1E0];
	vm4 =	vgt.f32 v63, v19;
	v29 =	vpop (erf)  }
0x119: {  	[tilespmem:$0x1FDF0] =	vst v31;
	v37 =	vsel vm0, $0x1, v0;
	vm15 =	vmneg vm4;
	v16 =	vadd.f32 v16, v29  }
0x11a: {  	v24 =	vld [tilespmem:$0x2E0];
	[tilespmem:$0x1FE30] =	vst v22;
	v17 =	vsub.f32 v17, v30;
	v22 =	vsel vm4, $0xFFFFFFFF, v32;
	v23 =	vsel vm15, v19, v63;
	v31 =	vpop (erf)  }
0x11b: {  	vm0 =	vnez.u8 v54;
	[tilespmem:$0x1FF00] =	vst v22;
	v22 =	vld [tilespmem:$0x260];
	vm9 =	vgt.f32 v21, v23;
	v16 =	vadd.f32 v16, v31  }
0x11c: {  	v42 =	vld [tilespmem:$0x1FA10];
	v17 =	vmul.f32 $1.442695020e+00, v17;
	vm4 =	vnez.u8 v39;
	v25 =	vsel vm9, v21, v23  }
0x11d: {  	[tilespmem:$0x1FD50] =	vst v28;
	v28 =	vld [tilespmem:$0x3E0];
	vm6 =	vgt.f32 v20, v25;
	(erf) = vrcp.f32 v16;
	v16 =	vsel vm15, $0xFFFFFFFF, v33  }
0x11e: {  	v43 =	vld [tilespmem:$0x1FA20];
	v60 =	vimm.s32 $0x0;
	v27 =	vsel vm6, v20, v25;
	[tilespmem:$0x1FEF0] =	vst v16;
	v16 =	vsel vm9, $0xFFFFFFFF, v34  }
0x11f: {  	v46 =	vld [tilespmem:$0x1FA30];
	(erf) = vpow2.f32 v17;
	v17 =	vsel vm6, $0xFFFFFFFF, v38;
	v34 =	vimm.s32 $0x0;
	[tilespmem:$0x1FF40] =	vst v16  }
0x120: {  	v33 =	vld [tilespmem:$0x1FA40];
	[tilespmem:$0x1FF60] =	vst v17;
	v17 =	vsel vm4, $0x1, v0;
	v16 =	vsel vm5, $0x2, v37;
	vm5 =	vgt.f32 v22, v27  }
0x121: {  	[tilespmem:$0x1FD60] =	vst v26;
	v26 =	vld [tilespmem:$0x360];
	vm4 =	vnez.u8 v42;
	v42 =	vimm.s32 $0x0;
	v16 =	vsel vm8, v17, v16  }
0x122: {  	v48 =	vld [tilespmem:$0x1FA50];
	v29 =	vsel vm5, v22, v27;
	v30 =	vsel vm5, $0xFFFFFFFF, v41;
	v17 =	vsel vm8, $0x2, v17  }
0x123: {  	v49 =	vld [tilespmem:$0x1FA60];
	vm8 =	vnez.u8 v43;
	v16 =	vsel vm4, $0x3, v16;
	vm4 =	vgt.f32 v24, v29  }
0x124: {  	[tilespmem:$0x1FF80] =	vst v30;
	v45 =	vsel vm8, $0x3, v17;
	v30 =	vsel vm8, v17, v16;
	vm8 =	vnez.u8 v46  }
0x125: {  	v51 =	vld [tilespmem:$0x1FA70];
	v31 =	vsel vm4, v24, v29;
	v17 =	vsel vm8, $0x4, v30;
	vm8 =	vnez.u8 v33  }
0x126: {  	v32 =	vsel vm4, $0xFFFFFFFF, v44;
	vm3 =	vgt.f32 v26, v31;
	v33 =	vsel vm8, v45, v17  }
0x127: {  	v37 =	vld [tilespmem:$0x1FA80];
	[tilespmem:$0x1FFB0] =	vst v32;
	v30 =	vsel vm3, v26, v31;
	v32 =	vsel vm8, $0x4, v45;
	vm8 =	vnez.u8 v48  }
0x128: {  	v33 =	vsel vm8, $0x5, v33;
	vm2 =	vgt.f32 v28, v30;
	vm8 =	vnez.u8 v49  }
0x129: {  	v53 =	vld [tilespmem:$0x1FA90];
	v34 =	vsel vm3, $0xFFFFFFFF, v34;
	v33 =	vsel vm8, v32, v33;
	v35 =	vsel vm2, v28, v30  }
0x12a: {  	v36 =	vsel vm2, $0xFFFFFFFF, v36;
	v32 =	vsel vm8, $0x5, v32;
	vm8 =	vnez.u8 v51  }
0x12b: {  	v16 =	vpop (erf);
	v33 =	vsel vm8, $0x6, v33;
	v52 =	vsub.f32 v19, v35;
	v57 =	vsub.f32 v63, v35  }
0x12c: {  	v55 =	vld [tilespmem:$0x1FAB0];
	v47 =	vpop (erf);
	vm8 =	vnez.u8 v37;
	v59 =	vsub.f32 v21, v35;
	v41 =	vsub.f32 v22, v35  }
0x12d: {  	v38 =	vld [tilespmem:$0x1FAC0];
	v44 =	vsub.f32 v24, v35;
	v49 =	vsub.f32 v26, v35;
	v17 =	vmul.f32 v16, v47  }
0x12e: {  	v39 =	vld [tilespmem:$0x1FAD0];
	v33 =	vsel vm8, v32, v33;
	v32 =	vsel vm8, $0x6, v32;
	vm8 =	vnez.u8 v53  }
0x12f: {  	v47 =	vimm.s32 $0x0;
	v53 =	vsub.f32 v28, v35;
	v33 =	vsel vm8, $0x7, v33  }
0x130: {  	v58 =	vld [tilespmem:$0x1FAE0];
	[tilespmem:$0x1FFF0] =	vst v36;
	v36 =	vmul.f32 $1.442695020e+00, v52;
	v61 =	vmul.f32 $1.442695020e+00, v59;
	v50 =	vadd.f32 v17, v16  }
0x131: {  	vm8 =	vnez.u8 v55;
	v45 =	vmul.f32 $1.442695020e+00, v41;
	v51 =	vmul.f32 $1.442695020e+00, v49  }
0x132: {  	[tilespmem:$0x1FFD0] =	vst v34;
	vm0 =	vmand vm8, vm0;
	vm8 =	vnez.u8 v38;
	v34 =	vadd.f32 $9.999999680e-21, v50  }
0x133: {  	v56 =	vsel vm0, $0x1, v0;
	v38 =	vsel vm8, $0x1, v0;
	vm8 =	vnez.u8 v39  }
0x134: {  	v62 =	vld [tilespmem:$0x1FAF0];
	vm0 =	vlt.f32 v63, $-Inf;
	v37 =	vsel vm8, $0x2, v56;
	(erf) = vrcp.f32 v34  }
0x135: {  	vm8 =	vnez.u8 v58;
	v34 =	vmul.f32 $1.442695020e+00, v57;
	(erf) = vpow2.f32 v36  }
0x136: {  	v36 =	vsel vm8, v38, v37;
	v38 =	vsel vm8, $0x2, v38;
	vm8 =	vgt.f32 v63, $-Inf  }
0x137: {  	v55 =	vimm.s32 $0x0;
	v59 =	vimm.s32 $0x0;
	v58 =	vld [tilespmem:$0x1FB20];
	vm1 =	vmor vm8, vm0  }
0x138: {  	[tilespmem:$0x1FE70] =	vst v18;
	v46 =	vld [tilespmem:$0x1FB10];
	(erf) = vpow2.f32 v34;
	v39 =	vsel vm1, $0xFFFFFFFF, v60;
	v18 =	vnsel vm1, $0xFF800000, v63  }
0x139: {  	vm8 =	vnez.u8 v62;
	v63 =	vsub.f32 v20, v35;
	[tilespmem:$0x1FEE0] =	vst v39;
	v18 =	vsel vm15, v18, v19;
	v39 =	vld [tilespmem:$0x1FB00]  }
0x13a: {  	v36 =	vsel vm8, $0x3, v36;
	(erf) = vpow2.f32 v61;
	vm8 =	vgt.f32 v21, v18  }
0x13b: {  	v56 =	vmul.f32 $1.442695020e+00, v53;
	v40 =	vmul.f32 $1.442695020e+00, v63;
	v18 =	vsel vm8, v21, v18  }
0x13c: {  	v37 =	vsel vm8, $0xFFFFFFFF, v42;
	v21 =	vmul.f32 $1.442695020e+00, v44;
	vm8 =	vnez.u8 v58  }
0x13d: {  	v23 =	vsel vm9, v23, v18;
	(erf) = vpow2.f32 v40;
	vm9 =	vnez.u8 v46  }
0x13e: {  	[tilespmem:$0x1FF10] =	vst v37;
	v37 =	vimm.s32 $0x0;
	vm15 =	vnez.u8 v39;
	v18 =	vpop (erf);
	(erf) = vpow2.f32 v45  }
0x13f: {  	v61 =	vld [tilespmem:$0x1FB30];
	v19 =	vsel vm15, v38, v36;
	v43 =	vsel vm15, $0x3, v38;
	vm15 =	vgt.f32 v20, v23  }
0x140: {  	v48 =	vpop (erf);
	(erf) = vpow2.f32 v21;
	v19 =	vsel vm9, $0x4, v19;
	v36 =	vsel vm15, $0xFFFFFFFF, v47  }
0x141: {  	v39 =	vld [tilespmem:$0x1FB70];
	v20 =	vsel vm15, v20, v23;
	v50 =	vadd.f32 $0.0e+00, v48;
	v54 =	vsel vm13, $0x4, v43  }
0x142: {  	v44 =	vld [tilespmem:$0x1FB90];
	v52 =	vpop (erf);
	(erf) = vpow2.f32 v51;
	v51 =	vimm.s32 $0x0;
	v20 =	vsel vm6, v25, v20  }
0x143: {  	v38 =	vld [tilespmem:$0x1FB60];
	v19 =	vsel vm13, v43, v19;
	v57 =	vpop (erf);
	(erf) = vpow2.f32 v56;
	v60 =	vsel vm12, $0x5, v54  }
0x144: {  	v34 =	vld [tilespmem:$0x1FB50];
	vm13 =	vnez.u8 v61;
	v43 =	vimm.s32 $0x0;
	vm6 =	vgt.f32 v22, v20  }
0x145: {  	v40 =	vld [tilespmem:$0x1FB80];
	v21 =	vadd.f32 v50, v52;
	v19 =	vsel vm8, $0x5, v19;
	v25 =	vsel vm6, $0xFFFFFFFF, v55  }
0x146: {  	v52 =	vld [tilespmem:$0x1FBE0];
	v20 =	vsel vm6, v22, v20;
	v19 =	vsel vm12, v54, v19;
	vm8 =	vnez.u8 v39  }
0x147: {  	v49 =	vld [tilespmem:$0x1FBC0];
	v20 =	vsel vm5, v27, v20;
	v21 =	vadd.f32 v21, v57;
	v19 =	vsel vm13, $0x6, v19  }
0x148: {  	v47 =	vld [tilespmem:$0x1FBB0];
	vm6 =	vnez.u8 v38;
	vm13 =	vnez.u8 v44;
	vm9 =	vgt.f32 v24, v20;
	v62 =	vpop (erf)  }
0x149: {  	v58 =	vld [tilespmem:$0x1FC20];
	v22 =	vsel vm9, $0xFFFFFFFF, v59;
	v20 =	vsel vm9, v24, v20;
	v63 =	vadd.f32 v21, v62  }
0x14a: {  	v50 =	vld [tilespmem:$0x1FBD0];
	vm9 =	vnez.u8 v40;
	v20 =	vsel vm4, v29, v20;
	vm4 =	vnez.u8 v34  }
0x14b: {  	[tilespmem:$0x1FF50] =	vst v36;
	v29 =	vld [tilespmem:$0x1FB40];
	v36 =	vpop (erf);
	vm0 =	vmand vm9, vm8;
	vm9 =	vnez.u8 v52;
	v19 =	vsel vm4, v60, v19  }
0x14c: {  	v54 =	vld [tilespmem:$0x1FBF0];
	vm5 =	vgt.f32 v26, v20;
	v23 =	vsel vm4, $0x6, v60;
	v24 =	vadd.f32 v63, v36  }
0x14d: {  	v45 =	vld [tilespmem:$0x1FBA0];
	v42 =	vsel vm0, $0x1, v0;
	vm4 =	vnez.u8 v47;
	v20 =	vsel vm5, v26, v20  }
0x14e: {  	v55 =	vld [tilespmem:$0x1FC00];
	v41 =	vpop (erf);
	v27 =	vsel vm5, $0xFFFFFFFF, v37;
	v19 =	vsel vm6, $0x7, v19;
	v20 =	vsel vm3, v31, v20  }
0x14f: {  	v56 =	vld [tilespmem:$0x1FC10];
	vm5 =	vnez.u8 v49;
	v24 =	vadd.f32 v24, v41;
	vm12 =	vgt.f32 v28, v20  }
0x150: {  	v61 =	vld [tilespmem:$0x1FC50];
	[tilespmem:$0x1FF70] =	vst v25;
	v46 =	vpop (erf);
	vm6 =	vnez.u8 v50;
	vm15 =	vnez.u8 v29;
	v25 =	vsel vm12, $0xFFFFFFFF, v43  }
0x151: {  	[tilespmem:$0x1FF90] =	vst v22;
	v31 =	vld [tilespmem:$0xF0];
	v20 =	vsel vm12, v28, v20;
	v24 =	vadd.f32 v24, v46;
	vm12 =	vnez.u8 v54  }
0x152: {  	v29 =	vld [tilespmem:$0x70];
	v21 =	vsel vm15, v32, v33;
	v22 =	vsel vm15, $0x7, v32;
	[tilespmem:$0x1FFE0] =	vst v25;
	v25 =	vsel vm13, $0x1, v0  }
0x153: {  	v59 =	vld [tilespmem:$0x1FC30];
	v48 =	vpop (erf);
	vm15 =	vnez.u8 v45;
	v20 =	vsel vm2, v30, v20;
	vm13 =	vnez.u8 v55  }
0x154: {  	v62 =	vld [tilespmem:$0x1FC60];
	v26 =	vsel vm15, $0x2, v42;
	v20 =	vsub.f32 v20, v35;
	v24 =	vadd.f32 v24, v48  }
0x155: {  	v60 =	vld [tilespmem:$0x1FC40];
	v26 =	vsel vm14, v25, v26;
	v25 =	vsel vm14, $0x2, v25;
	vm14 =	vnez.u8 v56  }
0x156: {  	v34 =	vld [tilespmem:$0x2F0];
	v26 =	vsel vm4, $0x3, v26;
	v20 =	vmul.f32 $1.442695020e+00, v20;
	(erf) = vrcp.f32 v24  }
0x157: {  	v28 =	vld [tilespmem:$0x170];
	v26 =	vsel vm5, v25, v26;
	v25 =	vsel vm5, $0x3, v25;
	vm8 =	vgt.f32 v31, v29  }
0x158: {  	[tilespmem:$0x1FFC0] =	vst v27;
	v43 =	vld [tilespmem:$0x1FC70];
	vm5 =	vnez.u8 v58;
	v26 =	vsel vm6, $0x4, v26;
	v27 =	vsel vm8, $0xFFFFFFFF, v51  }
0x159: {  	v36 =	vld [tilespmem:$0x370];
	vm15 =	vmneg vm8;
	v53 =	vsel vm9, $0x4, v25;
	(erf) = vpow2.f32 v20  }
0x15a: {  	v45 =	vld [tilespmem:$0x1FC80];
	vm6 =	vnez.u8 v59;
	vm8 =	vnez.u8 v60;
	v24 =	vsel vm9, v25, v26  }
0x15b: {  	v30 =	vld [tilespmem:$0x1F0];
	v33 =	vsel vm15, v29, v31;
	v25 =	vsel vm13, $0x7, v23;
	v57 =	vsel vm14, $0x5, v53  }
0x15c: {  	v46 =	vld [tilespmem:$0x1FC90];
	vm9 =	vnez.u8 v61;
	v20 =	vsel vm12, $0x5, v24;
	v24 =	vsel vm13, v23, v19  }
0x15d: {  	v49 =	vld [tilespmem:$0x1FCA0];
	vm4 =	vgt.f32 v28, v33;
	vm12 =	vnez.u8 v62;
	vm13 =	vnez.u8 v43  }
0x15e: {  	v54 =	vld [tilespmem:$0x1FCF0];
	v19 =	vsel vm14, v53, v20;
	v35 =	vsel vm4, v28, v33;
	v20 =	vsel vm6, $0x6, v57  }
0x15f: {  	v32 =	vld [tilespmem:$0x270];
	vm1 =	vmand vm12, vm9;
	v44 =	vsel vm13, $0x1, v0;
	vm14 =	vnez.u8 v45  }
0x160: {  	v51 =	vld [tilespmem:$0x1FCC0];
	v19 =	vsel vm5, $0x6, v19;
	vm2 =	vgt.f32 v30, v35;
	v63 =	vsel vm1, $0x1, v0  }
0x161: {  	v43 =	vld [tilespmem:$0x1FCB0];
	vm5 =	vnez.u8 v46;
	v48 =	vsel vm11, $0x2, v44;
	v19 =	vsel vm6, v57, v19  }
0x162: {  	[tilespmem:$0x1FFA0] =	vst v27;
	v45 =	vld [tilespmem:$0x1FCD0];
	v37 =	vsel vm2, v30, v35;
	v23 =	vsel vm14, $0x2, v63;
	v27 =	vsel vm5, $0x7, v20  }
0x163: {  	v46 =	vld [tilespmem:$0x1FCE0];
	vm6 =	vnez.u8 v49;
	vm14 =	vnez.u8 v54;
	v19 =	vsel vm8, $0x7, v19  }
0x164: {  	vm8 =	vgt.f32 v32, v37;
	v47 =	vsel vm11, v44, v23;
	v23 =	vsel vm7, $0x3, v48  }
0x165: {  	v39 =	vld [tilespmem:$0x3F0];
	v40 =	vsel vm8, v32, v37;
	v26 =	vsel vm5, v20, v19;
	v20 =	vsel vm6, $0x3, v47  }
0x166: {  	v60 =	vld [tilespmem:$0x1FD20];
	vm11 =	vnez.u8 v51;
	vm9 =	vgt.f32 v34, v40;
	v42 =	vsel vm7, v48, v20  }
0x167: {  	v47 =	vld [tilespmem:$0x1FD00];
	vm7 =	vnez.u8 v43;
	vm12 =	vnez.u8 v45;
	v41 =	vsel vm9, v34, v40  }
0x168: {  	v49 =	vld [tilespmem:$0x1FD40];
	v19 =	vpop (erf);
	v42 =	vsel vm7, $0x4, v42;
	vm13 =	vnez.u8 v46;
	vm5 =	vgt.f32 v36, v41  }
0x169: {  	v50 =	vpop (erf);
	v42 =	vsel vm11, v23, v42;
	v23 =	vsel vm11, $0x4, v23;
	vm11 =	vlt.f32 v31, $-Inf  }
0x16a: {  	v61 =	vld [tilespmem:$0x1FD30];
	v20 =	vmul.f32 v19, v50;
	v38 =	vsel vm5, v36, v41;
	v42 =	vsel vm12, $0x5, v42  }
0x16b: {  	vm12 =	vgt.f32 v31, $-Inf;
	vm3 =	vgt.f32 v39, v38;
	v42 =	vsel vm13, v23, v42  }
0x16c: {  	v23 =	vsel vm13, $0x5, v23;
	vm1 =	vnez.u8 v47;
	vm12 =	vmor vm12, vm11  }
0x16d: {  	v51 =	vld [tilespmem:$0x1FD50];
	vm13 =	vnez.u8 v60;
	vm11 =	vnez.u8 v49;
	v52 =	vadd.f32 v20, v19  }
0x16e: {  	v44 =	vsel vm3, v39, v38;
	v42 =	vsel vm14, $0x6, v42;
	v47 =	vsel vm1, $0x6, v23  }
0x16f: {  	vm14 =	vnez.u8 v61;
	v53 =	vsub.f32 v29, v44;
	v55 =	vsub.f32 v31, v44  }
0x170: {  	v42 =	vsel vm1, v23, v42;
	v57 =	vsub.f32 v28, v44;
	v31 =	vnsel vm12, $0xFF800000, v31  }
0x171: {  	vm1 =	vmand vm14, vm13;
	v43 =	vadd.f32 $9.999999680e-21, v52;
	v29 =	vsel vm15, v31, v29  }
0x172: {  	vm13 =	vnez.u8 v51;
	v45 =	vmul.f32 $1.442695020e+00, v53;
	vm14 =	vgt.f32 v28, v29  }
0x173: {  	v63 =	vsel vm1, $0x1, v0;
	(erf) = vrcp.f32 v43;
	v28 =	vsel vm14, v28, v29  }
0x174: {  	v58 =	vld [tilespmem:$0x1FD10];
	v56 =	vmul.f32 $1.442695020e+00, v55;
	(erf) = vpow2.f32 v45;
	v28 =	vsel vm4, v33, v28  }
0x175: {  	v62 =	vsub.f32 v30, v44;
	v52 =	vsel vm13, $0x2, v63;
	vm13 =	vgt.f32 v30, v28  }
0x176: {  	v59 =	vmul.f32 $1.442695020e+00, v57;
	(erf) = vpow2.f32 v56;
	v28 =	vsel vm13, v30, v28  }
0x177: {  	v48 =	vsub.f32 v32, v44;
	v46 =	vmul.f32 $1.442695020e+00, v62;
	v28 =	vsel vm2, v35, v28  }
0x178: {  	v43 =	vsel vm11, $0x1, v0;
	(erf) = vpow2.f32 v59;
	vm11 =	vgt.f32 v32, v28  }
0x179: {  	vm7 =	vnez.u8 v58;
	v50 =	vsub.f32 v34, v44;
	v28 =	vsel vm11, v32, v28  }
0x17a: {  	v61 =	vld [tilespmem:$0x1FD60];
	v31 =	vmul.f32 $1.442695020e+00, v48;
	(erf) = vpow2.f32 v46;
	v28 =	vsel vm8, v37, v28  }
0x17b: {  	v62 =	vld [tilespmem:$0x1FD70];
	v56 =	vsel vm10, v43, v52;
	v43 =	vsel vm10, $0x2, v43;
	vm10 =	vgt.f32 v34, v28  }
0x17c: {  	v63 =	vld [tilespmem:$0x1FD80];
	v29 =	vmul.f32 $1.442695020e+00, v50;
	v23 =	vpop (erf);
	(erf) = vpow2.f32 v31;
	v28 =	vsel vm10, v34, v28  }
0x17d: {  	v54 =	vsub.f32 v36, v44;
	v58 =	vsub.f32 v39, v44;
	v53 =	vpop (erf);
	v28 =	vsel vm9, v40, v28;
	v40 =	vld [tilespmem:$0x1FD90]  }
0x17e: {  	v42 =	vsel vm7, $0x7, v42;
	(erf) = vpow2.f32 v29;
	v55 =	vadd.f32 $0.0e+00, v53  }
0x17f: {  	v60 =	vmul.f32 $1.442695020e+00, v58;
	vm6 =	vnez.u8 v61;
	v45 =	vld [tilespmem:$0x1FDA0];
	v31 =	vmul.f32 $1.442695020e+00, v54;
	v57 =	vpop (erf)  }
0x180: {  	v30 =	vsel vm6, $0x3, v56;
	vm7 =	vnez.u8 v62;
	v46 =	vld [tilespmem:$0x1FDB0];
	v29 =	vadd.f32 v55, v57  }
0x181: {  	vm6 =	vnez.u8 v63;
	v30 =	vsel vm7, v43, v30;
	(erf) = vpow2.f32 v31;
	v59 =	vpop (erf)  }
0x182: {  	v48 =	vld [tilespmem:$0x1FDD0];
	v31 =	vsel vm7, $0x3, v43;
	v29 =	vadd.f32 v29, v59;
	vm7 =	vnez.u8 v40  }
0x183: {  	v30 =	vsel vm6, $0x4, v30;
	v37 =	vpop (erf);
	v33 =	vsel vm7, v47, v42;
	v32 =	vsel vm7, $0x7, v47;
	v47 =	vld [tilespmem:$0x1FDC0]  }
0x184: {  	v51 =	vld [tilespmem:$0x1FDE0];
	vm0 =	vnez.u8 v45;
	(erf) = vpow2.f32 v60;
	v29 =	vadd.f32 v29, v37  }
0x185: {  	v8 =	vmul.f32 v9, v8;
	v52 =	vld [tilespmem:$0x1FDF0];
	vm6 =	vnez.u8 v46;
	v30 =	vsel vm0, v31, v30;
	v43 =	vpop (erf)  }
0x186: {  	v54 =	vld [tilespmem:$0x1FE00];
	v31 =	vsel vm0, $0x4, v31;
	vm7 =	vgt.f32 v36, v28;
	v29 =	vadd.f32 v29, v43  }
0x187: {  	v3 =	vld [tilespmem:$0x1FE40];
	v30 =	vsel vm6, $0x5, v30;
	vm6 =	vnez.u8 v48;
	v28 =	vsel vm7, v36, v28;
	v49 =	vpop (erf)  }
0x188: {  	v55 =	vld [tilespmem:$0x1FE10];
	v28 =	vsel vm5, v41, v28;
	vm0 =	vnez.u8 v47;
	v29 =	vadd.f32 v29, v49  }
0x189: {  	v57 =	vld [tilespmem:$0x1FE20];
	vm1 =	vmand vm6, vm0;
	vm6 =	vgt.f32 v39, v28;
	vm0 =	vnez.u8 v51  }
0x18a: {  	v58 =	vld [tilespmem:$0x1FE30];
	v50 =	vsel vm1, $0x1, v0;
	v34 =	vsel vm0, $0x1, v0;
	vm0 =	vnez.u8 v52  }
0x18b: {  	[tilespmem:$0x580] =	vst v2;
	v2 =	vld [tilespmem:$0x1FE80];
	v53 =	vpop (erf);
	v28 =	vsel vm6, v39, v28;
	v35 =	vsel vm0, $0x2, v50;
	vm0 =	vnez.u8 v54  }
0x18c: {  	[tilespmem:$0x500] =	vst v1;
	v1 =	vld [tilespmem:$0x1FE50];
	v29 =	vadd.f32 v29, v53;
	v28 =	vsel vm3, v38, v28;
	v35 =	vsel vm0, v34, v35  }
0x18d: {  	v61 =	vld [tilespmem:$0x1FE60];
	v56 =	vpop (erf);
	v34 =	vsel vm0, $0x2, v34;
	vm0 =	vnez.u8 v55;
	v28 =	vsub.f32 v28, v44  }
0x18e: {  	v63 =	vld [tilespmem:$0x1FE70];
	v29 =	vadd.f32 v29, v56;
	v35 =	vsel vm0, $0x3, v35;
	vm0 =	vnez.u8 v57  }
0x18f: {  	v36 =	vld [tilespmem:$0x1FEF0];
	v35 =	vsel vm0, v34, v35;
	v34 =	vsel vm0, $0x3, v34;
	vm0 =	vnez.u8 v58  }
0x190: {  	v59 =	vmul.f32 $1.442695020e+00, v28;
	v28 =	vld [tilespmem:$0x1FE90];
	v35 =	vsel vm0, $0x4, v35;
	vm0 =	vnez.u8 v3  }
0x191: {  	vm1 =	vnez.u8 v1;
	(erf) = vrcp.f32 v29;
	v29 =	vld [tilespmem:$0x1FEA0];
	v3 =	vsel vm0, v31, v30  }
0x192: {  	v60 =	vsel vm0, $0x5, v31;
	(erf) = vpow2.f32 v59;
	vm0 =	vnez.u8 v61;
	v30 =	vld [tilespmem:$0x1FEB0]  }
0x193: {  	v1 =	vsel vm1, v34, v35;
	v31 =	vld [tilespmem:$0x1FEC0];
	v3 =	vsel vm0, $0x6, v3;
	vm0 =	vnez.u8 v63  }
0x194: {  	v62 =	vsel vm1, $0x4, v34;
	v34 =	vld [tilespmem:$0x1FED0];
	v1 =	vsel vm0, $0x5, v1;
	vm0 =	vnez.u8 v2  }
0x195: {  	v35 =	vld [tilespmem:$0x1FEE0];
	v1 =	vsel vm0, v62, v1;
	v2 =	vsel vm0, $0x5, v62;
	vm0 =	vnez.u8 v28  }
0x196: {  	v10 =	vmul.f32 v12, v10;
	v43 =	vld [tilespmem:$0x1FF40];
	v1 =	vsel vm0, $0x6, v1;
	vm0 =	vnez.u8 v29  }
0x197: {  	v38 =	vld [tilespmem:$0x1FF00];
	v3 =	vsel vm0, v60, v3;
	v6 =	vsel vm0, $0x6, v60;
	vm0 =	vnez.u8 v30  }
0x198: {  	v46 =	vmul.f32 v12, v11;
	v39 =	vld [tilespmem:$0x1FF10];
	v3 =	vsel vm0, $0x7, v3;
	vm0 =	vnez.u8 v31  }
0x199: {  	[tilespmem:$0x510] =	vst v4;
	v40 =	vld [tilespmem:$0x1FF20];
	v1 =	vsel vm0, v2, v1;
	v2 =	vsel vm0, $0x6, v2;
	vm0 =	vnez.u8 v34  }
0x19a: {  	[tilespmem:$0x590] =	vst v5;
	v42 =	vld [tilespmem:$0x1FF30];
	vm1 =	vnez.u8 v36;
	v41 =	vpop (erf);
	v1 =	vsel vm0, $0x7, v1;
	vm0 =	vnez.u8 v35  }
0x19b: {  	[tilespmem:$0x520] =	vst v7;
	v54 =	vmul.f32 v15, v13;
	v62 =	vmul.f32 v23, v20;
	vm0 =	vmand vm1, vm0;
	v45 =	vpop (erf)  }
0x19c: {  	[tilespmem:$0x5A0] =	vst v8;
	v44 =	vld [tilespmem:$0x1FF50];
	v37 =	vsel vm0, $0x1, v0;
	vm0 =	vnez.u8 v38;
	v7 =	vmul.f32 v41, v45  }
0x19d: {  	[tilespmem:$0x5B0] =	vst v10;
	v47 =	vld [tilespmem:$0x1FF60];
	vm1 =	vnez.u8 v43;
	v5 =	vsel vm0, $0x1, v0;
	vm0 =	vnez.u8 v39  }
0x19e: {  	[tilespmem:$0x400] =	vst v22;
	v4 =	vsel vm0, $0x2, v37;
	vm0 =	vnez.u8 v40;
	v50 =	vadd.f32 v7, v41  }
0x19f: {  	[tilespmem:$0x480] =	vst v21;
	v48 =	vld [tilespmem:$0x1FF70];
	v3 =	vsel vm0, v6, v3;
	v6 =	vsel vm0, $0x7, v6;
	vm0 =	vnez.u8 v42  }
0x1a0: {  	[tilespmem:$0x410] =	vst v25;
	v49 =	vld [tilespmem:$0x1FF80];
	v4 =	vsel vm1, v5, v4;
	v5 =	vsel vm1, $0x2, v5;
	v1 =	vsel vm0, v2, v1  }
0x1a1: {  	v51 =	vld [tilespmem:$0x1FF90];
	v2 =	vsel vm0, $0x7, v2;
	vm0 =	vnez.u8 v44;
	v8 =	vadd.f32 $9.999999680e-21, v50;
	[tilespmem:$0x4C0] =	vst v3  }
0x1a2: {  	v53 =	vld [tilespmem:$0x1FFA0];
	v3 =	vmul.f32 v15, v14;
	v4 =	vsel vm0, $0x3, v4;
	vm0 =	vnez.u8 v47;
	[tilespmem:$0x450] =	vst v2  }
0x1a3: {  	v55 =	vld [tilespmem:$0x1FFB0];
	v2 =	vmul.f32 v18, v16;
	[tilespmem:$0x4D0] =	vst v1;
	v1 =	vmul.f32 v18, v17;
	v4 =	vsel vm0, v5, v4  }
0x1a4: {  	[tilespmem:$0x490] =	vst v24;
	v57 =	vld [tilespmem:$0x1FFC0];
	v5 =	vsel vm0, $0x3, v5;
	vm0 =	vnez.u8 v48;
	(erf) = vrcp.f32 v8  }
0x1a5: {  	[tilespmem:$0x420] =	vst v27;
	v4 =	vsel vm0, $0x4, v4;
	vm0 =	vmand vm15, vm12;
	vm12 =	vnez.u8 v49  }
0x1a6: {  	[tilespmem:$0x4A0] =	vst v26;
	v60 =	vld [tilespmem:$0x1FFD0];
	vm15 =	vnez.u8 v51;
	v4 =	vsel vm12, v5, v4;
	v5 =	vsel vm12, $0x4, v5  }
0x1a7: {  	[tilespmem:$0x530] =	vst v46;
	v52 =	vsel vm0, $0x1, v0;
	vm12 =	vnez.u8 v53;
	v4 =	vsel vm15, $0x5, v4  }
0x1a8: {  	[tilespmem:$0x5D0] =	vst v1;
	v1 =	vld [tilespmem:$0x1FFF0];
	v10 =	vsel vm12, $0x1, v0;
	v11 =	vsel vm14, $0x2, v52;
	vm15 =	vnez.u8 v55  }
0x1a9: {  	[tilespmem:$0x430] =	vst v32;
	vm12 =	vnez.u8 v57;
	v4 =	vsel vm15, v5, v4;
	v56 =	vsel vm4, v10, v11  }
0x1aa: {  	v61 =	vld [tilespmem:$0x1FFE0];
	[tilespmem:$0x440] =	vst v6;
	v5 =	vsel vm15, $0x5, v5;
	v58 =	vsel vm4, $0x2, v10;
	v6 =	vsel vm13, $0x3, v56  }
0x1ab: {  	[tilespmem:$0x5C0] =	vst v3;
	v4 =	vsel vm12, $0x6, v4;
	vm13 =	vnez.u8 v60;
	v3 =	vsel vm2, v58, v6  }
0x1ac: {  	[tilespmem:$0x4B0] =	vst v33;
	v59 =	vsel vm2, $0x3, v58;
	v4 =	vsel vm13, v5, v4;
	v3 =	vsel vm11, $0x4, v3  }
0x1ad: {  	[tilespmem:$0x550] =	vst v2;
	v5 =	vsel vm13, $0x6, v5;
	vm15 =	vnez.u8 v1;
	v2 =	vsel vm8, v59, v3  }
0x1ae: {  	[tilespmem:$0x540] =	vst v54;
	v1 =	vsel vm15, $0x7, v5;
	v3 =	vsel vm8, $0x4, v59;
	v2 =	vsel vm10, $0x5, v2  }
0x1af: {  	vm14 =	vnez.u8 v61;
	[tilespmem:$0x460] =	vst v1;
	v1 =	vmul.f32 v23, v19;
	v2 =	vsel vm9, v3, v2  }
0x1b0: {  	[tilespmem:$0x5E0] =	vst v62;
	v4 =	vsel vm14, $0x7, v4;
	v3 =	vsel vm9, $0x5, v3;
	v2 =	vsel vm7, $0x6, v2  }
0x1b1: {  	v4 =	vsel vm15, v5, v4;
	[tilespmem:$0x560] =	vst v1;
	v1 =	vsel vm5, v3, v2;
	v2 =	vsel vm5, $0x6, v3  }
0x1b2: {  	[tilespmem:$0x4E0] =	vst v4;
	v63 =	vpop (erf);
	v1 =	vsel vm6, $0x7, v1;
	v3 =	vsel vm3, $0x7, v2  }
0x1b3: {  	v1 =	vsel vm3, v2, v1;
	[tilespmem:$0x470] =	vst v3;
	v2 =	vmul.f32 v63, v41  }
0x1b4: {  	[tilespmem:$0x4F0] =	vst v1;
	v1 =	vmul.f32 v63, v7  }
0x1b5: {  	[tilespmem:$0x570] =	vst v2  }
0x1b6: {  	[tilespmem:$0x5F0] =	vst v1  }
0x1b7: {  	[hbm4b:s4+s2] =	stream.linear.scatter [tilespmem:s10], [sflag:$0x1], $0x80, $0x38;
	[tilespmem:$0x600] =	vst v63  }
0x1b8: {  	_ =	swait.ge [sflag:s9], $0x80  }
0x1b9: {  	[sflag:s9] =	ssyncset.done $0x0  }
0x1ba: {  	[sflag:s9] =	ssyncadd.s32 $0xFFFFFF80  }
0x1bb: {  	[hbm4b:s5+s2] =	stream.linear.scatter [tilespmem:s11], [sflag:$0x1], $0x80, $0x38;
	[tilespmem:$0x600] =	vst v63  }
0x1bc: {  	_ =	swait.ge [sflag:s9], $0x80  }
0x1bd: {  	[sflag:s9] =	ssyncset.done $0x0  }
0x1be: {  	[sflag:s9] =	ssyncadd.s32 $0xFFFFFF80  }
0x1bf: {  	[hbm4b:s6+s2] =	stream.linear.scatter [tilespmem:s12], [sflag:$0x1], $0x80, $0x38;
	[tilespmem:$0x600] =	vst v63  }
0x1c0: {  	_ =	swait.ge [sflag:s9], $0x80  }
0x1c1: {  	p0 =	sne.s32 s8, $0x1;
	[sflag:s9] =	ssyncset.done $0x0  }
.Ltmp0:
0x1c2: {  	[sflag:s9] =	ssyncadd.s32 $0xFFFFFF80;
	(pc) =	sbr.rel @p0 .LBB2_1-.Ltmp0, $4  }
0x1c3: {  	[hbm4b:s7+s2] =	stream.linear.scatter [tilespmem:s13], [sflag:$0x1], $0x80, $0x38;
	[tilespmem:$0x600] =	vst v63  }
0x1c4: {  	_ =	swait.ge [sflag:s9], $0x80  }
0x1c5: {  	[sflag:s9] =	ssyncset.done $0x0  }
0x1c6: {  	s8 =	sadd.s32 $0xFFFFFFFF, s8;
	[sflag:s9] =	ssyncadd.s32 $0xFFFFFF80  }
0x1c7: {  	_ =	sfence.sel $0x180000  }
0x1c8: {  	[bflag:$0x0] =	sbarrier.arrive $0xFFFF  }
0x1c9: {  	p0 =	sne.s32 s1, $0x0;
	_ =	strace $0x90000047  }
0x1ca: {  	s0 =	sadd.s32 @!p0 $0x100000, s0;
	[bflag:$0x2] =	sbarrier.arrive $0xFFFF  }
0x1cb: {  	[sflag:s0] =	ssyncadd.tile.s32 @!p0 $0x1;
	_ =	shalt  }
.Lfunc_end2:
_tile_overlayer_lowered:
.L_overlay_start_2:
0x1cc: {  	(tag) =	ssettag $0x2  }
0x1cd: {  	s0 =	rddreg [dreg:$0x0];
	s2 =	stileid.u32  }
0x1ce: {  	s1 =	rddreg [dreg:$0x1];
	p0 =	sne.s32 s2, $0x0  }
0x1cf: {  	s3 =	rddreg [dreg:$0x2];
	[bflag:$0x3] =	sbarrier.arrive $0xFFFF;
	s2 =	simm.s32 @!p0 $0x1C01  }
0x1d0: {  	[timem:s3], [sflag:s2] =	dma.local @!p0 [hbm:s0], s1  }
0x1d1: {  	s0 =	simm.s32 @!p0 $0x1  }
0x1d2: {  	_ =	swait.ge @!p0 [sflag:s0], s1  }
0x1d3: {  	s1 =	ssub.s32 @!p0 $0x0, s1;
	[sflag:s0] =	ssyncset.done @!p0 $0x0  }
0x1d4: {  	[sflag:s0] =	ssyncadd.s32 @!p0 s1  }
0x1d5: {  	[bflag:$0x3] =	sbarrier.arrive $0xFFFF  }
0x1d6: {  	_ =	shalt  }

</sc_bundles>
